<compile_context>
chip_gen: v7x
topology: tpu7x:2x2x1
jax: 0.10.2.dev20260603
libtpu: 0.0.44.dev20260713+nightly
codegen_flags: <defaults>
</compile_context>

<pallas_src>
import jax
import jax.numpy as jnp
from jax import lax
from jax.experimental import pallas as pl
from jax.experimental.pallas import tpu as pltpu
from jax.experimental.pallas import tpu_sc as plsc

NU = 10000
NI = 10000
E = 320000
EMB = 128
HID = 128

NPAD = 10240
RPT = NPAD // 16
K = 128
CHUNKS = 160
EPT = CHUNKS * K
EPAD = EPT * 16
NBUF = 2
NBLK = 40
BLK = NPAD // NBLK
GPW = NPAD // 32
GK = 80


def _embed_hist_body(ids_ref, utab_ref, itab_ref, dst_ref,
                     z_ref, cnt_ref,
                     idx_v, idx2_v, idx3_v, idx4_v, gidx_v, grow_v, ones_v,
                     zrow_v, cacc_sh, sem, hx0, hx1, hs0, hs1):
    c = lax.axis_index("c")
    s = lax.axis_index("s")
    wid = c * 16 + s
    zeros16 = jnp.zeros((16,), jnp.float32)
    ones16 = jnp.ones((16,), jnp.float32)

    def obody(i, _):
        ones_v[pl.ds(i * 16, 16)] = ones16
        return 0
    lax.fori_loop(0, K // 16, obody, 0)

    def zcbody(i, _):
        zrow_v[pl.ds(i * 16, 16)] = zeros16
        return 0
    lax.fori_loop(0, RPT // 16, zcbody, 0)
    pltpu.sync_copy(zrow_v, cacc_sh.at[pl.ds(s * RPT, RPT)])
    plsc.subcore_barrier()

    for j in range(GPW // GK):
        base = wid * GPW + j * GK
        pltpu.sync_copy(ids_ref.at[pl.ds(base, GK)], gidx_v)
        pltpu.async_copy(utab_ref.at[gidx_v], grow_v, sem).wait()
        pltpu.sync_copy(grow_v, z_ref.at[pl.ds(base, GK)])
    for j in range(GPW // GK):
        base = NPAD + wid * GPW + j * GK
        pltpu.sync_copy(ids_ref.at[pl.ds(base, GK)], gidx_v)
        pltpu.async_copy(itab_ref.at[gidx_v], grow_v, sem).wait()
        pltpu.sync_copy(grow_v, z_ref.at[pl.ds(base, GK)])

    def hbody(pr, _):
        off0 = c * EPAD + s * EPT + (4 * pr) * K
        a0 = pltpu.async_copy(dst_ref.at[pl.ds(off0, K)], idx_v, hx0)
        a1 = pltpu.async_copy(dst_ref.at[pl.ds(off0 + K, K)], idx2_v, hx1)
        a2 = pltpu.async_copy(dst_ref.at[pl.ds(off0 + 2 * K, K)], idx3_v,
                              hx0)
        a3 = pltpu.async_copy(dst_ref.at[pl.ds(off0 + 3 * K, K)], idx4_v,
                              hx1)
        a0.wait()
        h0 = pltpu.async_copy(ones_v, cacc_sh.at[idx_v], hs0, add=True)
        a1.wait()
        h1 = pltpu.async_copy(ones_v, cacc_sh.at[idx2_v], hs1, add=True)
        h0.wait()
        a2.wait()
        h2 = pltpu.async_copy(ones_v, cacc_sh.at[idx3_v], hs0, add=True)
        h1.wait()
        a3.wait()
        h3 = pltpu.async_copy(ones_v, cacc_sh.at[idx4_v], hs1, add=True)
        h2.wait()
        h3.wait()
        return 0
    lax.fori_loop(0, CHUNKS // 4, hbody, 0)

    plsc.subcore_barrier()
    pltpu.sync_copy(cacc_sh.at[pl.ds(s * RPT, RPT)],
                    cnt_ref.at[pl.ds(c * NPAD + s * RPT, RPT)])


def _segsum_body(t_ref, src_ref, dst_ref, s_out_ref,
                 isrc_v, idst_v, rows_v, isrc2_v, idst2_v, rows2_v,
                 isrc3_v, idst3_v, isrc4_v, idst4_v,
                 acc_sh, sem, sem2, ssem, ssem2, xsem0, xsem1, xsem2, xsem3):
    c = lax.axis_index("c")
    s = lax.axis_index("s")
    ebase = c * EPAD + s * EPT
    zeros16 = jnp.zeros((16,), jnp.float32)

    def zbody(i, _):
        for k in range(EMB // 16):
            rows_v[i, pl.ds(k * 16, 16)] = zeros16
        return 0
    lax.fori_loop(0, K, zbody, 0)
    for j in range(RPT // K):
        pltpu.sync_copy(rows_v, acc_sh.at[pl.ds(s * RPT + j * K, K)])
    plsc.subcore_barrier()

    def body(pr, _):
        off0 = ebase + (4 * pr) * K
        off1 = off0 + K
        off2 = off0 + 2 * K
        off3 = off0 + 3 * K
        a0 = pltpu.async_copy(src_ref.at[pl.ds(off0, K)], isrc_v, xsem0)
        b0 = pltpu.async_copy(dst_ref.at[pl.ds(off0, K)], idst_v, xsem1)
        a1 = pltpu.async_copy(src_ref.at[pl.ds(off1, K)], isrc2_v, xsem2)
        b1 = pltpu.async_copy(dst_ref.at[pl.ds(off1, K)], idst2_v, xsem3)
        a2 = pltpu.async_copy(src_ref.at[pl.ds(off2, K)], isrc3_v, xsem0)
        b2 = pltpu.async_copy(dst_ref.at[pl.ds(off2, K)], idst3_v, xsem1)
        a3 = pltpu.async_copy(src_ref.at[pl.ds(off3, K)], isrc4_v, xsem2)
        b3 = pltpu.async_copy(dst_ref.at[pl.ds(off3, K)], idst4_v, xsem3)
        a0.wait()
        g0 = pltpu.async_copy(t_ref.at[isrc_v], rows_v, sem)
        a1.wait()
        g1 = pltpu.async_copy(t_ref.at[isrc2_v], rows2_v, sem2)
        g0.wait()
        b0.wait()
        s0 = pltpu.async_copy(rows_v, acc_sh.at[idst_v], ssem, add=True)
        g1.wait()
        b1.wait()
        s1 = pltpu.async_copy(rows2_v, acc_sh.at[idst2_v], ssem2, add=True)
        s0.wait()
        a2.wait()
        g2 = pltpu.async_copy(t_ref.at[isrc3_v], rows_v, sem)
        s1.wait()
        a3.wait()
        g3 = pltpu.async_copy(t_ref.at[isrc4_v], rows2_v, sem2)
        g2.wait()
        b2.wait()
        s2 = pltpu.async_copy(rows_v, acc_sh.at[idst3_v], ssem, add=True)
        g3.wait()
        b3.wait()
        s3 = pltpu.async_copy(rows2_v, acc_sh.at[idst4_v], ssem2, add=True)
        s2.wait()
        s3.wait()
        return 0
    lax.fori_loop(0, CHUNKS // 4, body, 0)

    plsc.subcore_barrier()
    pltpu.sync_copy(acc_sh.at[pl.ds(s * RPT, RPT)],
                    s_out_ref.at[pl.ds(c * NPAD + s * RPT, RPT)])


def _dense_layer_body(s_ref, c_ref, z_ref,
                      wnu_ref, wsu_ref, bu_ref, wni_ref, wsi_ref, bi_ref,
                      h_ref):
    cu = jnp.clip(c_ref[1, 0, 0, :], 1.0, None)
    ci = jnp.clip(c_ref[0, 0, 0, :], 1.0, None)
    agg_u = s_ref[1] / cu[:, None]
    agg_i = s_ref[0] / ci[:, None]
    nu = (jnp.dot(agg_u, wnu_ref[...], preferred_element_type=jnp.float32)
          + jnp.dot(z_ref[0], wsu_ref[...], preferred_element_type=jnp.float32)
          + bu_ref[0, :])
    ni = (jnp.dot(agg_i, wni_ref[...], preferred_element_type=jnp.float32)
          + jnp.dot(z_ref[1], wsi_ref[...], preferred_element_type=jnp.float32)
          + bi_ref[0, :])
    h_ref[0] = jnp.maximum(nu, 0.0)
    h_ref[1] = jnp.maximum(ni, 0.0)


def _dense_final_body(s_ref, c_ref, z_ref,
                      wnu_ref, wsu_ref, bu_ref, wni_ref, wsi_ref, bi_ref,
                      wp_ref, bp_ref,
                      out_ref):
    cu = jnp.clip(c_ref[1, 0, 0, :], 1.0, None)
    ci = jnp.clip(c_ref[0, 0, 0, :], 1.0, None)
    agg_u = s_ref[1] / cu[:, None]
    agg_i = s_ref[0] / ci[:, None]
    nu = (jnp.dot(agg_u, wnu_ref[...], preferred_element_type=jnp.float32)
          + jnp.dot(z_ref[0], wsu_ref[...], preferred_element_type=jnp.float32)
          + bu_ref[0, :])
    ni = (jnp.dot(agg_i, wni_ref[...], preferred_element_type=jnp.float32)
          + jnp.dot(z_ref[1], wsi_ref[...], preferred_element_type=jnp.float32)
          + bi_ref[0, :])
    hu = jnp.maximum(nu, 0.0)
    hi = jnp.maximum(ni, 0.0)
    res = (jnp.sum(hu * wp_ref[0, :][None, :], axis=1)
           + jnp.sum(hi * wp_ref[1, :][None, :], axis=1)
           + bp_ref[0, 0])
    out_ref[0, 0, :] = res


def _sc_mesh():
    return plsc.VectorSubcoreMesh(core_axis_name="c", subcore_axis_name="s")


def _embed_hist(ids_all, user_table, item_table, dst_all):
    return pl.kernel(
        _embed_hist_body,
        out_type=(
            jax.ShapeDtypeStruct((2 * NPAD, EMB), jnp.float32),
            jax.ShapeDtypeStruct((2 * NPAD,), jnp.float32),
        ),
        mesh=_sc_mesh(),
        scratch_types=[
            pltpu.VMEM((K,), jnp.int32),
            pltpu.VMEM((K,), jnp.int32),
            pltpu.VMEM((K,), jnp.int32),
            pltpu.VMEM((K,), jnp.int32),
            pltpu.VMEM((GK,), jnp.int32),
            pltpu.VMEM((GK, EMB), jnp.float32),
            pltpu.VMEM((K,), jnp.float32),
            pltpu.VMEM((RPT,), jnp.float32),
            pltpu.VMEM_SHARED((NPAD,), jnp.float32),
            pltpu.SemaphoreType.DMA,
            pltpu.SemaphoreType.DMA,
            pltpu.SemaphoreType.DMA,
            pltpu.SemaphoreType.DMA,
            pltpu.SemaphoreType.DMA,
        ],
    )(ids_all, user_table, item_table, dst_all)


def _segsum(table_flat, src_all, dst_all):
    return pl.kernel(
        _segsum_body,
        out_type=jax.ShapeDtypeStruct((2 * NPAD, EMB), jnp.float32),
        mesh=_sc_mesh(),
        scratch_types=[
            pltpu.VMEM((K,), jnp.int32),
            pltpu.VMEM((K,), jnp.int32),
            pltpu.VMEM((K, EMB), jnp.float32),
            pltpu.VMEM((K,), jnp.int32),
            pltpu.VMEM((K,), jnp.int32),
            pltpu.VMEM((K, EMB), jnp.float32),
            pltpu.VMEM((K,), jnp.int32),
            pltpu.VMEM((K,), jnp.int32),
            pltpu.VMEM((K,), jnp.int32),
            pltpu.VMEM((K,), jnp.int32),
            pltpu.VMEM_SHARED((NPAD, EMB), jnp.float32),
            pltpu.SemaphoreType.DMA,
            pltpu.SemaphoreType.DMA,
            pltpu.SemaphoreType.DMA,
            pltpu.SemaphoreType.DMA,
            pltpu.SemaphoreType.DMA,
            pltpu.SemaphoreType.DMA,
            pltpu.SemaphoreType.DMA,
            pltpu.SemaphoreType.DMA,
        ],
    )(table_flat, src_all, dst_all)


def _dense_layer(S, C4, Z, Wnu, Wsu, bu, Wni, Wsi, bi):
    wspec = pl.BlockSpec((EMB, HID), lambda i: (0, 0))
    bspec = pl.BlockSpec((1, HID), lambda i: (0, 0))
    return pl.pallas_call(
        _dense_layer_body,
        grid=(NBLK,),
        in_specs=[
            pl.BlockSpec((2, BLK, EMB), lambda i: (0, i, 0)),
            pl.BlockSpec((2, 1, 1, BLK), lambda i: (0, i, 0, 0)),
            pl.BlockSpec((2, BLK, EMB), lambda i: (0, i, 0)),
            wspec, wspec, bspec, wspec, wspec, bspec,
        ],
        out_specs=pl.BlockSpec((2, BLK, HID), lambda i: (0, i, 0)),
        out_shape=jax.ShapeDtypeStruct((2, NPAD, HID), jnp.float32),
    )(S, C4, Z, Wnu, Wsu, bu, Wni, Wsi, bi)


def _dense_final(S, C4, Z, Wnu, Wsu, bu, Wni, Wsi, bi, Wp2, bp2):
    wspec = pl.BlockSpec((HID, HID), lambda i: (0, 0))
    bspec = pl.BlockSpec((1, HID), lambda i: (0, 0))
    return pl.pallas_call(
        _dense_final_body,
        grid=(NBLK,),
        in_specs=[
            pl.BlockSpec((2, BLK, HID), lambda i: (0, i, 0)),
            pl.BlockSpec((2, 1, 1, BLK), lambda i: (0, i, 0, 0)),
            pl.BlockSpec((2, BLK, HID), lambda i: (0, i, 0)),
            wspec, wspec, bspec, wspec, wspec, bspec,
            pl.BlockSpec((2, HID), lambda i: (0, 0)),
            bspec,
        ],
        out_specs=pl.BlockSpec((1, 1, BLK), lambda i: (i, 0, 0)),
        out_shape=jax.ShapeDtypeStruct((NBLK, 1, BLK), jnp.float32),
    )(S, C4, Z, Wnu, Wsu, bu, Wni, Wsi, bi, Wp2, bp2)


def kernel(user_ids, item_ids, edge_index_u2i, edge_index_i2u,
           user_table, item_table,
           Wn1_u2i, Ws1_u2i, b1_u2i, Wn1_i2u, Ws1_i2u, b1_i2u,
           Wn2_u2i, Ws2_u2i, b2_u2i, Wn2_i2u, Ws2_i2u, b2_i2u,
           Wp, bp):
    idpad = jnp.zeros((NPAD - NU,), jnp.int32)
    ids_all = jnp.concatenate([user_ids, idpad, item_ids, idpad])
    epad = EPAD - E
    srcfill = jnp.arange(epad, dtype=jnp.int32) % NPAD
    dstfill = NU + (jnp.arange(epad, dtype=jnp.int32) % (NPAD - NU))
    src_all = jnp.concatenate([
        edge_index_u2i[0], srcfill,
        edge_index_i2u[0] + NPAD, srcfill + NPAD,
    ])
    dst_all = jnp.concatenate([
        edge_index_u2i[1], dstfill,
        edge_index_i2u[1], dstfill,
    ])

    Zf, counts = _embed_hist(ids_all, user_table, item_table, dst_all)
    Z = Zf.reshape(2, NPAD, EMB)
    C4 = counts.reshape(2, NBLK, 1, BLK)

    b1u = b1_i2u.reshape(1, HID)
    b1i = b1_u2i.reshape(1, HID)
    b2u = b2_i2u.reshape(1, HID)
    b2i = b2_u2i.reshape(1, HID)
    Wp2 = Wp.reshape(2, HID)
    bp2 = jnp.broadcast_to(bp.reshape(1, 1), (1, HID))

    S1 = _segsum(Zf, src_all, dst_all).reshape(2, NPAD, EMB)
    H1 = _dense_layer(S1, C4, Z, Wn1_i2u, Ws1_i2u, b1u, Wn1_u2i, Ws1_u2i, b1i)
    S2 = _segsum(H1.reshape(2 * NPAD, HID), src_all, dst_all).reshape(2, NPAD, HID)
    out = _dense_final(S2, C4, H1, Wn2_i2u, Ws2_i2u, b2u,
                       Wn2_u2i, Ws2_u2i, b2i, Wp2, bp2)
    return out.reshape(NPAD, 1)[:NU]

# --- scband reference (transcript-rebuilt; emitter-appended) ---
"""Pipeline reference for scband-hetero-gnnrecommender-89481348645685 (READ-ONLY COPY).

The authoritative reference and input builder live on the scoring server;
editing this copy changes nothing except your own understanding.
"""

import jax, jax.numpy as jnp
import numpy as np

NU = 10000
NI = 10000
E = 320000
VOCAB = 100000
EMB = 128
HID = 128


def _segment_mean(data, seg, num):
    s = jax.ops.segment_sum(data, seg, num_segments=num)
    c = jax.ops.segment_sum(jnp.ones((data.shape[0], 1), data.dtype), seg, num_segments=num)
    return s / jnp.clip(c, 1.0, None)


def setup_inputs(seed: int = 0) -> dict:
    key = jax.random.key(seed)
    ks = jax.random.split(key, 24)
    inp = {}
    inp["user_ids"] = jax.random.randint(ks[0], (NU,), 0, VOCAB, dtype=jnp.int32)
    inp["item_ids"] = jax.random.randint(ks[1], (NI,), 0, VOCAB, dtype=jnp.int32)
    inp["edge_index_u2i"] = jax.random.randint(ks[2], (2, E), 0, NU, dtype=jnp.int32)
    inp["edge_index_i2u"] = jax.random.randint(ks[3], (2, E), 0, NI, dtype=jnp.int32)
    # learned parameters
    inp["user_table"] = jax.random.normal(ks[4], (VOCAB, EMB), dtype=jnp.float32) * 0.02
    inp["item_table"] = jax.random.normal(ks[5], (VOCAB, EMB), dtype=jnp.float32) * 0.02
    inp["Wn1_u2i"] = jax.random.normal(ks[6], (EMB, HID), dtype=jnp.float32) * 0.02
    inp["Ws1_u2i"] = jax.random.normal(ks[7], (EMB, HID), dtype=jnp.float32) * 0.02
    inp["b1_u2i"] = jnp.zeros((HID,), dtype=jnp.float32)
    inp["Wn1_i2u"] = jax.random.normal(ks[8], (EMB, HID), dtype=jnp.float32) * 0.02
    inp["Ws1_i2u"] = jax.random.normal(ks[9], (EMB, HID), dtype=jnp.float32) * 0.02
    inp["b1_i2u"] = jnp.zeros((HID,), dtype=jnp.float32)
    inp["Wn2_u2i"] = jax.random.normal(ks[10], (HID, HID), dtype=jnp.float32) * 0.02
    inp["Ws2_u2i"] = jax.random.normal(ks[11], (HID, HID), dtype=jnp.float32) * 0.02
    inp["b2_u2i"] = jnp.zeros((HID,), dtype=jnp.float32)
    inp["Wn2_i2u"] = jax.random.normal(ks[12], (HID, HID), dtype=jnp.float32) * 0.02
    inp["Ws2_i2u"] = jax.random.normal(ks[13], (HID, HID), dtype=jnp.float32) * 0.02
    inp["b2_i2u"] = jnp.zeros((HID,), dtype=jnp.float32)
    inp["Wp"] = jax.random.normal(ks[14], (2 * HID, 1), dtype=jnp.float32) * 0.02
    inp["bp"] = jnp.zeros((1,), dtype=jnp.float32)
    return inp


def reference(user_ids, item_ids, edge_index_u2i, edge_index_i2u,
              user_table, item_table,
              Wn1_u2i, Ws1_u2i, b1_u2i, Wn1_i2u, Ws1_i2u, b1_i2u,
              Wn2_u2i, Ws2_u2i, b2_u2i, Wn2_i2u, Ws2_i2u, b2_i2u,
              Wp, bp):
    # embedding lookup per node type (EmbeddingBagCollection with single-ID bags)
    xu = jnp.take(user_table, user_ids, axis=0)
    xi = jnp.take(item_table, item_ids, axis=0)
    # layer 1: HeteroConv of SAGEConv per edge type (mean aggregation)
    agg_i = _segment_mean(xu[edge_index_u2i[0]], edge_index_u2i[1], NI)
    agg_u = _segment_mean(xi[edge_index_i2u[0]], edge_index_i2u[1], NU)
    ni = agg_i @ Wn1_u2i + xi @ Ws1_u2i + b1_u2i
    nu = agg_u @ Wn1_i2u + xu @ Ws1_i2u + b1_i2u
    xu = jax.nn.relu(nu)
    xi = jax.nn.relu(ni)
    # layer 2
    agg_i = _segment_mean(xu[edge_index_u2i[0]], edge_index_u2i[1], NI)
    agg_u = _segment_mean(xi[edge_index_i2u[0]], edge_index_i2u[1], NU)
    ni = agg_i @ Wn2_u2i + xi @ Ws2_u2i + b2_u2i
    nu = agg_u @ Wn2_i2u + xu @ Ws2_i2u + b2_i2u
    xu = jax.nn.relu(nu)
    xi = jax.nn.relu(ni)
    combined = jnp.concatenate([xu, xi], axis=1)
    return combined @ Wp + bp

if __name__ == "__main__":
    import jax
    _d = setup_inputs()
    print(jax.jit(kernel)(*tuple(_d.values())))

</pallas_src>

<mosaic_0001>
#map = affine_map<(d0, d1) -> (0, 0)>
#map1 = affine_map<(d0, d1) -> (0)>
module attributes {stable_mosaic.version = 14 : i64} {
  func.func @_segsum_body(%arg0: i32, %arg1: i32, %arg2: memref<20480x128xf32, #tpu.memory_space<hbm>>, %arg3: memref<655360xi32, #tpu.memory_space<hbm>>, %arg4: memref<655360xi32, #tpu.memory_space<hbm>>, %arg5: memref<20480x128xf32, #tpu.memory_space<hbm>>, %arg6: memref<128xi32, #tpu.memory_space<vmem>>, %arg7: memref<128xi32, #tpu.memory_space<vmem>>, %arg8: memref<128x128xf32, #tpu.memory_space<vmem>>, %arg9: memref<128xi32, #tpu.memory_space<vmem>>, %arg10: memref<128xi32, #tpu.memory_space<vmem>>, %arg11: memref<128x128xf32, #tpu.memory_space<vmem>>, %arg12: memref<128xi32, #tpu.memory_space<vmem>>, %arg13: memref<128xi32, #tpu.memory_space<vmem>>, %arg14: memref<128xi32, #tpu.memory_space<vmem>>, %arg15: memref<128xi32, #tpu.memory_space<vmem>>, %arg16: memref<10240x128xf32, #tpu.memory_space<vmem_shared>>, %arg17: memref<!tpu.dma_semaphore, #tpu.memory_space<semaphore_mem>>, %arg18: memref<!tpu.dma_semaphore, #tpu.memory_space<semaphore_mem>>, %arg19: memref<!tpu.dma_semaphore, #tpu.memory_space<semaphore_mem>>, %arg20: memref<!tpu.dma_semaphore, #tpu.memory_space<semaphore_mem>>, %arg21: memref<!tpu.dma_semaphore, #tpu.memory_space<semaphore_mem>>, %arg22: memref<!tpu.dma_semaphore, #tpu.memory_space<semaphore_mem>>, %arg23: memref<!tpu.dma_semaphore, #tpu.memory_space<semaphore_mem>>, %arg24: memref<!tpu.dma_semaphore, #tpu.memory_space<semaphore_mem>>) attributes {dimension_semantics = [#tpu.dimension_semantics<core_parallel>, #tpu.dimension_semantics<subcore_parallel>], iteration_bounds = array<i64: 2, 16>, scalar_prefetch = 0 : i64, scratch_operands = 19 : i64, tpu.core_type = #tpu.core_type<sc_vector_subcore>, window_params = [{transform_indices = #map}, {transform_indices = #map1}, {transform_indices = #map1}, {transform_indices = #map}]} {
    %mul3A = arith.constant 327680 : i32
    %mul3A_0 = arith.muli %arg0, %mul3A : i32
    %mul3A_1 = arith.constant 20480 : i32
    %mul3A_2 = arith.muli %arg1, %mul3A_1 : i32
    %add3A = arith.addi %mul3A_0, %mul3A_2 : i32
    %broadcast_in_dim3A = arith.constant 0.000000e+00 : f32
    %broadcast_in_dim3A_3 = vector.broadcast %broadcast_in_dim3A : f32 to vector<16xf32>
    %scan3A = arith.constant 0 : i32
    %scan3A_4 = arith.constant 0 : i32
    %scan3A_5 = arith.constant 128 : i32
    %scan3A_6 = arith.addi %scan3A_4, %scan3A_5 : i32
    %scan3A_7 = arith.constant 1 : i32
    %scan3A_8 = scf.for %scan3A_45 = %scan3A_4 to %scan3A_6 step %scan3A_7 iter_args(%scan3A_46 = %scan3A) -> (i32)  : i32 {
      %swap3A = arith.index_cast %scan3A_45 : i32 to index
      %swap3A_47 = arith.constant 0 : index
      %swap3A_48 = tpu.vector_load %arg8[%swap3A, %swap3A_47] {strides = array<i32>} : memref<128x128xf32, #tpu.memory_space<vmem>>, vector<1x16xf32>,
      %swap3A_49 = vector.shape_cast %swap3A_48 : vector<1x16xf32> to vector<16xf32>
      %swap3A_50 = vector.shape_cast %broadcast_in_dim3A_3 : vector<16xf32> to vector<1x16xf32>
      tpu.vector_store %arg8[%swap3A, %swap3A_47], %swap3A_50 {strides = array<i32>} : memref<128x128xf32, #tpu.memory_space<vmem>>, vector<1x16xf32>,
      %swap3A_51 = arith.index_cast %scan3A_45 : i32 to index
      %swap3A_52 = arith.constant 16 : index
      %swap3A_53 = tpu.vector_load %arg8[%swap3A_51, %swap3A_52] {strides = array<i32>} : memref<128x128xf32, #tpu.memory_space<vmem>>, vector<1x16xf32>,
      %swap3A_54 = vector.shape_cast %swap3A_53 : vector<1x16xf32> to vector<16xf32>
      %swap3A_55 = vector.shape_cast %broadcast_in_dim3A_3 : vector<16xf32> to vector<1x16xf32>
      tpu.vector_store %arg8[%swap3A_51, %swap3A_52], %swap3A_55 {strides = array<i32>} : memref<128x128xf32, #tpu.memory_space<vmem>>, vector<1x16xf32>,
      %swap3A_56 = arith.index_cast %scan3A_45 : i32 to index
      %swap3A_57 = arith.constant 32 : index
      %swap3A_58 = tpu.vector_load %arg8[%swap3A_56, %swap3A_57] {strides = array<i32>} : memref<128x128xf32, #tpu.memory_space<vmem>>, vector<1x16xf32>,
      %swap3A_59 = vector.shape_cast %swap3A_58 : vector<1x16xf32> to vector<16xf32>
      %swap3A_60 = vector.shape_cast %broadcast_in_dim3A_3 : vector<16xf32> to vector<1x16xf32>
      tpu.vector_store %arg8[%swap3A_56, %swap3A_57], %swap3A_60 {strides = array<i32>} : memref<128x128xf32, #tpu.memory_space<vmem>>, vector<1x16xf32>,
      %swap3A_61 = arith.index_cast %scan3A_45 : i32 to index
      %swap3A_62 = arith.constant 48 : index
      %swap3A_63 = tpu.vector_load %arg8[%swap3A_61, %swap3A_62] {strides = array<i32>} : memref<128x128xf32, #tpu.memory_space<vmem>>, vector<1x16xf32>,
      %swap3A_64 = vector.shape_cast %swap3A_63 : vector<1x16xf32> to vector<16xf32>
      %swap3A_65 = vector.shape_cast %broadcast_in_dim3A_3 : vector<16xf32> to vector<1x16xf32>
      tpu.vector_store %arg8[%swap3A_61, %swap3A_62], %swap3A_65 {strides = array<i32>} : memref<128x128xf32, #tpu.memory_space<vmem>>, vector<1x16xf32>,
      %swap3A_66 = arith.index_cast %scan3A_45 : i32 to index
      %swap3A_67 = arith.constant 64 : index
      %swap3A_68 = tpu.vector_load %arg8[%swap3A_66, %swap3A_67] {strides = array<i32>} : memref<128x128xf32, #tpu.memory_space<vmem>>, vector<1x16xf32>,
      %swap3A_69 = vector.shape_cast %swap3A_68 : vector<1x16xf32> to vector<16xf32>
      %swap3A_70 = vector.shape_cast %broadcast_in_dim3A_3 : vector<16xf32> to vector<1x16xf32>
      tpu.vector_store %arg8[%swap3A_66, %swap3A_67], %swap3A_70 {strides = array<i32>} : memref<128x128xf32, #tpu.memory_space<vmem>>, vector<1x16xf32>,
      %swap3A_71 = arith.index_cast %scan3A_45 : i32 to index
      %swap3A_72 = arith.constant 80 : index
      %swap3A_73 = tpu.vector_load %arg8[%swap3A_71, %swap3A_72] {strides = array<i32>} : memref<128x128xf32, #tpu.memory_space<vmem>>, vector<1x16xf32>,
      %swap3A_74 = vector.shape_cast %swap3A_73 : vector<1x16xf32> to vector<16xf32>
      %swap3A_75 = vector.shape_cast %broadcast_in_dim3A_3 : vector<16xf32> to vector<1x16xf32>
      tpu.vector_store %arg8[%swap3A_71, %swap3A_72], %swap3A_75 {strides = array<i32>} : memref<128x128xf32, #tpu.memory_space<vmem>>, vector<1x16xf32>,
      %swap3A_76 = arith.index_cast %scan3A_45 : i32 to index
      %swap3A_77 = arith.constant 96 : index
      %swap3A_78 = tpu.vector_load %arg8[%swap3A_76, %swap3A_77] {strides = array<i32>} : memref<128x128xf32, #tpu.memory_space<vmem>>, vector<1x16xf32>,
      %swap3A_79 = vector.shape_cast %swap3A_78 : vector<1x16xf32> to vector<16xf32>
      %swap3A_80 = vector.shape_cast %broadcast_in_dim3A_3 : vector<16xf32> to vector<1x16xf32>
      tpu.vector_store %arg8[%swap3A_76, %swap3A_77], %swap3A_80 {strides = array<i32>} : memref<128x128xf32, #tpu.memory_space<vmem>>, vector<1x16xf32>,
      %swap3A_81 = arith.index_cast %scan3A_45 : i32 to index
      %swap3A_82 = arith.constant 112 : index
      %swap3A_83 = tpu.vector_load %arg8[%swap3A_81, %swap3A_82] {strides = array<i32>} : memref<128x128xf32, #tpu.memory_space<vmem>>, vector<1x16xf32>,
      %swap3A_84 = vector.shape_cast %swap3A_83 : vector<1x16xf32> to vector<16xf32>
      %swap3A_85 = vector.shape_cast %broadcast_in_dim3A_3 : vector<16xf32> to vector<1x16xf32>
      tpu.vector_store %arg8[%swap3A_81, %swap3A_82], %swap3A_85 {strides = array<i32>} : memref<128x128xf32, #tpu.memory_space<vmem>>, vector<1x16xf32>,
      %scan3A_86 = arith.constant 0 : i32
      scf.yield %scan3A_86 : i32
    }
    %scan3A_9 = arith.constant 128 : i32
    %mul3A_10 = arith.constant 640 : i32
    %mul3A_11 = arith.muli %arg1, %mul3A_10 : i32
    %add3A_12 = arith.constant 0 : i32
    %add3A_13 = arith.addi %mul3A_11, %add3A_12 : i32
    "tpu.region"() ({
      %run_scoped3A = tpu.sem_alloc : memref<!tpu.dma_semaphore, #tpu.memory_space<semaphore_mem>>
      %dma_start3A = arith.constant 0 : i32
      %dma_start3A_45 = tpu.memref_slice %arg16[%add3A_13, %dma_start3A] : memref<10240x128xf32, #tpu.memory_space<vmem_shared>> -> memref<128x128xf32, #tpu.memory_space<vmem_shared>>
      %dma_start3A_46 = arith.constant 0 : i32
      %dma_start3A_47 = tpu.memref_slice %arg16[%add3A_13, %dma_start3A_46] : memref<10240x128xf32, #tpu.memory_space<vmem_shared>> -> memref<128x128xf32, #tpu.memory_space<vmem_shared>>
      tpu.enqueue_dma source(%arg8 : memref<128x128xf32, #tpu.memory_space<vmem>>) target(%dma_start3A_47 : memref<128x128xf32, #tpu.memory_space<vmem_shared>>) target_semaphore(%run_scoped3A : memref<!tpu.dma_semaphore, #tpu.memory_space<semaphore_mem>>)
      %dma_wait3A = arith.constant 0 : i32
      %dma_wait3A_48 = tpu.memref_slice %arg16[%add3A_13, %dma_wait3A] : memref<10240x128xf32, #tpu.memory_space<vmem_shared>> -> memref<128x128xf32, #tpu.memory_space<vmem_shared>>
      %dma_wait3A_49 = arith.constant 0 : i32
      %dma_wait3A_50 = tpu.memref_slice %arg16[%add3A_13, %dma_wait3A_49] : memref<10240x128xf32, #tpu.memory_space<vmem_shared>> -> memref<128x128xf32, #tpu.memory_space<vmem_shared>>
      tpu.wait_dma2 semaphore(%run_scoped3A : memref<!tpu.dma_semaphore, #tpu.memory_space<semaphore_mem>>) src(%arg8 : memref<128x128xf32, #tpu.memory_space<vmem>>) dst(%dma_wait3A_50 : memref<128x128xf32, #tpu.memory_space<vmem_shared>>)
      tpu.yield
    }) : () -> ()
    %mul3A_14 = arith.constant 640 : i32
    %mul3A_15 = arith.muli %arg1, %mul3A_14 : i32
    %add3A_16 = arith.constant 128 : i32
    %add3A_17 = arith.addi %mul3A_15, %add3A_16 : i32
    "tpu.region"() ({
      %run_scoped3A = tpu.sem_alloc : memref<!tpu.dma_semaphore, #tpu.memory_space<semaphore_mem>>
      %dma_start3A = arith.constant 0 : i32
      %dma_start3A_45 = tpu.memref_slice %arg16[%add3A_17, %dma_start3A] : memref<10240x128xf32, #tpu.memory_space<vmem_shared>> -> memref<128x128xf32, #tpu.memory_space<vmem_shared>>
      %dma_start3A_46 = arith.constant 0 : i32
      %dma_start3A_47 = tpu.memref_slice %arg16[%add3A_17, %dma_start3A_46] : memref<10240x128xf32, #tpu.memory_space<vmem_shared>> -> memref<128x128xf32, #tpu.memory_space<vmem_shared>>
      tpu.enqueue_dma source(%arg8 : memref<128x128xf32, #tpu.memory_space<vmem>>) target(%dma_start3A_47 : memref<128x128xf32, #tpu.memory_space<vmem_shared>>) target_semaphore(%run_scoped3A : memref<!tpu.dma_semaphore, #tpu.memory_space<semaphore_mem>>)
      %dma_wait3A = arith.constant 0 : i32
      %dma_wait3A_48 = tpu.memref_slice %arg16[%add3A_17, %dma_wait3A] : memref<10240x128xf32, #tpu.memory_space<vmem_shared>> -> memref<128x128xf32, #tpu.memory_space<vmem_shared>>
      %dma_wait3A_49 = arith.constant 0 : i32
      %dma_wait3A_50 = tpu.memref_slice %arg16[%add3A_17, %dma_wait3A_49] : memref<10240x128xf32, #tpu.memory_space<vmem_shared>> -> memref<128x128xf32, #tpu.memory_space<vmem_shared>>
      tpu.wait_dma2 semaphore(%run_scoped3A : memref<!tpu.dma_semaphore, #tpu.memory_space<semaphore_mem>>) src(%arg8 : memref<128x128xf32, #tpu.memory_space<vmem>>) dst(%dma_wait3A_50 : memref<128x128xf32, #tpu.memory_space<vmem_shared>>)
      tpu.yield
    }) : () -> ()
    %mul3A_18 = arith.constant 640 : i32
    %mul3A_19 = arith.muli %arg1, %mul3A_18 : i32
    %add3A_20 = arith.constant 256 : i32
    %add3A_21 = arith.addi %mul3A_19, %add3A_20 : i32
    "tpu.region"() ({
      %run_scoped3A = tpu.sem_alloc : memref<!tpu.dma_semaphore, #tpu.memory_space<semaphore_mem>>
      %dma_start3A = arith.constant 0 : i32
      %dma_start3A_45 = tpu.memref_slice %arg16[%add3A_21, %dma_start3A] : memref<10240x128xf32, #tpu.memory_space<vmem_shared>> -> memref<128x128xf32, #tpu.memory_space<vmem_shared>>
      %dma_start3A_46 = arith.constant 0 : i32
      %dma_start3A_47 = tpu.memref_slice %arg16[%add3A_21, %dma_start3A_46] : memref<10240x128xf32, #tpu.memory_space<vmem_shared>> -> memref<128x128xf32, #tpu.memory_space<vmem_shared>>
      tpu.enqueue_dma source(%arg8 : memref<128x128xf32, #tpu.memory_space<vmem>>) target(%dma_start3A_47 : memref<128x128xf32, #tpu.memory_space<vmem_shared>>) target_semaphore(%run_scoped3A : memref<!tpu.dma_semaphore, #tpu.memory_space<semaphore_mem>>)
      %dma_wait3A = arith.constant 0 : i32
      %dma_wait3A_48 = tpu.memref_slice %arg16[%add3A_21, %dma_wait3A] : memref<10240x128xf32, #tpu.memory_space<vmem_shared>> -> memref<128x128xf32, #tpu.memory_space<vmem_shared>>
      %dma_wait3A_49 = arith.constant 0 : i32
      %dma_wait3A_50 = tpu.memref_slice %arg16[%add3A_21, %dma_wait3A_49] : memref<10240x128xf32, #tpu.memory_space<vmem_shared>> -> memref<128x128xf32, #tpu.memory_space<vmem_shared>>
      tpu.wait_dma2 semaphore(%run_scoped3A : memref<!tpu.dma_semaphore, #tpu.memory_space<semaphore_mem>>) src(%arg8 : memref<128x128xf32, #tpu.memory_space<vmem>>) dst(%dma_wait3A_50 : memref<128x128xf32, #tpu.memory_space<vmem_shared>>)
      tpu.yield
    }) : () -> ()
    %mul3A_22 = arith.constant 640 : i32
    %mul3A_23 = arith.muli %arg1, %mul3A_22 : i32
    %add3A_24 = arith.constant 384 : i32
    %add3A_25 = arith.addi %mul3A_23, %add3A_24 : i32
    "tpu.region"() ({
      %run_scoped3A = tpu.sem_alloc : memref<!tpu.dma_semaphore, #tpu.memory_space<semaphore_mem>>
      %dma_start3A = arith.constant 0 : i32
      %dma_start3A_45 = tpu.memref_slice %arg16[%add3A_25, %dma_start3A] : memref<10240x128xf32, #tpu.memory_space<vmem_shared>> -> memref<128x128xf32, #tpu.memory_space<vmem_shared>>
      %dma_start3A_46 = arith.constant 0 : i32
      %dma_start3A_47 = tpu.memref_slice %arg16[%add3A_25, %dma_start3A_46] : memref<10240x128xf32, #tpu.memory_space<vmem_shared>> -> memref<128x128xf32, #tpu.memory_space<vmem_shared>>
      tpu.enqueue_dma source(%arg8 : memref<128x128xf32, #tpu.memory_space<vmem>>) target(%dma_start3A_47 : memref<128x128xf32, #tpu.memory_space<vmem_shared>>) target_semaphore(%run_scoped3A : memref<!tpu.dma_semaphore, #tpu.memory_space<semaphore_mem>>)
      %dma_wait3A = arith.constant 0 : i32
      %dma_wait3A_48 = tpu.memref_slice %arg16[%add3A_25, %dma_wait3A] : memref<10240x128xf32, #tpu.memory_space<vmem_shared>> -> memref<128x128xf32, #tpu.memory_space<vmem_shared>>
      %dma_wait3A_49 = arith.constant 0 : i32
      %dma_wait3A_50 = tpu.memref_slice %arg16[%add3A_25, %dma_wait3A_49] : memref<10240x128xf32, #tpu.memory_space<vmem_shared>> -> memref<128x128xf32, #tpu.memory_space<vmem_shared>>
      tpu.wait_dma2 semaphore(%run_scoped3A : memref<!tpu.dma_semaphore, #tpu.memory_space<semaphore_mem>>) src(%arg8 : memref<128x128xf32, #tpu.memory_space<vmem>>) dst(%dma_wait3A_50 : memref<128x128xf32, #tpu.memory_space<vmem_shared>>)
      tpu.yield
    }) : () -> ()
    %mul3A_26 = arith.constant 640 : i32
    %mul3A_27 = arith.muli %arg1, %mul3A_26 : i32
    %add3A_28 = arith.constant 512 : i32
    %add3A_29 = arith.addi %mul3A_27, %add3A_28 : i32
    "tpu.region"() ({
      %run_scoped3A = tpu.sem_alloc : memref<!tpu.dma_semaphore, #tpu.memory_space<semaphore_mem>>
      %dma_start3A = arith.constant 0 : i32
      %dma_start3A_45 = tpu.memref_slice %arg16[%add3A_29, %dma_start3A] : memref<10240x128xf32, #tpu.memory_space<vmem_shared>> -> memref<128x128xf32, #tpu.memory_space<vmem_shared>>
      %dma_start3A_46 = arith.constant 0 : i32
      %dma_start3A_47 = tpu.memref_slice %arg16[%add3A_29, %dma_start3A_46] : memref<10240x128xf32, #tpu.memory_space<vmem_shared>> -> memref<128x128xf32, #tpu.memory_space<vmem_shared>>
      tpu.enqueue_dma source(%arg8 : memref<128x128xf32, #tpu.memory_space<vmem>>) target(%dma_start3A_47 : memref<128x128xf32, #tpu.memory_space<vmem_shared>>) target_semaphore(%run_scoped3A : memref<!tpu.dma_semaphore, #tpu.memory_space<semaphore_mem>>)
      %dma_wait3A = arith.constant 0 : i32
      %dma_wait3A_48 = tpu.memref_slice %arg16[%add3A_29, %dma_wait3A] : memref<10240x128xf32, #tpu.memory_space<vmem_shared>> -> memref<128x128xf32, #tpu.memory_space<vmem_shared>>
      %dma_wait3A_49 = arith.constant 0 : i32
      %dma_wait3A_50 = tpu.memref_slice %arg16[%add3A_29, %dma_wait3A_49] : memref<10240x128xf32, #tpu.memory_space<vmem_shared>> -> memref<128x128xf32, #tpu.memory_space<vmem_shared>>
      tpu.wait_dma2 semaphore(%run_scoped3A : memref<!tpu.dma_semaphore, #tpu.memory_space<semaphore_mem>>) src(%arg8 : memref<128x128xf32, #tpu.memory_space<vmem>>) dst(%dma_wait3A_50 : memref<128x128xf32, #tpu.memory_space<vmem_shared>>)
      tpu.yield
    }) : () -> ()
    %barrier3A = arith.constant 0 : index
    tpu.barrier barrier_id(%barrier3A)
    %scan3A_30 = arith.constant 0 : i32
    %scan3A_31 = arith.constant 0 : i32
    %scan3A_32 = arith.constant 40 : i32
    %scan3A_33 = arith.addi %scan3A_31, %scan3A_32 : i32
    %scan3A_34 = arith.constant 1 : i32
    %scan3A_35 = scf.for %scan3A_45 = %scan3A_31 to %scan3A_33 step %scan3A_34 iter_args(%scan3A_46 = %scan3A_30) -> (i32)  : i32 {
      %mul3A_47 = arith.constant 4 : i32
      %mul3A_48 = arith.muli %mul3A_47, %scan3A_45 : i32
      %mul3A_49 = arith.constant 128 : i32
      %mul3A_50 = arith.muli %mul3A_48, %mul3A_49 : i32
      %add3A_51 = arith.addi %add3A, %mul3A_50 : i32
      %add3A_52 = arith.constant 128 : i32
      %add3A_53 = arith.addi %add3A_51, %add3A_52 : i32
      %add3A_54 = arith.constant 256 : i32
      %add3A_55 = arith.addi %add3A_51, %add3A_54 : i32
      %add3A_56 = arith.constant 384 : i32
      %add3A_57 = arith.addi %add3A_51, %add3A_56 : i32
      %dma_start3A = tpu.memref_slice %arg3[%add3A_51] : memref<655360xi32, #tpu.memory_space<hbm>> -> memref<128xi32, #tpu.memory_space<hbm>>
      %dma_start3A_58 = tpu.memref_slice %arg3[%add3A_51] : memref<655360xi32, #tpu.memory_space<hbm>> -> memref<128xi32, #tpu.memory_space<hbm>>
      tpu.enqueue_dma source(%dma_start3A_58 : memref<128xi32, #tpu.memory_space<hbm>>) target(%arg6 : memref<128xi32, #tpu.memory_space<vmem>>) target_semaphore(%arg21 : memref<!tpu.dma_semaphore, #tpu.memory_space<semaphore_mem>>)
      %dma_start3A_59 = tpu.memref_slice %arg4[%add3A_51] : memref<655360xi32, #tpu.memory_space<hbm>> -> memref<128xi32, #tpu.memory_space<hbm>>
      %dma_start3A_60 = tpu.memref_slice %arg4[%add3A_51] : memref<655360xi32, #tpu.memory_space<hbm>> -> memref<128xi32, #tpu.memory_space<hbm>>
      tpu.enqueue_dma source(%dma_start3A_60 : memref<128xi32, #tpu.memory_space<hbm>>) target(%arg7 : memref<128xi32, #tpu.memory_space<vmem>>) target_semaphore(%arg22 : memref<!tpu.dma_semaphore, #tpu.memory_space<semaphore_mem>>)
      %dma_start3A_61 = tpu.memref_slice %arg3[%add3A_53] : memref<655360xi32, #tpu.memory_space<hbm>> -> memref<128xi32, #tpu.memory_space<hbm>>
      %dma_start3A_62 = tpu.memref_slice %arg3[%add3A_53] : memref<655360xi32, #tpu.memory_space<hbm>> -> memref<128xi32, #tpu.memory_space<hbm>>
      tpu.enqueue_dma source(%dma_start3A_62 : memref<128xi32, #tpu.memory_space<hbm>>) target(%arg9 : memref<128xi32, #tpu.memory_space<vmem>>) target_semaphore(%arg23 : memref<!tpu.dma_semaphore, #tpu.memory_space<semaphore_mem>>)
      %dma_start3A_63 = tpu.memref_slice %arg4[%add3A_53] : memref<655360xi32, #tpu.memory_space<hbm>> -> memref<128xi32, #tpu.memory_space<hbm>>
      %dma_start3A_64 = tpu.memref_slice %arg4[%add3A_53] : memref<655360xi32, #tpu.memory_space<hbm>> -> memref<128xi32, #tpu.memory_space<hbm>>
      tpu.enqueue_dma source(%dma_start3A_64 : memref<128xi32, #tpu.memory_space<hbm>>) target(%arg10 : memref<128xi32, #tpu.memory_space<vmem>>) target_semaphore(%arg24 : memref<!tpu.dma_semaphore, #tpu.memory_space<semaphore_mem>>)
      %dma_start3A_65 = tpu.memref_slice %arg3[%add3A_55] : memref<655360xi32, #tpu.memory_space<hbm>> -> memref<128xi32, #tpu.memory_space<hbm>>
      %dma_start3A_66 = tpu.memref_slice %arg3[%add3A_55] : memref<655360xi32, #tpu.memory_space<hbm>> -> memref<128xi32, #tpu.memory_space<hbm>>
      tpu.enqueue_dma source(%dma_start3A_66 : memref<128xi32, #tpu.memory_space<hbm>>) target(%arg12 : memref<128xi32, #tpu.memory_space<vmem>>) target_semaphore(%arg21 : memref<!tpu.dma_semaphore, #tpu.memory_space<semaphore_mem>>)
      %dma_start3A_67 = tpu.memref_slice %arg4[%add3A_55] : memref<655360xi32, #tpu.memory_space<hbm>> -> memref<128xi32, #tpu.memory_space<hbm>>
      %dma_start3A_68 = tpu.memref_slice %arg4[%add3A_55] : memref<655360xi32, #tpu.memory_space<hbm>> -> memref<128xi32, #tpu.memory_space<hbm>>
      tpu.enqueue_dma source(%dma_start3A_68 : memref<128xi32, #tpu.memory_space<hbm>>) target(%arg13 : memref<128xi32, #tpu.memory_space<vmem>>) target_semaphore(%arg22 : memref<!tpu.dma_semaphore, #tpu.memory_space<semaphore_mem>>)
      %dma_start3A_69 = tpu.memref_slice %arg3[%add3A_57] : memref<655360xi32, #tpu.memory_space<hbm>> -> memref<128xi32, #tpu.memory_space<hbm>>
      %dma_start3A_70 = tpu.memref_slice %arg3[%add3A_57] : memref<655360xi32, #tpu.memory_space<hbm>> -> memref<128xi32, #tpu.memory_space<hbm>>
      tpu.enqueue_dma source(%dma_start3A_70 : memref<128xi32, #tpu.memory_space<hbm>>) target(%arg14 : memref<128xi32, #tpu.memory_space<vmem>>) target_semaphore(%arg23 : memref<!tpu.dma_semaphore, #tpu.memory_space<semaphore_mem>>)
      %dma_start3A_71 = tpu.memref_slice %arg4[%add3A_57] : memref<655360xi32, #tpu.memory_space<hbm>> -> memref<128xi32, #tpu.memory_space<hbm>>
      %dma_start3A_72 = tpu.memref_slice %arg4[%add3A_57] : memref<655360xi32, #tpu.memory_space<hbm>> -> memref<128xi32, #tpu.memory_space<hbm>>
      tpu.enqueue_dma source(%dma_start3A_72 : memref<128xi32, #tpu.memory_space<hbm>>) target(%arg15 : memref<128xi32, #tpu.memory_space<vmem>>) target_semaphore(%arg24 : memref<!tpu.dma_semaphore, #tpu.memory_space<semaphore_mem>>)
      %dma_wait3A = tpu.memref_slice %arg3[%add3A_51] : memref<655360xi32, #tpu.memory_space<hbm>> -> memref<128xi32, #tpu.memory_space<hbm>>
      %dma_wait3A_73 = tpu.memref_slice %arg3[%add3A_51] : memref<655360xi32, #tpu.memory_space<hbm>> -> memref<128xi32, #tpu.memory_space<hbm>>
      tpu.wait_dma2 semaphore(%arg21 : memref<!tpu.dma_semaphore, #tpu.memory_space<semaphore_mem>>) src(%dma_wait3A_73 : memref<128xi32, #tpu.memory_space<hbm>>) dst(%arg6 : memref<128xi32, #tpu.memory_space<vmem>>)
      %dma_start3A_74 = arith.constant 0 : i32
      %dma_start3A_75 = arith.constant 0 : i32
      %dma_start3A_76 = tpu.memref_slice %arg2[%dma_start3A_74, %dma_start3A_75] : memref<20480x128xf32, #tpu.memory_space<hbm>> -> memref<20480x128xf32, #tpu.memory_space<hbm>>
      tpu.enqueue_indirect_dma source(%dma_start3A_76 : memref<20480x128xf32, #tpu.memory_space<hbm>>) target(%arg8 : memref<128x128xf32, #tpu.memory_space<vmem>>) offsets(%arg6 : memref<128xi32, #tpu.memory_space<vmem>>) semaphore(%arg17 : memref<!tpu.dma_semaphore, #tpu.memory_space<semaphore_mem>>)
      %dma_wait3A_77 = tpu.memref_slice %arg3[%add3A_53] : memref<655360xi32, #tpu.memory_space<hbm>> -> memref<128xi32, #tpu.memory_space<hbm>>
      %dma_wait3A_78 = tpu.memref_slice %arg3[%add3A_53] : memref<655360xi32, #tpu.memory_space<hbm>> -> memref<128xi32, #tpu.memory_space<hbm>>
      tpu.wait_dma2 semaphore(%arg23 : memref<!tpu.dma_semaphore, #tpu.memory_space<semaphore_mem>>) src(%dma_wait3A_78 : memref<128xi32, #tpu.memory_space<hbm>>) dst(%arg9 : memref<128xi32, #tpu.memory_space<vmem>>)
      %dma_start3A_79 = arith.constant 0 : i32
      %dma_start3A_80 = arith.constant 0 : i32
      %dma_start3A_81 = tpu.memref_slice %arg2[%dma_start3A_79, %dma_start3A_80] : memref<20480x128xf32, #tpu.memory_space<hbm>> -> memref<20480x128xf32, #tpu.memory_space<hbm>>
      tpu.enqueue_indirect_dma source(%dma_start3A_81 : memref<20480x128xf32, #tpu.memory_space<hbm>>) target(%arg11 : memref<128x128xf32, #tpu.memory_space<vmem>>) offsets(%arg9 : memref<128xi32, #tpu.memory_space<vmem>>) semaphore(%arg18 : memref<!tpu.dma_semaphore, #tpu.memory_space<semaphore_mem>>)
      %dma_wait3A_82 = arith.constant 0 : i32
      %dma_wait3A_83 = arith.constant 0 : i32
      %dma_wait3A_84 = tpu.memref_slice %arg2[%dma_wait3A_82, %dma_wait3A_83] : memref<20480x128xf32, #tpu.memory_space<hbm>> -> memref<20480x128xf32, #tpu.memory_space<hbm>>
      tpu.wait_indirect_dma semaphore(%arg17 : memref<!tpu.dma_semaphore, #tpu.memory_space<semaphore_mem>>) src(%dma_wait3A_84 : memref<20480x128xf32, #tpu.memory_space<hbm>>) dst(%arg8 : memref<128x128xf32, #tpu.memory_space<vmem>>)
      %dma_wait3A_85 = tpu.memref_slice %arg4[%add3A_51] : memref<655360xi32, #tpu.memory_space<hbm>> -> memref<128xi32, #tpu.memory_space<hbm>>
      %dma_wait3A_86 = tpu.memref_slice %arg4[%add3A_51] : memref<655360xi32, #tpu.memory_space<hbm>> -> memref<128xi32, #tpu.memory_space<hbm>>
      tpu.wait_dma2 semaphore(%arg22 : memref<!tpu.dma_semaphore, #tpu.memory_space<semaphore_mem>>) src(%dma_wait3A_86 : memref<128xi32, #tpu.memory_space<hbm>>) dst(%arg7 : memref<128xi32, #tpu.memory_space<vmem>>)
      %dma_start3A_87 = arith.constant 0 : i32
      %dma_start3A_88 = arith.constant 0 : i32
      %dma_start3A_89 = tpu.memref_slice %arg16[%dma_start3A_87, %dma_start3A_88] : memref<10240x128xf32, #tpu.memory_space<vmem_shared>> -> memref<10240x128xf32, #tpu.memory_space<vmem_shared>>
      tpu.enqueue_indirect_dma source(%arg8 : memref<128x128xf32, #tpu.memory_space<vmem>>) target(%dma_start3A_89 : memref<10240x128xf32, #tpu.memory_space<vmem_shared>>) offsets(%arg7 : memref<128xi32, #tpu.memory_space<vmem>>) semaphore(%arg19 : memref<!tpu.dma_semaphore, #tpu.memory_space<semaphore_mem>>) {add = true}
      %dma_wait3A_90 = arith.constant 0 : i32
      %dma_wait3A_91 = arith.constant 0 : i32
      %dma_wait3A_92 = tpu.memref_slice %arg2[%dma_wait3A_90, %dma_wait3A_91] : memref<20480x128xf32, #tpu.memory_space<hbm>> -> memref<20480x128xf32, #tpu.memory_space<hbm>>
      tpu.wait_indirect_dma semaphore(%arg18 : memref<!tpu.dma_semaphore, #tpu.memory_space<semaphore_mem>>) src(%dma_wait3A_92 : memref<20480x128xf32, #tpu.memory_space<hbm>>) dst(%arg11 : memref<128x128xf32, #tpu.memory_space<vmem>>)
      %dma_wait3A_93 = tpu.memref_slice %arg4[%add3A_53] : memref<655360xi32, #tpu.memory_space<hbm>> -> memref<128xi32, #tpu.memory_space<hbm>>
      %dma_wait3A_94 = tpu.memref_slice %arg4[%add3A_53] : memref<655360xi32, #tpu.memory_space<hbm>> -> memref<128xi32, #tpu.memory_space<hbm>>
      tpu.wait_dma2 semaphore(%arg24 : memref<!tpu.dma_semaphore, #tpu.memory_space<semaphore_mem>>) src(%dma_wait3A_94 : memref<128xi32, #tpu.memory_space<hbm>>) dst(%arg10 : memref<128xi32, #tpu.memory_space<vmem>>)
      %dma_start3A_95 = arith.constant 0 : i32
      %dma_start3A_96 = arith.constant 0 : i32
      %dma_start3A_97 = tpu.memref_slice %arg16[%dma_start3A_95, %dma_start3A_96] : memref<10240x128xf32, #tpu.memory_space<vmem_shared>> -> memref<10240x128xf32, #tpu.memory_space<vmem_shared>>
      tpu.enqueue_indirect_dma source(%arg11 : memref<128x128xf32, #tpu.memory_space<vmem>>) target(%dma_start3A_97 : memref<10240x128xf32, #tpu.memory_space<vmem_shared>>) offsets(%arg10 : memref<128xi32, #tpu.memory_space<vmem>>) semaphore(%arg20 : memref<!tpu.dma_semaphore, #tpu.memory_space<semaphore_mem>>) {add = true}
      %dma_wait3A_98 = arith.constant 0 : i32
      %dma_wait3A_99 = arith.constant 0 : i32
      %dma_wait3A_100 = tpu.memref_slice %arg16[%dma_wait3A_98, %dma_wait3A_99] : memref<10240x128xf32, #tpu.memory_space<vmem_shared>> -> memref<10240x128xf32, #tpu.memory_space<vmem_shared>>
      tpu.wait_indirect_dma semaphore(%arg19 : memref<!tpu.dma_semaphore, #tpu.memory_space<semaphore_mem>>) src(%arg8 : memref<128x128xf32, #tpu.memory_space<vmem>>) dst(%dma_wait3A_100 : memref<10240x128xf32, #tpu.memory_space<vmem_shared>>)
      %dma_wait3A_101 = tpu.memref_slice %arg3[%add3A_55] : memref<655360xi32, #tpu.memory_space<hbm>> -> memref<128xi32, #tpu.memory_space<hbm>>
      %dma_wait3A_102 = tpu.memref_slice %arg3[%add3A_55] : memref<655360xi32, #tpu.memory_space<hbm>> -> memref<128xi32, #tpu.memory_space<hbm>>
      tpu.wait_dma2 semaphore(%arg21 : memref<!tpu.dma_semaphore, #tpu.memory_space<semaphore_mem>>) src(%dma_wait3A_102 : memref<128xi32, #tpu.memory_space<hbm>>) dst(%arg12 : memref<128xi32, #tpu.memory_space<vmem>>)
      %dma_start3A_103 = arith.constant 0 : i32
      %dma_start3A_104 = arith.constant 0 : i32
      %dma_start3A_105 = tpu.memref_slice %arg2[%dma_start3A_103, %dma_start3A_104] : memref<20480x128xf32, #tpu.memory_space<hbm>> -> memref<20480x128xf32, #tpu.memory_space<hbm>>
      tpu.enqueue_indirect_dma source(%dma_start3A_105 : memref<20480x128xf32, #tpu.memory_space<hbm>>) target(%arg8 : memref<128x128xf32, #tpu.memory_space<vmem>>) offsets(%arg12 : memref<128xi32, #tpu.memory_space<vmem>>) semaphore(%arg17 : memref<!tpu.dma_semaphore, #tpu.memory_space<semaphore_mem>>)
      %dma_wait3A_106 = arith.constant 0 : i32
      %dma_wait3A_107 = arith.constant 0 : i32
      %dma_wait3A_108 = tpu.memref_slice %arg16[%dma_wait3A_106, %dma_wait3A_107] : memref<10240x128xf32, #tpu.memory_space<vmem_shared>> -> memref<10240x128xf32, #tpu.memory_space<vmem_shared>>
      tpu.wait_indirect_dma semaphore(%arg20 : memref<!tpu.dma_semaphore, #tpu.memory_space<semaphore_mem>>) src(%arg11 : memref<128x128xf32, #tpu.memory_space<vmem>>) dst(%dma_wait3A_108 : memref<10240x128xf32, #tpu.memory_space<vmem_shared>>)
      %dma_wait3A_109 = tpu.memref_slice %arg3[%add3A_57] : memref<655360xi32, #tpu.memory_space<hbm>> -> memref<128xi32, #tpu.memory_space<hbm>>
      %dma_wait3A_110 = tpu.memref_slice %arg3[%add3A_57] : memref<655360xi32, #tpu.memory_space<hbm>> -> memref<128xi32, #tpu.memory_space<hbm>>
      tpu.wait_dma2 semaphore(%arg23 : memref<!tpu.dma_semaphore, #tpu.memory_space<semaphore_mem>>) src(%dma_wait3A_110 : memref<128xi32, #tpu.memory_space<hbm>>) dst(%arg14 : memref<128xi32, #tpu.memory_space<vmem>>)
      %dma_start3A_111 = arith.constant 0 : i32
      %dma_start3A_112 = arith.constant 0 : i32
      %dma_start3A_113 = tpu.memref_slice %arg2[%dma_start3A_111, %dma_start3A_112] : memref<20480x128xf32, #tpu.memory_space<hbm>> -> memref<20480x128xf32, #tpu.memory_space<hbm>>
      tpu.enqueue_indirect_dma source(%dma_start3A_113 : memref<20480x128xf32, #tpu.memory_space<hbm>>) target(%arg11 : memref<128x128xf32, #tpu.memory_space<vmem>>) offsets(%arg14 : memref<128xi32, #tpu.memory_space<vmem>>) semaphore(%arg18 : memref<!tpu.dma_semaphore, #tpu.memory_space<semaphore_mem>>)
      %dma_wait3A_114 = arith.constant 0 : i32
      %dma_wait3A_115 = arith.constant 0 : i32
      %dma_wait3A_116 = tpu.memref_slice %arg2[%dma_wait3A_114, %dma_wait3A_115] : memref<20480x128xf32, #tpu.memory_space<hbm>> -> memref<20480x128xf32, #tpu.memory_space<hbm>>
      tpu.wait_indirect_dma semaphore(%arg17 : memref<!tpu.dma_semaphore, #tpu.memory_space<semaphore_mem>>) src(%dma_wait3A_116 : memref<20480x128xf32, #tpu.memory_space<hbm>>) dst(%arg8 : memref<128x128xf32, #tpu.memory_space<vmem>>)
      %dma_wait3A_117 = tpu.memref_slice %arg4[%add3A_55] : memref<655360xi32, #tpu.memory_space<hbm>> -> memref<128xi32, #tpu.memory_space<hbm>>
      %dma_wait3A_118 = tpu.memref_slice %arg4[%add3A_55] : memref<655360xi32, #tpu.memory_space<hbm>> -> memref<128xi32, #tpu.memory_space<hbm>>
      tpu.wait_dma2 semaphore(%arg22 : memref<!tpu.dma_semaphore, #tpu.memory_space<semaphore_mem>>) src(%dma_wait3A_118 : memref<128xi32, #tpu.memory_space<hbm>>) dst(%arg13 : memref<128xi32, #tpu.memory_space<vmem>>)
      %dma_start3A_119 = arith.constant 0 : i32
      %dma_start3A_120 = arith.constant 0 : i32
      %dma_start3A_121 = tpu.memref_slice %arg16[%dma_start3A_119, %dma_start3A_120] : memref<10240x128xf32, #tpu.memory_space<vmem_shared>> -> memref<10240x128xf32, #tpu.memory_space<vmem_shared>>
      tpu.enqueue_indirect_dma source(%arg8 : memref<128x128xf32, #tpu.memory_space<vmem>>) target(%dma_start3A_121 : memref<10240x128xf32, #tpu.memory_space<vmem_shared>>) offsets(%arg13 : memref<128xi32, #tpu.memory_space<vmem>>) semaphore(%arg19 : memref<!tpu.dma_semaphore, #tpu.memory_space<semaphore_mem>>) {add = true}
      %dma_wait3A_122 = arith.constant 0 : i32
      %dma_wait3A_123 = arith.constant 0 : i32
      %dma_wait3A_124 = tpu.memref_slice %arg2[%dma_wait3A_122, %dma_wait3A_123] : memref<20480x128xf32, #tpu.memory_space<hbm>> -> memref<20480x128xf32, #tpu.memory_space<hbm>>
      tpu.wait_indirect_dma semaphore(%arg18 : memref<!tpu.dma_semaphore, #tpu.memory_space<semaphore_mem>>) src(%dma_wait3A_124 : memref<20480x128xf32, #tpu.memory_space<hbm>>) dst(%arg11 : memref<128x128xf32, #tpu.memory_space<vmem>>)
      %dma_wait3A_125 = tpu.memref_slice %arg4[%add3A_57] : memref<655360xi32, #tpu.memory_space<hbm>> -> memref<128xi32, #tpu.memory_space<hbm>>
      %dma_wait3A_126 = tpu.memref_slice %arg4[%add3A_57] : memref<655360xi32, #tpu.memory_space<hbm>> -> memref<128xi32, #tpu.memory_space<hbm>>
      tpu.wait_dma2 semaphore(%arg24 : memref<!tpu.dma_semaphore, #tpu.memory_space<semaphore_mem>>) src(%dma_wait3A_126 : memref<128xi32, #tpu.memory_space<hbm>>) dst(%arg15 : memref<128xi32, #tpu.memory_space<vmem>>)
      %dma_start3A_127 = arith.constant 0 : i32
      %dma_start3A_128 = arith.constant 0 : i32
      %dma_start3A_129 = tpu.memref_slice %arg16[%dma_start3A_127, %dma_start3A_128] : memref<10240x128xf32, #tpu.memory_space<vmem_shared>> -> memref<10240x128xf32, #tpu.memory_space<vmem_shared>>
      tpu.enqueue_indirect_dma source(%arg11 : memref<128x128xf32, #tpu.memory_space<vmem>>) target(%dma_start3A_129 : memref<10240x128xf32, #tpu.memory_space<vmem_shared>>) offsets(%arg15 : memref<128xi32, #tpu.memory_space<vmem>>) semaphore(%arg20 : memref<!tpu.dma_semaphore, #tpu.memory_space<semaphore_mem>>) {add = true}
      %dma_wait3A_130 = arith.constant 0 : i32
      %dma_wait3A_131 = arith.constant 0 : i32
      %dma_wait3A_132 = tpu.memref_slice %arg16[%dma_wait3A_130, %dma_wait3A_131] : memref<10240x128xf32, #tpu.memory_space<vmem_shared>> -> memref<10240x128xf32, #tpu.memory_space<vmem_shared>>
      tpu.wait_indirect_dma semaphore(%arg19 : memref<!tpu.dma_semaphore, #tpu.memory_space<semaphore_mem>>) src(%arg8 : memref<128x128xf32, #tpu.memory_space<vmem>>) dst(%dma_wait3A_132 : memref<10240x128xf32, #tpu.memory_space<vmem_shared>>)
      %dma_wait3A_133 = arith.constant 0 : i32
      %dma_wait3A_134 = arith.constant 0 : i32
      %dma_wait3A_135 = tpu.memref_slice %arg16[%dma_wait3A_133, %dma_wait3A_134] : memref<10240x128xf32, #tpu.memory_space<vmem_shared>> -> memref<10240x128xf32, #tpu.memory_space<vmem_shared>>
      tpu.wait_indirect_dma semaphore(%arg20 : memref<!tpu.dma_semaphore, #tpu.memory_space<semaphore_mem>>) src(%arg11 : memref<128x128xf32, #tpu.memory_space<vmem>>) dst(%dma_wait3A_135 : memref<10240x128xf32, #tpu.memory_space<vmem_shared>>)
      %scan3A_136 = arith.constant 0 : i32
      scf.yield %scan3A_136 : i32
    }
    %scan3A_36 = arith.constant 40 : i32
    %barrier3A_37 = arith.constant 0 : index
    tpu.barrier barrier_id(%barrier3A_37)
    %mul3A_38 = arith.constant 640 : i32
    %mul3A_39 = arith.muli %arg1, %mul3A_38 : i32
    %mul3A_40 = arith.constant 10240 : i32
    %mul3A_41 = arith.muli %arg0, %mul3A_40 : i32
    %mul3A_42 = arith.constant 640 : i32
    %mul3A_43 = arith.muli %arg1, %mul3A_42 : i32
    %add3A_44 = arith.addi %mul3A_41, %mul3A_43 : i32
    "tpu.region"() ({
      %run_scoped3A = tpu.sem_alloc : memref<!tpu.dma_semaphore, #tpu.memory_space<semaphore_mem>>
      %dma_start3A = arith.constant 0 : i32
      %dma_start3A_45 = tpu.memref_slice %arg5[%add3A_44, %dma_start3A] : memref<20480x128xf32, #tpu.memory_space<hbm>> -> memref<640x128xf32, #tpu.memory_space<hbm>>
      %dma_start3A_46 = arith.constant 0 : i32
      %dma_start3A_47 = tpu.memref_slice %arg16[%mul3A_39, %dma_start3A_46] : memref<10240x128xf32, #tpu.memory_space<vmem_shared>> -> memref<640x128xf32, #tpu.memory_space<vmem_shared>>
      tpu.enqueue_dma source(%dma_start3A_47 : memref<640x128xf32, #tpu.memory_space<vmem_shared>>) target(%dma_start3A_45 : memref<640x128xf32, #tpu.memory_space<hbm>>) target_semaphore(%run_scoped3A : memref<!tpu.dma_semaphore, #tpu.memory_space<semaphore_mem>>)
      %dma_wait3A = arith.constant 0 : i32
      %dma_wait3A_48 = tpu.memref_slice %arg5[%add3A_44, %dma_wait3A] : memref<20480x128xf32, #tpu.memory_space<hbm>> -> memref<640x128xf32, #tpu.memory_space<hbm>>
      %dma_wait3A_49 = arith.constant 0 : i32
      %dma_wait3A_50 = tpu.memref_slice %arg16[%mul3A_39, %dma_wait3A_49] : memref<10240x128xf32, #tpu.memory_space<vmem_shared>> -> memref<640x128xf32, #tpu.memory_space<vmem_shared>>
      tpu.wait_dma2 semaphore(%run_scoped3A : memref<!tpu.dma_semaphore, #tpu.memory_space<semaphore_mem>>) src(%dma_wait3A_50 : memref<640x128xf32, #tpu.memory_space<vmem_shared>>) dst(%dma_wait3A_48 : memref<640x128xf32, #tpu.memory_space<hbm>>)
      tpu.yield
    }) : () -> ()
    return
  }
}

#map = affine_map<(d0, d1) -> (0)>
#map1 = affine_map<(d0, d1) -> (0, 0)>
module attributes {stable_mosaic.version = 14 : i64} {
  func.func @_embed_hist_body(%arg0: i32, %arg1: i32, %arg2: memref<20480xi32, #tpu.memory_space<hbm>>, %arg3: memref<100000x128xf32, #tpu.memory_space<hbm>>, %arg4: memref<100000x128xf32, #tpu.memory_space<hbm>>, %arg5: memref<655360xi32, #tpu.memory_space<hbm>>, %arg6: memref<20480x128xf32, #tpu.memory_space<hbm>>, %arg7: memref<20480xf32, #tpu.memory_space<hbm>>, %arg8: memref<128xi32, #tpu.memory_space<vmem>>, %arg9: memref<128xi32, #tpu.memory_space<vmem>>, %arg10: memref<128xi32, #tpu.memory_space<vmem>>, %arg11: memref<128xi32, #tpu.memory_space<vmem>>, %arg12: memref<80xi32, #tpu.memory_space<vmem>>, %arg13: memref<80x128xf32, #tpu.memory_space<vmem>>, %arg14: memref<128xf32, #tpu.memory_space<vmem>>, %arg15: memref<640xf32, #tpu.memory_space<vmem>>, %arg16: memref<10240xf32, #tpu.memory_space<vmem_shared>>, %arg17: memref<!tpu.dma_semaphore, #tpu.memory_space<semaphore_mem>>, %arg18: memref<!tpu.dma_semaphore, #tpu.memory_space<semaphore_mem>>, %arg19: memref<!tpu.dma_semaphore, #tpu.memory_space<semaphore_mem>>, %arg20: memref<!tpu.dma_semaphore, #tpu.memory_space<semaphore_mem>>, %arg21: memref<!tpu.dma_semaphore, #tpu.memory_space<semaphore_mem>>) attributes {dimension_semantics = [#tpu.dimension_semantics<core_parallel>, #tpu.dimension_semantics<subcore_parallel>], iteration_bounds = array<i64: 2, 16>, scalar_prefetch = 0 : i64, scratch_operands = 14 : i64, tpu.core_type = #tpu.core_type<sc_vector_subcore>, window_params = [{transform_indices = #map}, {transform_indices = #map1}, {transform_indices = #map1}, {transform_indices = #map}, {transform_indices = #map1}, {transform_indices = #map}]} {
    %mul3A = arith.constant 16 : i32
    %mul3A_0 = arith.muli %arg0, %mul3A : i32
    %add3A = arith.addi %mul3A_0, %arg1 : i32
    %broadcast_in_dim3A = arith.constant 0.000000e+00 : f32
    %broadcast_in_dim3A_1 = vector.broadcast %broadcast_in_dim3A : f32 to vector<16xf32>
    %broadcast_in_dim3A_2 = arith.constant 1.000000e+00 : f32
    %broadcast_in_dim3A_3 = vector.broadcast %broadcast_in_dim3A_2 : f32 to vector<16xf32>
    %scan3A = arith.constant 0 : i32
    %scan3A_4 = arith.constant 0 : i32
    %scan3A_5 = arith.constant 8 : i32
    %scan3A_6 = arith.addi %scan3A_4, %scan3A_5 : i32
    %scan3A_7 = arith.constant 1 : i32
    %scan3A_8 = scf.for %scan3A_120 = %scan3A_4 to %scan3A_6 step %scan3A_7 iter_args(%scan3A_121 = %scan3A) -> (i32)  : i32 {
      %mul3A_122 = arith.constant 16 : i32
      %mul3A_123 = arith.muli %scan3A_120, %mul3A_122 : i32
      %swap3A = arith.index_cast %mul3A_123 : i32 to index
      %swap3A_124 = tpu.vector_load %arg14[%swap3A] {strides = array<i32>} : memref<128xf32, #tpu.memory_space<vmem>>, vector<16xf32>,
      %swap3A_125 = vector.shape_cast %swap3A_124 : vector<16xf32> to vector<16xf32>
      %swap3A_126 = vector.shape_cast %broadcast_in_dim3A_3 : vector<16xf32> to vector<16xf32>
      tpu.vector_store %arg14[%swap3A], %swap3A_126 {strides = array<i32>} : memref<128xf32, #tpu.memory_space<vmem>>, vector<16xf32>,
      %scan3A_127 = arith.constant 0 : i32
      scf.yield %scan3A_127 : i32
    }
    %scan3A_9 = arith.constant 8 : i32
    %scan3A_10 = arith.constant 0 : i32
    %scan3A_11 = arith.constant 0 : i32
    %scan3A_12 = arith.constant 40 : i32
    %scan3A_13 = arith.addi %scan3A_11, %scan3A_12 : i32
    %scan3A_14 = arith.constant 1 : i32
    %scan3A_15 = scf.for %scan3A_120 = %scan3A_11 to %scan3A_13 step %scan3A_14 iter_args(%scan3A_121 = %scan3A_10) -> (i32)  : i32 {
      %mul3A_122 = arith.constant 16 : i32
      %mul3A_123 = arith.muli %scan3A_120, %mul3A_122 : i32
      %swap3A = arith.index_cast %mul3A_123 : i32 to index
      %swap3A_124 = tpu.vector_load %arg15[%swap3A] {strides = array<i32>} : memref<640xf32, #tpu.memory_space<vmem>>, vector<16xf32>,
      %swap3A_125 = vector.shape_cast %swap3A_124 : vector<16xf32> to vector<16xf32>
      %swap3A_126 = vector.shape_cast %broadcast_in_dim3A_1 : vector<16xf32> to vector<16xf32>
      tpu.vector_store %arg15[%swap3A], %swap3A_126 {strides = array<i32>} : memref<640xf32, #tpu.memory_space<vmem>>, vector<16xf32>,
      %scan3A_127 = arith.constant 0 : i32
      scf.yield %scan3A_127 : i32
    }
    %scan3A_16 = arith.constant 40 : i32
    %mul3A_17 = arith.constant 640 : i32
    %mul3A_18 = arith.muli %arg1, %mul3A_17 : i32
    "tpu.region"() ({
      %run_scoped3A = tpu.sem_alloc : memref<!tpu.dma_semaphore, #tpu.memory_space<semaphore_mem>>
      %dma_start3A_120 = tpu.memref_slice %arg16[%mul3A_18] : memref<10240xf32, #tpu.memory_space<vmem_shared>> -> memref<640xf32, #tpu.memory_space<vmem_shared>>
      %dma_start3A_121 = tpu.memref_slice %arg16[%mul3A_18] : memref<10240xf32, #tpu.memory_space<vmem_shared>> -> memref<640xf32, #tpu.memory_space<vmem_shared>>
      tpu.enqueue_dma source(%arg15 : memref<640xf32, #tpu.memory_space<vmem>>) target(%dma_start3A_121 : memref<640xf32, #tpu.memory_space<vmem_shared>>) target_semaphore(%run_scoped3A : memref<!tpu.dma_semaphore, #tpu.memory_space<semaphore_mem>>)
      %dma_wait3A_122 = tpu.memref_slice %arg16[%mul3A_18] : memref<10240xf32, #tpu.memory_space<vmem_shared>> -> memref<640xf32, #tpu.memory_space<vmem_shared>>
      %dma_wait3A_123 = tpu.memref_slice %arg16[%mul3A_18] : memref<10240xf32, #tpu.memory_space<vmem_shared>> -> memref<640xf32, #tpu.memory_space<vmem_shared>>
      tpu.wait_dma2 semaphore(%run_scoped3A : memref<!tpu.dma_semaphore, #tpu.memory_space<semaphore_mem>>) src(%arg15 : memref<640xf32, #tpu.memory_space<vmem>>) dst(%dma_wait3A_123 : memref<640xf32, #tpu.memory_space<vmem_shared>>)
      tpu.yield
    }) : () -> ()
    %barrier3A = arith.constant 0 : index
    tpu.barrier barrier_id(%barrier3A)
    %mul3A_19 = arith.constant 320 : i32
    %mul3A_20 = arith.muli %add3A, %mul3A_19 : i32
    %add3A_21 = arith.constant 0 : i32
    %add3A_22 = arith.addi %mul3A_20, %add3A_21 : i32
    "tpu.region"() ({
      %run_scoped3A = tpu.sem_alloc : memref<!tpu.dma_semaphore, #tpu.memory_space<semaphore_mem>>
      %dma_start3A_120 = tpu.memref_slice %arg2[%add3A_22] : memref<20480xi32, #tpu.memory_space<hbm>> -> memref<80xi32, #tpu.memory_space<hbm>>
      %dma_start3A_121 = tpu.memref_slice %arg2[%add3A_22] : memref<20480xi32, #tpu.memory_space<hbm>> -> memref<80xi32, #tpu.memory_space<hbm>>
      tpu.enqueue_dma source(%dma_start3A_121 : memref<80xi32, #tpu.memory_space<hbm>>) target(%arg12 : memref<80xi32, #tpu.memory_space<vmem>>) target_semaphore(%run_scoped3A : memref<!tpu.dma_semaphore, #tpu.memory_space<semaphore_mem>>)
      %dma_wait3A_122 = tpu.memref_slice %arg2[%add3A_22] : memref<20480xi32, #tpu.memory_space<hbm>> -> memref<80xi32, #tpu.memory_space<hbm>>
      %dma_wait3A_123 = tpu.memref_slice %arg2[%add3A_22] : memref<20480xi32, #tpu.memory_space<hbm>> -> memref<80xi32, #tpu.memory_space<hbm>>
      tpu.wait_dma2 semaphore(%run_scoped3A : memref<!tpu.dma_semaphore, #tpu.memory_space<semaphore_mem>>) src(%dma_wait3A_123 : memref<80xi32, #tpu.memory_space<hbm>>) dst(%arg12 : memref<80xi32, #tpu.memory_space<vmem>>)
      tpu.yield
    }) : () -> ()
    %dma_start3A = arith.constant 0 : i32
    %dma_start3A_23 = arith.constant 0 : i32
    %dma_start3A_24 = tpu.memref_slice %arg3[%dma_start3A, %dma_start3A_23] : memref<100000x128xf32, #tpu.memory_space<hbm>> -> memref<100000x128xf32, #tpu.memory_space<hbm>>
    tpu.enqueue_indirect_dma source(%dma_start3A_24 : memref<100000x128xf32, #tpu.memory_space<hbm>>) target(%arg13 : memref<80x128xf32, #tpu.memory_space<vmem>>) offsets(%arg12 : memref<80xi32, #tpu.memory_space<vmem>>) semaphore(%arg17 : memref<!tpu.dma_semaphore, #tpu.memory_space<semaphore_mem>>)
    %dma_wait3A = arith.constant 0 : i32
    %dma_wait3A_25 = arith.constant 0 : i32
    %dma_wait3A_26 = tpu.memref_slice %arg3[%dma_wait3A, %dma_wait3A_25] : memref<100000x128xf32, #tpu.memory_space<hbm>> -> memref<100000x128xf32, #tpu.memory_space<hbm>>
    tpu.wait_indirect_dma semaphore(%arg17 : memref<!tpu.dma_semaphore, #tpu.memory_space<semaphore_mem>>) src(%dma_wait3A_26 : memref<100000x128xf32, #tpu.memory_space<hbm>>) dst(%arg13 : memref<80x128xf32, #tpu.memory_space<vmem>>)
    "tpu.region"() ({
      %run_scoped3A = tpu.sem_alloc : memref<!tpu.dma_semaphore, #tpu.memory_space<semaphore_mem>>
      %dma_start3A_120 = arith.constant 0 : i32
      %dma_start3A_121 = tpu.memref_slice %arg6[%add3A_22, %dma_start3A_120] : memref<20480x128xf32, #tpu.memory_space<hbm>> -> memref<80x128xf32, #tpu.memory_space<hbm>>
      %dma_start3A_122 = arith.constant 0 : i32
      %dma_start3A_123 = tpu.memref_slice %arg6[%add3A_22, %dma_start3A_122] : memref<20480x128xf32, #tpu.memory_space<hbm>> -> memref<80x128xf32, #tpu.memory_space<hbm>>
      tpu.enqueue_dma source(%arg13 : memref<80x128xf32, #tpu.memory_space<vmem>>) target(%dma_start3A_123 : memref<80x128xf32, #tpu.memory_space<hbm>>) target_semaphore(%run_scoped3A : memref<!tpu.dma_semaphore, #tpu.memory_space<semaphore_mem>>)
      %dma_wait3A_124 = arith.constant 0 : i32
      %dma_wait3A_125 = tpu.memref_slice %arg6[%add3A_22, %dma_wait3A_124] : memref<20480x128xf32, #tpu.memory_space<hbm>> -> memref<80x128xf32, #tpu.memory_space<hbm>>
      %dma_wait3A_126 = arith.constant 0 : i32
      %dma_wait3A_127 = tpu.memref_slice %arg6[%add3A_22, %dma_wait3A_126] : memref<20480x128xf32, #tpu.memory_space<hbm>> -> memref<80x128xf32, #tpu.memory_space<hbm>>
      tpu.wait_dma2 semaphore(%run_scoped3A : memref<!tpu.dma_semaphore, #tpu.memory_space<semaphore_mem>>) src(%arg13 : memref<80x128xf32, #tpu.memory_space<vmem>>) dst(%dma_wait3A_127 : memref<80x128xf32, #tpu.memory_space<hbm>>)
      tpu.yield
    }) : () -> ()
    %mul3A_27 = arith.constant 320 : i32
    %mul3A_28 = arith.muli %add3A, %mul3A_27 : i32
    %add3A_29 = arith.constant 80 : i32
    %add3A_30 = arith.addi %mul3A_28, %add3A_29 : i32
    "tpu.region"() ({
      %run_scoped3A = tpu.sem_alloc : memref<!tpu.dma_semaphore, #tpu.memory_space<semaphore_mem>>
      %dma_start3A_120 = tpu.memref_slice %arg2[%add3A_30] : memref<20480xi32, #tpu.memory_space<hbm>> -> memref<80xi32, #tpu.memory_space<hbm>>
      %dma_start3A_121 = tpu.memref_slice %arg2[%add3A_30] : memref<20480xi32, #tpu.memory_space<hbm>> -> memref<80xi32, #tpu.memory_space<hbm>>
      tpu.enqueue_dma source(%dma_start3A_121 : memref<80xi32, #tpu.memory_space<hbm>>) target(%arg12 : memref<80xi32, #tpu.memory_space<vmem>>) target_semaphore(%run_scoped3A : memref<!tpu.dma_semaphore, #tpu.memory_space<semaphore_mem>>)
      %dma_wait3A_122 = tpu.memref_slice %arg2[%add3A_30] : memref<20480xi32, #tpu.memory_space<hbm>> -> memref<80xi32, #tpu.memory_space<hbm>>
      %dma_wait3A_123 = tpu.memref_slice %arg2[%add3A_30] : memref<20480xi32, #tpu.memory_space<hbm>> -> memref<80xi32, #tpu.memory_space<hbm>>
      tpu.wait_dma2 semaphore(%run_scoped3A : memref<!tpu.dma_semaphore, #tpu.memory_space<semaphore_mem>>) src(%dma_wait3A_123 : memref<80xi32, #tpu.memory_space<hbm>>) dst(%arg12 : memref<80xi32, #tpu.memory_space<vmem>>)
      tpu.yield
    }) : () -> ()
    %dma_start3A_31 = arith.constant 0 : i32
    %dma_start3A_32 = arith.constant 0 : i32
    %dma_start3A_33 = tpu.memref_slice %arg3[%dma_start3A_31, %dma_start3A_32] : memref<100000x128xf32, #tpu.memory_space<hbm>> -> memref<100000x128xf32, #tpu.memory_space<hbm>>
    tpu.enqueue_indirect_dma source(%dma_start3A_33 : memref<100000x128xf32, #tpu.memory_space<hbm>>) target(%arg13 : memref<80x128xf32, #tpu.memory_space<vmem>>) offsets(%arg12 : memref<80xi32, #tpu.memory_space<vmem>>) semaphore(%arg17 : memref<!tpu.dma_semaphore, #tpu.memory_space<semaphore_mem>>)
    %dma_wait3A_34 = arith.constant 0 : i32
    %dma_wait3A_35 = arith.constant 0 : i32
    %dma_wait3A_36 = tpu.memref_slice %arg3[%dma_wait3A_34, %dma_wait3A_35] : memref<100000x128xf32, #tpu.memory_space<hbm>> -> memref<100000x128xf32, #tpu.memory_space<hbm>>
    tpu.wait_indirect_dma semaphore(%arg17 : memref<!tpu.dma_semaphore, #tpu.memory_space<semaphore_mem>>) src(%dma_wait3A_36 : memref<100000x128xf32, #tpu.memory_space<hbm>>) dst(%arg13 : memref<80x128xf32, #tpu.memory_space<vmem>>)
    "tpu.region"() ({
      %run_scoped3A = tpu.sem_alloc : memref<!tpu.dma_semaphore, #tpu.memory_space<semaphore_mem>>
      %dma_start3A_120 = arith.constant 0 : i32
      %dma_start3A_121 = tpu.memref_slice %arg6[%add3A_30, %dma_start3A_120] : memref<20480x128xf32, #tpu.memory_space<hbm>> -> memref<80x128xf32, #tpu.memory_space<hbm>>
      %dma_start3A_122 = arith.constant 0 : i32
      %dma_start3A_123 = tpu.memref_slice %arg6[%add3A_30, %dma_start3A_122] : memref<20480x128xf32, #tpu.memory_space<hbm>> -> memref<80x128xf32, #tpu.memory_space<hbm>>
      tpu.enqueue_dma source(%arg13 : memref<80x128xf32, #tpu.memory_space<vmem>>) target(%dma_start3A_123 : memref<80x128xf32, #tpu.memory_space<hbm>>) target_semaphore(%run_scoped3A : memref<!tpu.dma_semaphore, #tpu.memory_space<semaphore_mem>>)
      %dma_wait3A_124 = arith.constant 0 : i32
      %dma_wait3A_125 = tpu.memref_slice %arg6[%add3A_30, %dma_wait3A_124] : memref<20480x128xf32, #tpu.memory_space<hbm>> -> memref<80x128xf32, #tpu.memory_space<hbm>>
      %dma_wait3A_126 = arith.constant 0 : i32
      %dma_wait3A_127 = tpu.memref_slice %arg6[%add3A_30, %dma_wait3A_126] : memref<20480x128xf32, #tpu.memory_space<hbm>> -> memref<80x128xf32, #tpu.memory_space<hbm>>
      tpu.wait_dma2 semaphore(%run_scoped3A : memref<!tpu.dma_semaphore, #tpu.memory_space<semaphore_mem>>) src(%arg13 : memref<80x128xf32, #tpu.memory_space<vmem>>) dst(%dma_wait3A_127 : memref<80x128xf32, #tpu.memory_space<hbm>>)
      tpu.yield
    }) : () -> ()
    %mul3A_37 = arith.constant 320 : i32
    %mul3A_38 = arith.muli %add3A, %mul3A_37 : i32
    %add3A_39 = arith.constant 160 : i32
    %add3A_40 = arith.addi %mul3A_38, %add3A_39 : i32
    "tpu.region"() ({
      %run_scoped3A = tpu.sem_alloc : memref<!tpu.dma_semaphore, #tpu.memory_space<semaphore_mem>>
      %dma_start3A_120 = tpu.memref_slice %arg2[%add3A_40] : memref<20480xi32, #tpu.memory_space<hbm>> -> memref<80xi32, #tpu.memory_space<hbm>>
      %dma_start3A_121 = tpu.memref_slice %arg2[%add3A_40] : memref<20480xi32, #tpu.memory_space<hbm>> -> memref<80xi32, #tpu.memory_space<hbm>>
      tpu.enqueue_dma source(%dma_start3A_121 : memref<80xi32, #tpu.memory_space<hbm>>) target(%arg12 : memref<80xi32, #tpu.memory_space<vmem>>) target_semaphore(%run_scoped3A : memref<!tpu.dma_semaphore, #tpu.memory_space<semaphore_mem>>)
      %dma_wait3A_122 = tpu.memref_slice %arg2[%add3A_40] : memref<20480xi32, #tpu.memory_space<hbm>> -> memref<80xi32, #tpu.memory_space<hbm>>
      %dma_wait3A_123 = tpu.memref_slice %arg2[%add3A_40] : memref<20480xi32, #tpu.memory_space<hbm>> -> memref<80xi32, #tpu.memory_space<hbm>>
      tpu.wait_dma2 semaphore(%run_scoped3A : memref<!tpu.dma_semaphore, #tpu.memory_space<semaphore_mem>>) src(%dma_wait3A_123 : memref<80xi32, #tpu.memory_space<hbm>>) dst(%arg12 : memref<80xi32, #tpu.memory_space<vmem>>)
      tpu.yield
    }) : () -> ()
    %dma_start3A_41 = arith.constant 0 : i32
    %dma_start3A_42 = arith.constant 0 : i32
    %dma_start3A_43 = tpu.memref_slice %arg3[%dma_start3A_41, %dma_start3A_42] : memref<100000x128xf32, #tpu.memory_space<hbm>> -> memref<100000x128xf32, #tpu.memory_space<hbm>>
    tpu.enqueue_indirect_dma source(%dma_start3A_43 : memref<100000x128xf32, #tpu.memory_space<hbm>>) target(%arg13 : memref<80x128xf32, #tpu.memory_space<vmem>>) offsets(%arg12 : memref<80xi32, #tpu.memory_space<vmem>>) semaphore(%arg17 : memref<!tpu.dma_semaphore, #tpu.memory_space<semaphore_mem>>)
    %dma_wait3A_44 = arith.constant 0 : i32
    %dma_wait3A_45 = arith.constant 0 : i32
    %dma_wait3A_46 = tpu.memref_slice %arg3[%dma_wait3A_44, %dma_wait3A_45] : memref<100000x128xf32, #tpu.memory_space<hbm>> -> memref<100000x128xf32, #tpu.memory_space<hbm>>
    tpu.wait_indirect_dma semaphore(%arg17 : memref<!tpu.dma_semaphore, #tpu.memory_space<semaphore_mem>>) src(%dma_wait3A_46 : memref<100000x128xf32, #tpu.memory_space<hbm>>) dst(%arg13 : memref<80x128xf32, #tpu.memory_space<vmem>>)
    "tpu.region"() ({
      %run_scoped3A = tpu.sem_alloc : memref<!tpu.dma_semaphore, #tpu.memory_space<semaphore_mem>>
      %dma_start3A_120 = arith.constant 0 : i32
      %dma_start3A_121 = tpu.memref_slice %arg6[%add3A_40, %dma_start3A_120] : memref<20480x128xf32, #tpu.memory_space<hbm>> -> memref<80x128xf32, #tpu.memory_space<hbm>>
      %dma_start3A_122 = arith.constant 0 : i32
      %dma_start3A_123 = tpu.memref_slice %arg6[%add3A_40, %dma_start3A_122] : memref<20480x128xf32, #tpu.memory_space<hbm>> -> memref<80x128xf32, #tpu.memory_space<hbm>>
      tpu.enqueue_dma source(%arg13 : memref<80x128xf32, #tpu.memory_space<vmem>>) target(%dma_start3A_123 : memref<80x128xf32, #tpu.memory_space<hbm>>) target_semaphore(%run_scoped3A : memref<!tpu.dma_semaphore, #tpu.memory_space<semaphore_mem>>)
      %dma_wait3A_124 = arith.constant 0 : i32
      %dma_wait3A_125 = tpu.memref_slice %arg6[%add3A_40, %dma_wait3A_124] : memref<20480x128xf32, #tpu.memory_space<hbm>> -> memref<80x128xf32, #tpu.memory_space<hbm>>
      %dma_wait3A_126 = arith.constant 0 : i32
      %dma_wait3A_127 = tpu.memref_slice %arg6[%add3A_40, %dma_wait3A_126] : memref<20480x128xf32, #tpu.memory_space<hbm>> -> memref<80x128xf32, #tpu.memory_space<hbm>>
      tpu.wait_dma2 semaphore(%run_scoped3A : memref<!tpu.dma_semaphore, #tpu.memory_space<semaphore_mem>>) src(%arg13 : memref<80x128xf32, #tpu.memory_space<vmem>>) dst(%dma_wait3A_127 : memref<80x128xf32, #tpu.memory_space<hbm>>)
      tpu.yield
    }) : () -> ()
    %mul3A_47 = arith.constant 320 : i32
    %mul3A_48 = arith.muli %add3A, %mul3A_47 : i32
    %add3A_49 = arith.constant 240 : i32
    %add3A_50 = arith.addi %mul3A_48, %add3A_49 : i32
    "tpu.region"() ({
      %run_scoped3A = tpu.sem_alloc : memref<!tpu.dma_semaphore, #tpu.memory_space<semaphore_mem>>
      %dma_start3A_120 = tpu.memref_slice %arg2[%add3A_50] : memref<20480xi32, #tpu.memory_space<hbm>> -> memref<80xi32, #tpu.memory_space<hbm>>
      %dma_start3A_121 = tpu.memref_slice %arg2[%add3A_50] : memref<20480xi32, #tpu.memory_space<hbm>> -> memref<80xi32, #tpu.memory_space<hbm>>
      tpu.enqueue_dma source(%dma_start3A_121 : memref<80xi32, #tpu.memory_space<hbm>>) target(%arg12 : memref<80xi32, #tpu.memory_space<vmem>>) target_semaphore(%run_scoped3A : memref<!tpu.dma_semaphore, #tpu.memory_space<semaphore_mem>>)
      %dma_wait3A_122 = tpu.memref_slice %arg2[%add3A_50] : memref<20480xi32, #tpu.memory_space<hbm>> -> memref<80xi32, #tpu.memory_space<hbm>>
      %dma_wait3A_123 = tpu.memref_slice %arg2[%add3A_50] : memref<20480xi32, #tpu.memory_space<hbm>> -> memref<80xi32, #tpu.memory_space<hbm>>
      tpu.wait_dma2 semaphore(%run_scoped3A : memref<!tpu.dma_semaphore, #tpu.memory_space<semaphore_mem>>) src(%dma_wait3A_123 : memref<80xi32, #tpu.memory_space<hbm>>) dst(%arg12 : memref<80xi32, #tpu.memory_space<vmem>>)
      tpu.yield
    }) : () -> ()
    %dma_start3A_51 = arith.constant 0 : i32
    %dma_start3A_52 = arith.constant 0 : i32
    %dma_start3A_53 = tpu.memref_slice %arg3[%dma_start3A_51, %dma_start3A_52] : memref<100000x128xf32, #tpu.memory_space<hbm>> -> memref<100000x128xf32, #tpu.memory_space<hbm>>
    tpu.enqueue_indirect_dma source(%dma_start3A_53 : memref<100000x128xf32, #tpu.memory_space<hbm>>) target(%arg13 : memref<80x128xf32, #tpu.memory_space<vmem>>) offsets(%arg12 : memref<80xi32, #tpu.memory_space<vmem>>) semaphore(%arg17 : memref<!tpu.dma_semaphore, #tpu.memory_space<semaphore_mem>>)
    %dma_wait3A_54 = arith.constant 0 : i32
    %dma_wait3A_55 = arith.constant 0 : i32
    %dma_wait3A_56 = tpu.memref_slice %arg3[%dma_wait3A_54, %dma_wait3A_55] : memref<100000x128xf32, #tpu.memory_space<hbm>> -> memref<100000x128xf32, #tpu.memory_space<hbm>>
    tpu.wait_indirect_dma semaphore(%arg17 : memref<!tpu.dma_semaphore, #tpu.memory_space<semaphore_mem>>) src(%dma_wait3A_56 : memref<100000x128xf32, #tpu.memory_space<hbm>>) dst(%arg13 : memref<80x128xf32, #tpu.memory_space<vmem>>)
    "tpu.region"() ({
      %run_scoped3A = tpu.sem_alloc : memref<!tpu.dma_semaphore, #tpu.memory_space<semaphore_mem>>
      %dma_start3A_120 = arith.constant 0 : i32
      %dma_start3A_121 = tpu.memref_slice %arg6[%add3A_50, %dma_start3A_120] : memref<20480x128xf32, #tpu.memory_space<hbm>> -> memref<80x128xf32, #tpu.memory_space<hbm>>
      %dma_start3A_122 = arith.constant 0 : i32
      %dma_start3A_123 = tpu.memref_slice %arg6[%add3A_50, %dma_start3A_122] : memref<20480x128xf32, #tpu.memory_space<hbm>> -> memref<80x128xf32, #tpu.memory_space<hbm>>
      tpu.enqueue_dma source(%arg13 : memref<80x128xf32, #tpu.memory_space<vmem>>) target(%dma_start3A_123 : memref<80x128xf32, #tpu.memory_space<hbm>>) target_semaphore(%run_scoped3A : memref<!tpu.dma_semaphore, #tpu.memory_space<semaphore_mem>>)
      %dma_wait3A_124 = arith.constant 0 : i32
      %dma_wait3A_125 = tpu.memref_slice %arg6[%add3A_50, %dma_wait3A_124] : memref<20480x128xf32, #tpu.memory_space<hbm>> -> memref<80x128xf32, #tpu.memory_space<hbm>>
      %dma_wait3A_126 = arith.constant 0 : i32
      %dma_wait3A_127 = tpu.memref_slice %arg6[%add3A_50, %dma_wait3A_126] : memref<20480x128xf32, #tpu.memory_space<hbm>> -> memref<80x128xf32, #tpu.memory_space<hbm>>
      tpu.wait_dma2 semaphore(%run_scoped3A : memref<!tpu.dma_semaphore, #tpu.memory_space<semaphore_mem>>) src(%arg13 : memref<80x128xf32, #tpu.memory_space<vmem>>) dst(%dma_wait3A_127 : memref<80x128xf32, #tpu.memory_space<hbm>>)
      tpu.yield
    }) : () -> ()
    %mul3A_57 = arith.constant 320 : i32
    %mul3A_58 = arith.muli %add3A, %mul3A_57 : i32
    %add3A_59 = arith.constant 10240 : i32
    %add3A_60 = arith.addi %add3A_59, %mul3A_58 : i32
    %add3A_61 = arith.constant 0 : i32
    %add3A_62 = arith.addi %add3A_60, %add3A_61 : i32
    "tpu.region"() ({
      %run_scoped3A = tpu.sem_alloc : memref<!tpu.dma_semaphore, #tpu.memory_space<semaphore_mem>>
      %dma_start3A_120 = tpu.memref_slice %arg2[%add3A_62] : memref<20480xi32, #tpu.memory_space<hbm>> -> memref<80xi32, #tpu.memory_space<hbm>>
      %dma_start3A_121 = tpu.memref_slice %arg2[%add3A_62] : memref<20480xi32, #tpu.memory_space<hbm>> -> memref<80xi32, #tpu.memory_space<hbm>>
      tpu.enqueue_dma source(%dma_start3A_121 : memref<80xi32, #tpu.memory_space<hbm>>) target(%arg12 : memref<80xi32, #tpu.memory_space<vmem>>) target_semaphore(%run_scoped3A : memref<!tpu.dma_semaphore, #tpu.memory_space<semaphore_mem>>)
      %dma_wait3A_122 = tpu.memref_slice %arg2[%add3A_62] : memref<20480xi32, #tpu.memory_space<hbm>> -> memref<80xi32, #tpu.memory_space<hbm>>
      %dma_wait3A_123 = tpu.memref_slice %arg2[%add3A_62] : memref<20480xi32, #tpu.memory_space<hbm>> -> memref<80xi32, #tpu.memory_space<hbm>>
      tpu.wait_dma2 semaphore(%run_scoped3A : memref<!tpu.dma_semaphore, #tpu.memory_space<semaphore_mem>>) src(%dma_wait3A_123 : memref<80xi32, #tpu.memory_space<hbm>>) dst(%arg12 : memref<80xi32, #tpu.memory_space<vmem>>)
      tpu.yield
    }) : () -> ()
    %dma_start3A_63 = arith.constant 0 : i32
    %dma_start3A_64 = arith.constant 0 : i32
    %dma_start3A_65 = tpu.memref_slice %arg4[%dma_start3A_63, %dma_start3A_64] : memref<100000x128xf32, #tpu.memory_space<hbm>> -> memref<100000x128xf32, #tpu.memory_space<hbm>>
    tpu.enqueue_indirect_dma source(%dma_start3A_65 : memref<100000x128xf32, #tpu.memory_space<hbm>>) target(%arg13 : memref<80x128xf32, #tpu.memory_space<vmem>>) offsets(%arg12 : memref<80xi32, #tpu.memory_space<vmem>>) semaphore(%arg17 : memref<!tpu.dma_semaphore, #tpu.memory_space<semaphore_mem>>)
    %dma_wait3A_66 = arith.constant 0 : i32
    %dma_wait3A_67 = arith.constant 0 : i32
    %dma_wait3A_68 = tpu.memref_slice %arg4[%dma_wait3A_66, %dma_wait3A_67] : memref<100000x128xf32, #tpu.memory_space<hbm>> -> memref<100000x128xf32, #tpu.memory_space<hbm>>
    tpu.wait_indirect_dma semaphore(%arg17 : memref<!tpu.dma_semaphore, #tpu.memory_space<semaphore_mem>>) src(%dma_wait3A_68 : memref<100000x128xf32, #tpu.memory_space<hbm>>) dst(%arg13 : memref<80x128xf32, #tpu.memory_space<vmem>>)
    "tpu.region"() ({
      %run_scoped3A = tpu.sem_alloc : memref<!tpu.dma_semaphore, #tpu.memory_space<semaphore_mem>>
      %dma_start3A_120 = arith.constant 0 : i32
      %dma_start3A_121 = tpu.memref_slice %arg6[%add3A_62, %dma_start3A_120] : memref<20480x128xf32, #tpu.memory_space<hbm>> -> memref<80x128xf32, #tpu.memory_space<hbm>>
      %dma_start3A_122 = arith.constant 0 : i32
      %dma_start3A_123 = tpu.memref_slice %arg6[%add3A_62, %dma_start3A_122] : memref<20480x128xf32, #tpu.memory_space<hbm>> -> memref<80x128xf32, #tpu.memory_space<hbm>>
      tpu.enqueue_dma source(%arg13 : memref<80x128xf32, #tpu.memory_space<vmem>>) target(%dma_start3A_123 : memref<80x128xf32, #tpu.memory_space<hbm>>) target_semaphore(%run_scoped3A : memref<!tpu.dma_semaphore, #tpu.memory_space<semaphore_mem>>)
      %dma_wait3A_124 = arith.constant 0 : i32
      %dma_wait3A_125 = tpu.memref_slice %arg6[%add3A_62, %dma_wait3A_124] : memref<20480x128xf32, #tpu.memory_space<hbm>> -> memref<80x128xf32, #tpu.memory_space<hbm>>
      %dma_wait3A_126 = arith.constant 0 : i32
      %dma_wait3A_127 = tpu.memref_slice %arg6[%add3A_62, %dma_wait3A_126] : memref<20480x128xf32, #tpu.memory_space<hbm>> -> memref<80x128xf32, #tpu.memory_space<hbm>>
      tpu.wait_dma2 semaphore(%run_scoped3A : memref<!tpu.dma_semaphore, #tpu.memory_space<semaphore_mem>>) src(%arg13 : memref<80x128xf32, #tpu.memory_space<vmem>>) dst(%dma_wait3A_127 : memref<80x128xf32, #tpu.memory_space<hbm>>)
      tpu.yield
    }) : () -> ()
    %mul3A_69 = arith.constant 320 : i32
    %mul3A_70 = arith.muli %add3A, %mul3A_69 : i32
    %add3A_71 = arith.constant 10240 : i32
    %add3A_72 = arith.addi %add3A_71, %mul3A_70 : i32
    %add3A_73 = arith.constant 80 : i32
    %add3A_74 = arith.addi %add3A_72, %add3A_73 : i32
    "tpu.region"() ({
      %run_scoped3A = tpu.sem_alloc : memref<!tpu.dma_semaphore, #tpu.memory_space<semaphore_mem>>
      %dma_start3A_120 = tpu.memref_slice %arg2[%add3A_74] : memref<20480xi32, #tpu.memory_space<hbm>> -> memref<80xi32, #tpu.memory_space<hbm>>
      %dma_start3A_121 = tpu.memref_slice %arg2[%add3A_74] : memref<20480xi32, #tpu.memory_space<hbm>> -> memref<80xi32, #tpu.memory_space<hbm>>
      tpu.enqueue_dma source(%dma_start3A_121 : memref<80xi32, #tpu.memory_space<hbm>>) target(%arg12 : memref<80xi32, #tpu.memory_space<vmem>>) target_semaphore(%run_scoped3A : memref<!tpu.dma_semaphore, #tpu.memory_space<semaphore_mem>>)
      %dma_wait3A_122 = tpu.memref_slice %arg2[%add3A_74] : memref<20480xi32, #tpu.memory_space<hbm>> -> memref<80xi32, #tpu.memory_space<hbm>>
      %dma_wait3A_123 = tpu.memref_slice %arg2[%add3A_74] : memref<20480xi32, #tpu.memory_space<hbm>> -> memref<80xi32, #tpu.memory_space<hbm>>
      tpu.wait_dma2 semaphore(%run_scoped3A : memref<!tpu.dma_semaphore, #tpu.memory_space<semaphore_mem>>) src(%dma_wait3A_123 : memref<80xi32, #tpu.memory_space<hbm>>) dst(%arg12 : memref<80xi32, #tpu.memory_space<vmem>>)
      tpu.yield
    }) : () -> ()
    %dma_start3A_75 = arith.constant 0 : i32
    %dma_start3A_76 = arith.constant 0 : i32
    %dma_start3A_77 = tpu.memref_slice %arg4[%dma_start3A_75, %dma_start3A_76] : memref<100000x128xf32, #tpu.memory_space<hbm>> -> memref<100000x128xf32, #tpu.memory_space<hbm>>
    tpu.enqueue_indirect_dma source(%dma_start3A_77 : memref<100000x128xf32, #tpu.memory_space<hbm>>) target(%arg13 : memref<80x128xf32, #tpu.memory_space<vmem>>) offsets(%arg12 : memref<80xi32, #tpu.memory_space<vmem>>) semaphore(%arg17 : memref<!tpu.dma_semaphore, #tpu.memory_space<semaphore_mem>>)
    %dma_wait3A_78 = arith.constant 0 : i32
    %dma_wait3A_79 = arith.constant 0 : i32
    %dma_wait3A_80 = tpu.memref_slice %arg4[%dma_wait3A_78, %dma_wait3A_79] : memref<100000x128xf32, #tpu.memory_space<hbm>> -> memref<100000x128xf32, #tpu.memory_space<hbm>>
    tpu.wait_indirect_dma semaphore(%arg17 : memref<!tpu.dma_semaphore, #tpu.memory_space<semaphore_mem>>) src(%dma_wait3A_80 : memref<100000x128xf32, #tpu.memory_space<hbm>>) dst(%arg13 : memref<80x128xf32, #tpu.memory_space<vmem>>)
    "tpu.region"() ({
      %run_scoped3A = tpu.sem_alloc : memref<!tpu.dma_semaphore, #tpu.memory_space<semaphore_mem>>
      %dma_start3A_120 = arith.constant 0 : i32
      %dma_start3A_121 = tpu.memref_slice %arg6[%add3A_74, %dma_start3A_120] : memref<20480x128xf32, #tpu.memory_space<hbm>> -> memref<80x128xf32, #tpu.memory_space<hbm>>
      %dma_start3A_122 = arith.constant 0 : i32
      %dma_start3A_123 = tpu.memref_slice %arg6[%add3A_74, %dma_start3A_122] : memref<20480x128xf32, #tpu.memory_space<hbm>> -> memref<80x128xf32, #tpu.memory_space<hbm>>
      tpu.enqueue_dma source(%arg13 : memref<80x128xf32, #tpu.memory_space<vmem>>) target(%dma_start3A_123 : memref<80x128xf32, #tpu.memory_space<hbm>>) target_semaphore(%run_scoped3A : memref<!tpu.dma_semaphore, #tpu.memory_space<semaphore_mem>>)
      %dma_wait3A_124 = arith.constant 0 : i32
      %dma_wait3A_125 = tpu.memref_slice %arg6[%add3A_74, %dma_wait3A_124] : memref<20480x128xf32, #tpu.memory_space<hbm>> -> memref<80x128xf32, #tpu.memory_space<hbm>>
      %dma_wait3A_126 = arith.constant 0 : i32
      %dma_wait3A_127 = tpu.memref_slice %arg6[%add3A_74, %dma_wait3A_126] : memref<20480x128xf32, #tpu.memory_space<hbm>> -> memref<80x128xf32, #tpu.memory_space<hbm>>
      tpu.wait_dma2 semaphore(%run_scoped3A : memref<!tpu.dma_semaphore, #tpu.memory_space<semaphore_mem>>) src(%arg13 : memref<80x128xf32, #tpu.memory_space<vmem>>) dst(%dma_wait3A_127 : memref<80x128xf32, #tpu.memory_space<hbm>>)
      tpu.yield
    }) : () -> ()
    %mul3A_81 = arith.constant 320 : i32
    %mul3A_82 = arith.muli %add3A, %mul3A_81 : i32
    %add3A_83 = arith.constant 10240 : i32
    %add3A_84 = arith.addi %add3A_83, %mul3A_82 : i32
    %add3A_85 = arith.constant 160 : i32
    %add3A_86 = arith.addi %add3A_84, %add3A_85 : i32
    "tpu.region"() ({
      %run_scoped3A = tpu.sem_alloc : memref<!tpu.dma_semaphore, #tpu.memory_space<semaphore_mem>>
      %dma_start3A_120 = tpu.memref_slice %arg2[%add3A_86] : memref<20480xi32, #tpu.memory_space<hbm>> -> memref<80xi32, #tpu.memory_space<hbm>>
      %dma_start3A_121 = tpu.memref_slice %arg2[%add3A_86] : memref<20480xi32, #tpu.memory_space<hbm>> -> memref<80xi32, #tpu.memory_space<hbm>>
      tpu.enqueue_dma source(%dma_start3A_121 : memref<80xi32, #tpu.memory_space<hbm>>) target(%arg12 : memref<80xi32, #tpu.memory_space<vmem>>) target_semaphore(%run_scoped3A : memref<!tpu.dma_semaphore, #tpu.memory_space<semaphore_mem>>)
      %dma_wait3A_122 = tpu.memref_slice %arg2[%add3A_86] : memref<20480xi32, #tpu.memory_space<hbm>> -> memref<80xi32, #tpu.memory_space<hbm>>
      %dma_wait3A_123 = tpu.memref_slice %arg2[%add3A_86] : memref<20480xi32, #tpu.memory_space<hbm>> -> memref<80xi32, #tpu.memory_space<hbm>>
      tpu.wait_dma2 semaphore(%run_scoped3A : memref<!tpu.dma_semaphore, #tpu.memory_space<semaphore_mem>>) src(%dma_wait3A_123 : memref<80xi32, #tpu.memory_space<hbm>>) dst(%arg12 : memref<80xi32, #tpu.memory_space<vmem>>)
      tpu.yield
    }) : () -> ()
    %dma_start3A_87 = arith.constant 0 : i32
    %dma_start3A_88 = arith.constant 0 : i32
    %dma_start3A_89 = tpu.memref_slice %arg4[%dma_start3A_87, %dma_start3A_88] : memref<100000x128xf32, #tpu.memory_space<hbm>> -> memref<100000x128xf32, #tpu.memory_space<hbm>>
    tpu.enqueue_indirect_dma source(%dma_start3A_89 : memref<100000x128xf32, #tpu.memory_space<hbm>>) target(%arg13 : memref<80x128xf32, #tpu.memory_space<vmem>>) offsets(%arg12 : memref<80xi32, #tpu.memory_space<vmem>>) semaphore(%arg17 : memref<!tpu.dma_semaphore, #tpu.memory_space<semaphore_mem>>)
    %dma_wait3A_90 = arith.constant 0 : i32
    %dma_wait3A_91 = arith.constant 0 : i32
    %dma_wait3A_92 = tpu.memref_slice %arg4[%dma_wait3A_90, %dma_wait3A_91] : memref<100000x128xf32, #tpu.memory_space<hbm>> -> memref<100000x128xf32, #tpu.memory_space<hbm>>
    tpu.wait_indirect_dma semaphore(%arg17 : memref<!tpu.dma_semaphore, #tpu.memory_space<semaphore_mem>>) src(%dma_wait3A_92 : memref<100000x128xf32, #tpu.memory_space<hbm>>) dst(%arg13 : memref<80x128xf32, #tpu.memory_space<vmem>>)
    "tpu.region"() ({
      %run_scoped3A = tpu.sem_alloc : memref<!tpu.dma_semaphore, #tpu.memory_space<semaphore_mem>>
      %dma_start3A_120 = arith.constant 0 : i32
      %dma_start3A_121 = tpu.memref_slice %arg6[%add3A_86, %dma_start3A_120] : memref<20480x128xf32, #tpu.memory_space<hbm>> -> memref<80x128xf32, #tpu.memory_space<hbm>>
      %dma_start3A_122 = arith.constant 0 : i32
      %dma_start3A_123 = tpu.memref_slice %arg6[%add3A_86, %dma_start3A_122] : memref<20480x128xf32, #tpu.memory_space<hbm>> -> memref<80x128xf32, #tpu.memory_space<hbm>>
      tpu.enqueue_dma source(%arg13 : memref<80x128xf32, #tpu.memory_space<vmem>>) target(%dma_start3A_123 : memref<80x128xf32, #tpu.memory_space<hbm>>) target_semaphore(%run_scoped3A : memref<!tpu.dma_semaphore, #tpu.memory_space<semaphore_mem>>)
      %dma_wait3A_124 = arith.constant 0 : i32
      %dma_wait3A_125 = tpu.memref_slice %arg6[%add3A_86, %dma_wait3A_124] : memref<20480x128xf32, #tpu.memory_space<hbm>> -> memref<80x128xf32, #tpu.memory_space<hbm>>
      %dma_wait3A_126 = arith.constant 0 : i32
      %dma_wait3A_127 = tpu.memref_slice %arg6[%add3A_86, %dma_wait3A_126] : memref<20480x128xf32, #tpu.memory_space<hbm>> -> memref<80x128xf32, #tpu.memory_space<hbm>>
      tpu.wait_dma2 semaphore(%run_scoped3A : memref<!tpu.dma_semaphore, #tpu.memory_space<semaphore_mem>>) src(%arg13 : memref<80x128xf32, #tpu.memory_space<vmem>>) dst(%dma_wait3A_127 : memref<80x128xf32, #tpu.memory_space<hbm>>)
      tpu.yield
    }) : () -> ()
    %mul3A_93 = arith.constant 320 : i32
    %mul3A_94 = arith.muli %add3A, %mul3A_93 : i32
    %add3A_95 = arith.constant 10240 : i32
    %add3A_96 = arith.addi %add3A_95, %mul3A_94 : i32
    %add3A_97 = arith.constant 240 : i32
    %add3A_98 = arith.addi %add3A_96, %add3A_97 : i32
    "tpu.region"() ({
      %run_scoped3A = tpu.sem_alloc : memref<!tpu.dma_semaphore, #tpu.memory_space<semaphore_mem>>
      %dma_start3A_120 = tpu.memref_slice %arg2[%add3A_98] : memref<20480xi32, #tpu.memory_space<hbm>> -> memref<80xi32, #tpu.memory_space<hbm>>
      %dma_start3A_121 = tpu.memref_slice %arg2[%add3A_98] : memref<20480xi32, #tpu.memory_space<hbm>> -> memref<80xi32, #tpu.memory_space<hbm>>
      tpu.enqueue_dma source(%dma_start3A_121 : memref<80xi32, #tpu.memory_space<hbm>>) target(%arg12 : memref<80xi32, #tpu.memory_space<vmem>>) target_semaphore(%run_scoped3A : memref<!tpu.dma_semaphore, #tpu.memory_space<semaphore_mem>>)
      %dma_wait3A_122 = tpu.memref_slice %arg2[%add3A_98] : memref<20480xi32, #tpu.memory_space<hbm>> -> memref<80xi32, #tpu.memory_space<hbm>>
      %dma_wait3A_123 = tpu.memref_slice %arg2[%add3A_98] : memref<20480xi32, #tpu.memory_space<hbm>> -> memref<80xi32, #tpu.memory_space<hbm>>
      tpu.wait_dma2 semaphore(%run_scoped3A : memref<!tpu.dma_semaphore, #tpu.memory_space<semaphore_mem>>) src(%dma_wait3A_123 : memref<80xi32, #tpu.memory_space<hbm>>) dst(%arg12 : memref<80xi32, #tpu.memory_space<vmem>>)
      tpu.yield
    }) : () -> ()
    %dma_start3A_99 = arith.constant 0 : i32
    %dma_start3A_100 = arith.constant 0 : i32
    %dma_start3A_101 = tpu.memref_slice %arg4[%dma_start3A_99, %dma_start3A_100] : memref<100000x128xf32, #tpu.memory_space<hbm>> -> memref<100000x128xf32, #tpu.memory_space<hbm>>
    tpu.enqueue_indirect_dma source(%dma_start3A_101 : memref<100000x128xf32, #tpu.memory_space<hbm>>) target(%arg13 : memref<80x128xf32, #tpu.memory_space<vmem>>) offsets(%arg12 : memref<80xi32, #tpu.memory_space<vmem>>) semaphore(%arg17 : memref<!tpu.dma_semaphore, #tpu.memory_space<semaphore_mem>>)
    %dma_wait3A_102 = arith.constant 0 : i32
    %dma_wait3A_103 = arith.constant 0 : i32
    %dma_wait3A_104 = tpu.memref_slice %arg4[%dma_wait3A_102, %dma_wait3A_103] : memref<100000x128xf32, #tpu.memory_space<hbm>> -> memref<100000x128xf32, #tpu.memory_space<hbm>>
    tpu.wait_indirect_dma semaphore(%arg17 : memref<!tpu.dma_semaphore, #tpu.memory_space<semaphore_mem>>) src(%dma_wait3A_104 : memref<100000x128xf32, #tpu.memory_space<hbm>>) dst(%arg13 : memref<80x128xf32, #tpu.memory_space<vmem>>)
    "tpu.region"() ({
      %run_scoped3A = tpu.sem_alloc : memref<!tpu.dma_semaphore, #tpu.memory_space<semaphore_mem>>
      %dma_start3A_120 = arith.constant 0 : i32
      %dma_start3A_121 = tpu.memref_slice %arg6[%add3A_98, %dma_start3A_120] : memref<20480x128xf32, #tpu.memory_space<hbm>> -> memref<80x128xf32, #tpu.memory_space<hbm>>
      %dma_start3A_122 = arith.constant 0 : i32
      %dma_start3A_123 = tpu.memref_slice %arg6[%add3A_98, %dma_start3A_122] : memref<20480x128xf32, #tpu.memory_space<hbm>> -> memref<80x128xf32, #tpu.memory_space<hbm>>
      tpu.enqueue_dma source(%arg13 : memref<80x128xf32, #tpu.memory_space<vmem>>) target(%dma_start3A_123 : memref<80x128xf32, #tpu.memory_space<hbm>>) target_semaphore(%run_scoped3A : memref<!tpu.dma_semaphore, #tpu.memory_space<semaphore_mem>>)
      %dma_wait3A_124 = arith.constant 0 : i32
      %dma_wait3A_125 = tpu.memref_slice %arg6[%add3A_98, %dma_wait3A_124] : memref<20480x128xf32, #tpu.memory_space<hbm>> -> memref<80x128xf32, #tpu.memory_space<hbm>>
      %dma_wait3A_126 = arith.constant 0 : i32
      %dma_wait3A_127 = tpu.memref_slice %arg6[%add3A_98, %dma_wait3A_126] : memref<20480x128xf32, #tpu.memory_space<hbm>> -> memref<80x128xf32, #tpu.memory_space<hbm>>
      tpu.wait_dma2 semaphore(%run_scoped3A : memref<!tpu.dma_semaphore, #tpu.memory_space<semaphore_mem>>) src(%arg13 : memref<80x128xf32, #tpu.memory_space<vmem>>) dst(%dma_wait3A_127 : memref<80x128xf32, #tpu.memory_space<hbm>>)
      tpu.yield
    }) : () -> ()
    %scan3A_105 = arith.constant 0 : i32
    %scan3A_106 = arith.constant 0 : i32
    %scan3A_107 = arith.constant 40 : i32
    %scan3A_108 = arith.addi %scan3A_106, %scan3A_107 : i32
    %scan3A_109 = arith.constant 1 : i32
    %scan3A_110 = scf.for %scan3A_120 = %scan3A_106 to %scan3A_108 step %scan3A_109 iter_args(%scan3A_121 = %scan3A_105) -> (i32)  : i32 {
      %mul3A_122 = arith.constant 327680 : i32
      %mul3A_123 = arith.muli %arg0, %mul3A_122 : i32
      %mul3A_124 = arith.constant 20480 : i32
      %mul3A_125 = arith.muli %arg1, %mul3A_124 : i32
      %add3A_126 = arith.addi %mul3A_123, %mul3A_125 : i32
      %mul3A_127 = arith.constant 4 : i32
      %mul3A_128 = arith.muli %mul3A_127, %scan3A_120 : i32
      %mul3A_129 = arith.constant 128 : i32
      %mul3A_130 = arith.muli %mul3A_128, %mul3A_129 : i32
      %add3A_131 = arith.addi %add3A_126, %mul3A_130 : i32
      %dma_start3A_132 = tpu.memref_slice %arg5[%add3A_131] : memref<655360xi32, #tpu.memory_space<hbm>> -> memref<128xi32, #tpu.memory_space<hbm>>
      %dma_start3A_133 = tpu.memref_slice %arg5[%add3A_131] : memref<655360xi32, #tpu.memory_space<hbm>> -> memref<128xi32, #tpu.memory_space<hbm>>
      tpu.enqueue_dma source(%dma_start3A_133 : memref<128xi32, #tpu.memory_space<hbm>>) target(%arg8 : memref<128xi32, #tpu.memory_space<vmem>>) target_semaphore(%arg18 : memref<!tpu.dma_semaphore, #tpu.memory_space<semaphore_mem>>)
      %add3A_134 = arith.constant 128 : i32
      %add3A_135 = arith.addi %add3A_131, %add3A_134 : i32
      %dma_start3A_136 = tpu.memref_slice %arg5[%add3A_135] : memref<655360xi32, #tpu.memory_space<hbm>> -> memref<128xi32, #tpu.memory_space<hbm>>
      %dma_start3A_137 = tpu.memref_slice %arg5[%add3A_135] : memref<655360xi32, #tpu.memory_space<hbm>> -> memref<128xi32, #tpu.memory_space<hbm>>
      tpu.enqueue_dma source(%dma_start3A_137 : memref<128xi32, #tpu.memory_space<hbm>>) target(%arg9 : memref<128xi32, #tpu.memory_space<vmem>>) target_semaphore(%arg19 : memref<!tpu.dma_semaphore, #tpu.memory_space<semaphore_mem>>)
      %add3A_138 = arith.constant 256 : i32
      %add3A_139 = arith.addi %add3A_131, %add3A_138 : i32
      %dma_start3A_140 = tpu.memref_slice %arg5[%add3A_139] : memref<655360xi32, #tpu.memory_space<hbm>> -> memref<128xi32, #tpu.memory_space<hbm>>
      %dma_start3A_141 = tpu.memref_slice %arg5[%add3A_139] : memref<655360xi32, #tpu.memory_space<hbm>> -> memref<128xi32, #tpu.memory_space<hbm>>
      tpu.enqueue_dma source(%dma_start3A_141 : memref<128xi32, #tpu.memory_space<hbm>>) target(%arg10 : memref<128xi32, #tpu.memory_space<vmem>>) target_semaphore(%arg18 : memref<!tpu.dma_semaphore, #tpu.memory_space<semaphore_mem>>)
      %add3A_142 = arith.constant 384 : i32
      %add3A_143 = arith.addi %add3A_131, %add3A_142 : i32
      %dma_start3A_144 = tpu.memref_slice %arg5[%add3A_143] : memref<655360xi32, #tpu.memory_space<hbm>> -> memref<128xi32, #tpu.memory_space<hbm>>
      %dma_start3A_145 = tpu.memref_slice %arg5[%add3A_143] : memref<655360xi32, #tpu.memory_space<hbm>> -> memref<128xi32, #tpu.memory_space<hbm>>
      tpu.enqueue_dma source(%dma_start3A_145 : memref<128xi32, #tpu.memory_space<hbm>>) target(%arg11 : memref<128xi32, #tpu.memory_space<vmem>>) target_semaphore(%arg19 : memref<!tpu.dma_semaphore, #tpu.memory_space<semaphore_mem>>)
      %dma_wait3A_146 = tpu.memref_slice %arg5[%add3A_131] : memref<655360xi32, #tpu.memory_space<hbm>> -> memref<128xi32, #tpu.memory_space<hbm>>
      %dma_wait3A_147 = tpu.memref_slice %arg5[%add3A_131] : memref<655360xi32, #tpu.memory_space<hbm>> -> memref<128xi32, #tpu.memory_space<hbm>>
      tpu.wait_dma2 semaphore(%arg18 : memref<!tpu.dma_semaphore, #tpu.memory_space<semaphore_mem>>) src(%dma_wait3A_147 : memref<128xi32, #tpu.memory_space<hbm>>) dst(%arg8 : memref<128xi32, #tpu.memory_space<vmem>>)
      %dma_start3A_148 = arith.constant 0 : i32
      %dma_start3A_149 = tpu.memref_slice %arg16[%dma_start3A_148] : memref<10240xf32, #tpu.memory_space<vmem_shared>> -> memref<10240xf32, #tpu.memory_space<vmem_shared>>
      tpu.enqueue_indirect_dma source(%arg14 : memref<128xf32, #tpu.memory_space<vmem>>) target(%dma_start3A_149 : memref<10240xf32, #tpu.memory_space<vmem_shared>>) offsets(%arg8 : memref<128xi32, #tpu.memory_space<vmem>>) semaphore(%arg20 : memref<!tpu.dma_semaphore, #tpu.memory_space<semaphore_mem>>) {add = true}
      %dma_wait3A_150 = tpu.memref_slice %arg5[%add3A_135] : memref<655360xi32, #tpu.memory_space<hbm>> -> memref<128xi32, #tpu.memory_space<hbm>>
      %dma_wait3A_151 = tpu.memref_slice %arg5[%add3A_135] : memref<655360xi32, #tpu.memory_space<hbm>> -> memref<128xi32, #tpu.memory_space<hbm>>
      tpu.wait_dma2 semaphore(%arg19 : memref<!tpu.dma_semaphore, #tpu.memory_space<semaphore_mem>>) src(%dma_wait3A_151 : memref<128xi32, #tpu.memory_space<hbm>>) dst(%arg9 : memref<128xi32, #tpu.memory_space<vmem>>)
      %dma_start3A_152 = arith.constant 0 : i32
      %dma_start3A_153 = tpu.memref_slice %arg16[%dma_start3A_152] : memref<10240xf32, #tpu.memory_space<vmem_shared>> -> memref<10240xf32, #tpu.memory_space<vmem_shared>>
      tpu.enqueue_indirect_dma source(%arg14 : memref<128xf32, #tpu.memory_space<vmem>>) target(%dma_start3A_153 : memref<10240xf32, #tpu.memory_space<vmem_shared>>) offsets(%arg9 : memref<128xi32, #tpu.memory_space<vmem>>) semaphore(%arg21 : memref<!tpu.dma_semaphore, #tpu.memory_space<semaphore_mem>>) {add = true}
      %dma_wait3A_154 = arith.constant 0 : i32
      %dma_wait3A_155 = tpu.memref_slice %arg16[%dma_wait3A_154] : memref<10240xf32, #tpu.memory_space<vmem_shared>> -> memref<10240xf32, #tpu.memory_space<vmem_shared>>
      tpu.wait_indirect_dma semaphore(%arg20 : memref<!tpu.dma_semaphore, #tpu.memory_space<semaphore_mem>>) src(%arg14 : memref<128xf32, #tpu.memory_space<vmem>>) dst(%dma_wait3A_155 : memref<10240xf32, #tpu.memory_space<vmem_shared>>)
      %dma_wait3A_156 = tpu.memref_slice %arg5[%add3A_139] : memref<655360xi32, #tpu.memory_space<hbm>> -> memref<128xi32, #tpu.memory_space<hbm>>
      %dma_wait3A_157 = tpu.memref_slice %arg5[%add3A_139] : memref<655360xi32, #tpu.memory_space<hbm>> -> memref<128xi32, #tpu.memory_space<hbm>>
      tpu.wait_dma2 semaphore(%arg18 : memref<!tpu.dma_semaphore, #tpu.memory_space<semaphore_mem>>) src(%dma_wait3A_157 : memref<128xi32, #tpu.memory_space<hbm>>) dst(%arg10 : memref<128xi32, #tpu.memory_space<vmem>>)
      %dma_start3A_158 = arith.constant 0 : i32
      %dma_start3A_159 = tpu.memref_slice %arg16[%dma_start3A_158] : memref<10240xf32, #tpu.memory_space<vmem_shared>> -> memref<10240xf32, #tpu.memory_space<vmem_shared>>
      tpu.enqueue_indirect_dma source(%arg14 : memref<128xf32, #tpu.memory_space<vmem>>) target(%dma_start3A_159 : memref<10240xf32, #tpu.memory_space<vmem_shared>>) offsets(%arg10 : memref<128xi32, #tpu.memory_space<vmem>>) semaphore(%arg20 : memref<!tpu.dma_semaphore, #tpu.memory_space<semaphore_mem>>) {add = true}
      %dma_wait3A_160 = arith.constant 0 : i32
      %dma_wait3A_161 = tpu.memref_slice %arg16[%dma_wait3A_160] : memref<10240xf32, #tpu.memory_space<vmem_shared>> -> memref<10240xf32, #tpu.memory_space<vmem_shared>>
      tpu.wait_indirect_dma semaphore(%arg21 : memref<!tpu.dma_semaphore, #tpu.memory_space<semaphore_mem>>) src(%arg14 : memref<128xf32, #tpu.memory_space<vmem>>) dst(%dma_wait3A_161 : memref<10240xf32, #tpu.memory_space<vmem_shared>>)
      %dma_wait3A_162 = tpu.memref_slice %arg5[%add3A_143] : memref<655360xi32, #tpu.memory_space<hbm>> -> memref<128xi32, #tpu.memory_space<hbm>>
      %dma_wait3A_163 = tpu.memref_slice %arg5[%add3A_143] : memref<655360xi32, #tpu.memory_space<hbm>> -> memref<128xi32, #tpu.memory_space<hbm>>
      tpu.wait_dma2 semaphore(%arg19 : memref<!tpu.dma_semaphore, #tpu.memory_space<semaphore_mem>>) src(%dma_wait3A_163 : memref<128xi32, #tpu.memory_space<hbm>>) dst(%arg11 : memref<128xi32, #tpu.memory_space<vmem>>)
      %dma_start3A_164 = arith.constant 0 : i32
      %dma_start3A_165 = tpu.memref_slice %arg16[%dma_start3A_164] : memref<10240xf32, #tpu.memory_space<vmem_shared>> -> memref<10240xf32, #tpu.memory_space<vmem_shared>>
      tpu.enqueue_indirect_dma source(%arg14 : memref<128xf32, #tpu.memory_space<vmem>>) target(%dma_start3A_165 : memref<10240xf32, #tpu.memory_space<vmem_shared>>) offsets(%arg11 : memref<128xi32, #tpu.memory_space<vmem>>) semaphore(%arg21 : memref<!tpu.dma_semaphore, #tpu.memory_space<semaphore_mem>>) {add = true}
      %dma_wait3A_166 = arith.constant 0 : i32
      %dma_wait3A_167 = tpu.memref_slice %arg16[%dma_wait3A_166] : memref<10240xf32, #tpu.memory_space<vmem_shared>> -> memref<10240xf32, #tpu.memory_space<vmem_shared>>
      tpu.wait_indirect_dma semaphore(%arg20 : memref<!tpu.dma_semaphore, #tpu.memory_space<semaphore_mem>>) src(%arg14 : memref<128xf32, #tpu.memory_space<vmem>>) dst(%dma_wait3A_167 : memref<10240xf32, #tpu.memory_space<vmem_shared>>)
      %dma_wait3A_168 = arith.constant 0 : i32
      %dma_wait3A_169 = tpu.memref_slice %arg16[%dma_wait3A_168] : memref<10240xf32, #tpu.memory_space<vmem_shared>> -> memref<10240xf32, #tpu.memory_space<vmem_shared>>
      tpu.wait_indirect_dma semaphore(%arg21 : memref<!tpu.dma_semaphore, #tpu.memory_space<semaphore_mem>>) src(%arg14 : memref<128xf32, #tpu.memory_space<vmem>>) dst(%dma_wait3A_169 : memref<10240xf32, #tpu.memory_space<vmem_shared>>)
      %scan3A_170 = arith.constant 0 : i32
      scf.yield %scan3A_170 : i32
    }
    %scan3A_111 = arith.constant 40 : i32
    %barrier3A_112 = arith.constant 0 : index
    tpu.barrier barrier_id(%barrier3A_112)
    %mul3A_113 = arith.constant 640 : i32
    %mul3A_114 = arith.muli %arg1, %mul3A_113 : i32
    %mul3A_115 = arith.constant 10240 : i32
    %mul3A_116 = arith.muli %arg0, %mul3A_115 : i32
    %mul3A_117 = arith.constant 640 : i32
    %mul3A_118 = arith.muli %arg1, %mul3A_117 : i32
    %add3A_119 = arith.addi %mul3A_116, %mul3A_118 : i32
    "tpu.region"() ({
      %run_scoped3A = tpu.sem_alloc : memref<!tpu.dma_semaphore, #tpu.memory_space<semaphore_mem>>
      %dma_start3A_120 = tpu.memref_slice %arg7[%add3A_119] : memref<20480xf32, #tpu.memory_space<hbm>> -> memref<640xf32, #tpu.memory_space<hbm>>
      %dma_start3A_121 = tpu.memref_slice %arg16[%mul3A_114] : memref<10240xf32, #tpu.memory_space<vmem_shared>> -> memref<640xf32, #tpu.memory_space<vmem_shared>>
      tpu.enqueue_dma source(%dma_start3A_121 : memref<640xf32, #tpu.memory_space<vmem_shared>>) target(%dma_start3A_120 : memref<640xf32, #tpu.memory_space<hbm>>) target_semaphore(%run_scoped3A : memref<!tpu.dma_semaphore, #tpu.memory_space<semaphore_mem>>)
      %dma_wait3A_122 = tpu.memref_slice %arg7[%add3A_119] : memref<20480xf32, #tpu.memory_space<hbm>> -> memref<640xf32, #tpu.memory_space<hbm>>
      %dma_wait3A_123 = tpu.memref_slice %arg16[%mul3A_114] : memref<10240xf32, #tpu.memory_space<vmem_shared>> -> memref<640xf32, #tpu.memory_space<vmem_shared>>
      tpu.wait_dma2 semaphore(%run_scoped3A : memref<!tpu.dma_semaphore, #tpu.memory_space<semaphore_mem>>) src(%dma_wait3A_123 : memref<640xf32, #tpu.memory_space<vmem_shared>>) dst(%dma_wait3A_122 : memref<640xf32, #tpu.memory_space<hbm>>)
      tpu.yield
    }) : () -> ()
    return
  }
}

#map = affine_map<(d0, d1) -> (0, 0)>
#map1 = affine_map<(d0, d1) -> (0)>
module attributes {stable_mosaic.version = 14 : i64} {
  func.func @_segsum_body(%arg0: i32, %arg1: i32, %arg2: memref<20480x128xf32, #tpu.memory_space<hbm>>, %arg3: memref<655360xi32, #tpu.memory_space<hbm>>, %arg4: memref<655360xi32, #tpu.memory_space<hbm>>, %arg5: memref<20480x128xf32, #tpu.memory_space<hbm>>, %arg6: memref<128xi32, #tpu.memory_space<vmem>>, %arg7: memref<128xi32, #tpu.memory_space<vmem>>, %arg8: memref<128x128xf32, #tpu.memory_space<vmem>>, %arg9: memref<128xi32, #tpu.memory_space<vmem>>, %arg10: memref<128xi32, #tpu.memory_space<vmem>>, %arg11: memref<128x128xf32, #tpu.memory_space<vmem>>, %arg12: memref<128xi32, #tpu.memory_space<vmem>>, %arg13: memref<128xi32, #tpu.memory_space<vmem>>, %arg14: memref<128xi32, #tpu.memory_space<vmem>>, %arg15: memref<128xi32, #tpu.memory_space<vmem>>, %arg16: memref<10240x128xf32, #tpu.memory_space<vmem_shared>>, %arg17: memref<!tpu.dma_semaphore, #tpu.memory_space<semaphore_mem>>, %arg18: memref<!tpu.dma_semaphore, #tpu.memory_space<semaphore_mem>>, %arg19: memref<!tpu.dma_semaphore, #tpu.memory_space<semaphore_mem>>, %arg20: memref<!tpu.dma_semaphore, #tpu.memory_space<semaphore_mem>>, %arg21: memref<!tpu.dma_semaphore, #tpu.memory_space<semaphore_mem>>, %arg22: memref<!tpu.dma_semaphore, #tpu.memory_space<semaphore_mem>>, %arg23: memref<!tpu.dma_semaphore, #tpu.memory_space<semaphore_mem>>, %arg24: memref<!tpu.dma_semaphore, #tpu.memory_space<semaphore_mem>>) attributes {dimension_semantics = [#tpu.dimension_semantics<core_parallel>, #tpu.dimension_semantics<subcore_parallel>], iteration_bounds = array<i64: 2, 16>, scalar_prefetch = 0 : i64, scratch_operands = 19 : i64, tpu.core_type = #tpu.core_type<sc_vector_subcore>, window_params = [{transform_indices = #map}, {transform_indices = #map1}, {transform_indices = #map1}, {transform_indices = #map}]} {
    %mul3A = arith.constant 327680 : i32
    %mul3A_0 = arith.muli %arg0, %mul3A : i32
    %mul3A_1 = arith.constant 20480 : i32
    %mul3A_2 = arith.muli %arg1, %mul3A_1 : i32
    %add3A = arith.addi %mul3A_0, %mul3A_2 : i32
    %broadcast_in_dim3A = arith.constant 0.000000e+00 : f32
    %broadcast_in_dim3A_3 = vector.broadcast %broadcast_in_dim3A : f32 to vector<16xf32>
    %scan3A = arith.constant 0 : i32
    %scan3A_4 = arith.constant 0 : i32
    %scan3A_5 = arith.constant 128 : i32
    %scan3A_6 = arith.addi %scan3A_4, %scan3A_5 : i32
    %scan3A_7 = arith.constant 1 : i32
    %scan3A_8 = scf.for %scan3A_45 = %scan3A_4 to %scan3A_6 step %scan3A_7 iter_args(%scan3A_46 = %scan3A) -> (i32)  : i32 {
      %swap3A = arith.index_cast %scan3A_45 : i32 to index
      %swap3A_47 = arith.constant 0 : index
      %swap3A_48 = tpu.vector_load %arg8[%swap3A, %swap3A_47] {strides = array<i32>} : memref<128x128xf32, #tpu.memory_space<vmem>>, vector<1x16xf32>,
      %swap3A_49 = vector.shape_cast %swap3A_48 : vector<1x16xf32> to vector<16xf32>
      %swap3A_50 = vector.shape_cast %broadcast_in_dim3A_3 : vector<16xf32> to vector<1x16xf32>
      tpu.vector_store %arg8[%swap3A, %swap3A_47], %swap3A_50 {strides = array<i32>} : memref<128x128xf32, #tpu.memory_space<vmem>>, vector<1x16xf32>,
      %swap3A_51 = arith.index_cast %scan3A_45 : i32 to index
      %swap3A_52 = arith.constant 16 : index
      %swap3A_53 = tpu.vector_load %arg8[%swap3A_51, %swap3A_52] {strides = array<i32>} : memref<128x128xf32, #tpu.memory_space<vmem>>, vector<1x16xf32>,
      %swap3A_54 = vector.shape_cast %swap3A_53 : vector<1x16xf32> to vector<16xf32>
      %swap3A_55 = vector.shape_cast %broadcast_in_dim3A_3 : vector<16xf32> to vector<1x16xf32>
      tpu.vector_store %arg8[%swap3A_51, %swap3A_52], %swap3A_55 {strides = array<i32>} : memref<128x128xf32, #tpu.memory_space<vmem>>, vector<1x16xf32>,
      %swap3A_56 = arith.index_cast %scan3A_45 : i32 to index
      %swap3A_57 = arith.constant 32 : index
      %swap3A_58 = tpu.vector_load %arg8[%swap3A_56, %swap3A_57] {strides = array<i32>} : memref<128x128xf32, #tpu.memory_space<vmem>>, vector<1x16xf32>,
      %swap3A_59 = vector.shape_cast %swap3A_58 : vector<1x16xf32> to vector<16xf32>
      %swap3A_60 = vector.shape_cast %broadcast_in_dim3A_3 : vector<16xf32> to vector<1x16xf32>
      tpu.vector_store %arg8[%swap3A_56, %swap3A_57], %swap3A_60 {strides = array<i32>} : memref<128x128xf32, #tpu.memory_space<vmem>>, vector<1x16xf32>,
      %swap3A_61 = arith.index_cast %scan3A_45 : i32 to index
      %swap3A_62 = arith.constant 48 : index
      %swap3A_63 = tpu.vector_load %arg8[%swap3A_61, %swap3A_62] {strides = array<i32>} : memref<128x128xf32, #tpu.memory_space<vmem>>, vector<1x16xf32>,
      %swap3A_64 = vector.shape_cast %swap3A_63 : vector<1x16xf32> to vector<16xf32>
      %swap3A_65 = vector.shape_cast %broadcast_in_dim3A_3 : vector<16xf32> to vector<1x16xf32>
      tpu.vector_store %arg8[%swap3A_61, %swap3A_62], %swap3A_65 {strides = array<i32>} : memref<128x128xf32, #tpu.memory_space<vmem>>, vector<1x16xf32>,
      %swap3A_66 = arith.index_cast %scan3A_45 : i32 to index
      %swap3A_67 = arith.constant 64 : index
      %swap3A_68 = tpu.vector_load %arg8[%swap3A_66, %swap3A_67] {strides = array<i32>} : memref<128x128xf32, #tpu.memory_space<vmem>>, vector<1x16xf32>,
      %swap3A_69 = vector.shape_cast %swap3A_68 : vector<1x16xf32> to vector<16xf32>
      %swap3A_70 = vector.shape_cast %broadcast_in_dim3A_3 : vector<16xf32> to vector<1x16xf32>
      tpu.vector_store %arg8[%swap3A_66, %swap3A_67], %swap3A_70 {strides = array<i32>} : memref<128x128xf32, #tpu.memory_space<vmem>>, vector<1x16xf32>,
      %swap3A_71 = arith.index_cast %scan3A_45 : i32 to index
      %swap3A_72 = arith.constant 80 : index
      %swap3A_73 = tpu.vector_load %arg8[%swap3A_71, %swap3A_72] {strides = array<i32>} : memref<128x128xf32, #tpu.memory_space<vmem>>, vector<1x16xf32>,
      %swap3A_74 = vector.shape_cast %swap3A_73 : vector<1x16xf32> to vector<16xf32>
      %swap3A_75 = vector.shape_cast %broadcast_in_dim3A_3 : vector<16xf32> to vector<1x16xf32>
      tpu.vector_store %arg8[%swap3A_71, %swap3A_72], %swap3A_75 {strides = array<i32>} : memref<128x128xf32, #tpu.memory_space<vmem>>, vector<1x16xf32>,
      %swap3A_76 = arith.index_cast %scan3A_45 : i32 to index
      %swap3A_77 = arith.constant 96 : index
      %swap3A_78 = tpu.vector_load %arg8[%swap3A_76, %swap3A_77] {strides = array<i32>} : memref<128x128xf32, #tpu.memory_space<vmem>>, vector<1x16xf32>,
      %swap3A_79 = vector.shape_cast %swap3A_78 : vector<1x16xf32> to vector<16xf32>
      %swap3A_80 = vector.shape_cast %broadcast_in_dim3A_3 : vector<16xf32> to vector<1x16xf32>
      tpu.vector_store %arg8[%swap3A_76, %swap3A_77], %swap3A_80 {strides = array<i32>} : memref<128x128xf32, #tpu.memory_space<vmem>>, vector<1x16xf32>,
      %swap3A_81 = arith.index_cast %scan3A_45 : i32 to index
      %swap3A_82 = arith.constant 112 : index
      %swap3A_83 = tpu.vector_load %arg8[%swap3A_81, %swap3A_82] {strides = array<i32>} : memref<128x128xf32, #tpu.memory_space<vmem>>, vector<1x16xf32>,
      %swap3A_84 = vector.shape_cast %swap3A_83 : vector<1x16xf32> to vector<16xf32>
      %swap3A_85 = vector.shape_cast %broadcast_in_dim3A_3 : vector<16xf32> to vector<1x16xf32>
      tpu.vector_store %arg8[%swap3A_81, %swap3A_82], %swap3A_85 {strides = array<i32>} : memref<128x128xf32, #tpu.memory_space<vmem>>, vector<1x16xf32>,
      %scan3A_86 = arith.constant 0 : i32
      scf.yield %scan3A_86 : i32
    }
    %scan3A_9 = arith.constant 128 : i32
    %mul3A_10 = arith.constant 640 : i32
    %mul3A_11 = arith.muli %arg1, %mul3A_10 : i32
    %add3A_12 = arith.constant 0 : i32
    %add3A_13 = arith.addi %mul3A_11, %add3A_12 : i32
    "tpu.region"() ({
      %run_scoped3A = tpu.sem_alloc : memref<!tpu.dma_semaphore, #tpu.memory_space<semaphore_mem>>
      %dma_start3A = arith.constant 0 : i32
      %dma_start3A_45 = tpu.memref_slice %arg16[%add3A_13, %dma_start3A] : memref<10240x128xf32, #tpu.memory_space<vmem_shared>> -> memref<128x128xf32, #tpu.memory_space<vmem_shared>>
      %dma_start3A_46 = arith.constant 0 : i32
      %dma_start3A_47 = tpu.memref_slice %arg16[%add3A_13, %dma_start3A_46] : memref<10240x128xf32, #tpu.memory_space<vmem_shared>> -> memref<128x128xf32, #tpu.memory_space<vmem_shared>>
      tpu.enqueue_dma source(%arg8 : memref<128x128xf32, #tpu.memory_space<vmem>>) target(%dma_start3A_47 : memref<128x128xf32, #tpu.memory_space<vmem_shared>>) target_semaphore(%run_scoped3A : memref<!tpu.dma_semaphore, #tpu.memory_space<semaphore_mem>>)
      %dma_wait3A = arith.constant 0 : i32
      %dma_wait3A_48 = tpu.memref_slice %arg16[%add3A_13, %dma_wait3A] : memref<10240x128xf32, #tpu.memory_space<vmem_shared>> -> memref<128x128xf32, #tpu.memory_space<vmem_shared>>
      %dma_wait3A_49 = arith.constant 0 : i32
      %dma_wait3A_50 = tpu.memref_slice %arg16[%add3A_13, %dma_wait3A_49] : memref<10240x128xf32, #tpu.memory_space<vmem_shared>> -> memref<128x128xf32, #tpu.memory_space<vmem_shared>>
      tpu.wait_dma2 semaphore(%run_scoped3A : memref<!tpu.dma_semaphore, #tpu.memory_space<semaphore_mem>>) src(%arg8 : memref<128x128xf32, #tpu.memory_space<vmem>>) dst(%dma_wait3A_50 : memref<128x128xf32, #tpu.memory_space<vmem_shared>>)
      tpu.yield
    }) : () -> ()
    %mul3A_14 = arith.constant 640 : i32
    %mul3A_15 = arith.muli %arg1, %mul3A_14 : i32
    %add3A_16 = arith.constant 128 : i32
    %add3A_17 = arith.addi %mul3A_15, %add3A_16 : i32
    "tpu.region"() ({
      %run_scoped3A = tpu.sem_alloc : memref<!tpu.dma_semaphore, #tpu.memory_space<semaphore_mem>>
      %dma_start3A = arith.constant 0 : i32
      %dma_start3A_45 = tpu.memref_slice %arg16[%add3A_17, %dma_start3A] : memref<10240x128xf32, #tpu.memory_space<vmem_shared>> -> memref<128x128xf32, #tpu.memory_space<vmem_shared>>
      %dma_start3A_46 = arith.constant 0 : i32
      %dma_start3A_47 = tpu.memref_slice %arg16[%add3A_17, %dma_start3A_46] : memref<10240x128xf32, #tpu.memory_space<vmem_shared>> -> memref<128x128xf32, #tpu.memory_space<vmem_shared>>
      tpu.enqueue_dma source(%arg8 : memref<128x128xf32, #tpu.memory_space<vmem>>) target(%dma_start3A_47 : memref<128x128xf32, #tpu.memory_space<vmem_shared>>) target_semaphore(%run_scoped3A : memref<!tpu.dma_semaphore, #tpu.memory_space<semaphore_mem>>)
      %dma_wait3A = arith.constant 0 : i32
      %dma_wait3A_48 = tpu.memref_slice %arg16[%add3A_17, %dma_wait3A] : memref<10240x128xf32, #tpu.memory_space<vmem_shared>> -> memref<128x128xf32, #tpu.memory_space<vmem_shared>>
      %dma_wait3A_49 = arith.constant 0 : i32
      %dma_wait3A_50 = tpu.memref_slice %arg16[%add3A_17, %dma_wait3A_49] : memref<10240x128xf32, #tpu.memory_space<vmem_shared>> -> memref<128x128xf32, #tpu.memory_space<vmem_shared>>
      tpu.wait_dma2 semaphore(%run_scoped3A : memref<!tpu.dma_semaphore, #tpu.memory_space<semaphore_mem>>) src(%arg8 : memref<128x128xf32, #tpu.memory_space<vmem>>) dst(%dma_wait3A_50 : memref<128x128xf32, #tpu.memory_space<vmem_shared>>)
      tpu.yield
    }) : () -> ()
    %mul3A_18 = arith.constant 640 : i32
    %mul3A_19 = arith.muli %arg1, %mul3A_18 : i32
    %add3A_20 = arith.constant 256 : i32
    %add3A_21 = arith.addi %mul3A_19, %add3A_20 : i32
    "tpu.region"() ({
      %run_scoped3A = tpu.sem_alloc : memref<!tpu.dma_semaphore, #tpu.memory_space<semaphore_mem>>
      %dma_start3A = arith.constant 0 : i32
      %dma_start3A_45 = tpu.memref_slice %arg16[%add3A_21, %dma_start3A] : memref<10240x128xf32, #tpu.memory_space<vmem_shared>> -> memref<128x128xf32, #tpu.memory_space<vmem_shared>>
      %dma_start3A_46 = arith.constant 0 : i32
      %dma_start3A_47 = tpu.memref_slice %arg16[%add3A_21, %dma_start3A_46] : memref<10240x128xf32, #tpu.memory_space<vmem_shared>> -> memref<128x128xf32, #tpu.memory_space<vmem_shared>>
      tpu.enqueue_dma source(%arg8 : memref<128x128xf32, #tpu.memory_space<vmem>>) target(%dma_start3A_47 : memref<128x128xf32, #tpu.memory_space<vmem_shared>>) target_semaphore(%run_scoped3A : memref<!tpu.dma_semaphore, #tpu.memory_space<semaphore_mem>>)
      %dma_wait3A = arith.constant 0 : i32
      %dma_wait3A_48 = tpu.memref_slice %arg16[%add3A_21, %dma_wait3A] : memref<10240x128xf32, #tpu.memory_space<vmem_shared>> -> memref<128x128xf32, #tpu.memory_space<vmem_shared>>
      %dma_wait3A_49 = arith.constant 0 : i32
      %dma_wait3A_50 = tpu.memref_slice %arg16[%add3A_21, %dma_wait3A_49] : memref<10240x128xf32, #tpu.memory_space<vmem_shared>> -> memref<128x128xf32, #tpu.memory_space<vmem_shared>>
      tpu.wait_dma2 semaphore(%run_scoped3A : memref<!tpu.dma_semaphore, #tpu.memory_space<semaphore_mem>>) src(%arg8 : memref<128x128xf32, #tpu.memory_space<vmem>>) dst(%dma_wait3A_50 : memref<128x128xf32, #tpu.memory_space<vmem_shared>>)
      tpu.yield
    }) : () -> ()
    %mul3A_22 = arith.constant 640 : i32
    %mul3A_23 = arith.muli %arg1, %mul3A_22 : i32
    %add3A_24 = arith.constant 384 : i32
    %add3A_25 = arith.addi %mul3A_23, %add3A_24 : i32
    "tpu.region"() ({
      %run_scoped3A = tpu.sem_alloc : memref<!tpu.dma_semaphore, #tpu.memory_space<semaphore_mem>>
      %dma_start3A = arith.constant 0 : i32
      %dma_start3A_45 = tpu.memref_slice %arg16[%add3A_25, %dma_start3A] : memref<10240x128xf32, #tpu.memory_space<vmem_shared>> -> memref<128x128xf32, #tpu.memory_space<vmem_shared>>
      %dma_start3A_46 = arith.constant 0 : i32
      %dma_start3A_47 = tpu.memref_slice %arg16[%add3A_25, %dma_start3A_46] : memref<10240x128xf32, #tpu.memory_space<vmem_shared>> -> memref<128x128xf32, #tpu.memory_space<vmem_shared>>
      tpu.enqueue_dma source(%arg8 : memref<128x128xf32, #tpu.memory_space<vmem>>) target(%dma_start3A_47 : memref<128x128xf32, #tpu.memory_space<vmem_shared>>) target_semaphore(%run_scoped3A : memref<!tpu.dma_semaphore, #tpu.memory_space<semaphore_mem>>)
      %dma_wait3A = arith.constant 0 : i32
      %dma_wait3A_48 = tpu.memref_slice %arg16[%add3A_25, %dma_wait3A] : memref<10240x128xf32, #tpu.memory_space<vmem_shared>> -> memref<128x128xf32, #tpu.memory_space<vmem_shared>>
      %dma_wait3A_49 = arith.constant 0 : i32
      %dma_wait3A_50 = tpu.memref_slice %arg16[%add3A_25, %dma_wait3A_49] : memref<10240x128xf32, #tpu.memory_space<vmem_shared>> -> memref<128x128xf32, #tpu.memory_space<vmem_shared>>
      tpu.wait_dma2 semaphore(%run_scoped3A : memref<!tpu.dma_semaphore, #tpu.memory_space<semaphore_mem>>) src(%arg8 : memref<128x128xf32, #tpu.memory_space<vmem>>) dst(%dma_wait3A_50 : memref<128x128xf32, #tpu.memory_space<vmem_shared>>)
      tpu.yield
    }) : () -> ()
    %mul3A_26 = arith.constant 640 : i32
    %mul3A_27 = arith.muli %arg1, %mul3A_26 : i32
    %add3A_28 = arith.constant 512 : i32
    %add3A_29 = arith.addi %mul3A_27, %add3A_28 : i32
    "tpu.region"() ({
      %run_scoped3A = tpu.sem_alloc : memref<!tpu.dma_semaphore, #tpu.memory_space<semaphore_mem>>
      %dma_start3A = arith.constant 0 : i32
      %dma_start3A_45 = tpu.memref_slice %arg16[%add3A_29, %dma_start3A] : memref<10240x128xf32, #tpu.memory_space<vmem_shared>> -> memref<128x128xf32, #tpu.memory_space<vmem_shared>>
      %dma_start3A_46 = arith.constant 0 : i32
      %dma_start3A_47 = tpu.memref_slice %arg16[%add3A_29, %dma_start3A_46] : memref<10240x128xf32, #tpu.memory_space<vmem_shared>> -> memref<128x128xf32, #tpu.memory_space<vmem_shared>>
      tpu.enqueue_dma source(%arg8 : memref<128x128xf32, #tpu.memory_space<vmem>>) target(%dma_start3A_47 : memref<128x128xf32, #tpu.memory_space<vmem_shared>>) target_semaphore(%run_scoped3A : memref<!tpu.dma_semaphore, #tpu.memory_space<semaphore_mem>>)
      %dma_wait3A = arith.constant 0 : i32
      %dma_wait3A_48 = tpu.memref_slice %arg16[%add3A_29, %dma_wait3A] : memref<10240x128xf32, #tpu.memory_space<vmem_shared>> -> memref<128x128xf32, #tpu.memory_space<vmem_shared>>
      %dma_wait3A_49 = arith.constant 0 : i32
      %dma_wait3A_50 = tpu.memref_slice %arg16[%add3A_29, %dma_wait3A_49] : memref<10240x128xf32, #tpu.memory_space<vmem_shared>> -> memref<128x128xf32, #tpu.memory_space<vmem_shared>>
      tpu.wait_dma2 semaphore(%run_scoped3A : memref<!tpu.dma_semaphore, #tpu.memory_space<semaphore_mem>>) src(%arg8 : memref<128x128xf32, #tpu.memory_space<vmem>>) dst(%dma_wait3A_50 : memref<128x128xf32, #tpu.memory_space<vmem_shared>>)
      tpu.yield
    }) : () -> ()
    %barrier3A = arith.constant 0 : index
    tpu.barrier barrier_id(%barrier3A)
    %scan3A_30 = arith.constant 0 : i32
    %scan3A_31 = arith.constant 0 : i32
    %scan3A_32 = arith.constant 40 : i32
    %scan3A_33 = arith.addi %scan3A_31, %scan3A_32 : i32
    %scan3A_34 = arith.constant 1 : i32
    %scan3A_35 = scf.for %scan3A_45 = %scan3A_31 to %scan3A_33 step %scan3A_34 iter_args(%scan3A_46 = %scan3A_30) -> (i32)  : i32 {
      %mul3A_47 = arith.constant 4 : i32
      %mul3A_48 = arith.muli %mul3A_47, %scan3A_45 : i32
      %mul3A_49 = arith.constant 128 : i32
      %mul3A_50 = arith.muli %mul3A_48, %mul3A_49 : i32
      %add3A_51 = arith.addi %add3A, %mul3A_50 : i32
      %add3A_52 = arith.constant 128 : i32
      %add3A_53 = arith.addi %add3A_51, %add3A_52 : i32
      %add3A_54 = arith.constant 256 : i32
      %add3A_55 = arith.addi %add3A_51, %add3A_54 : i32
      %add3A_56 = arith.constant 384 : i32
      %add3A_57 = arith.addi %add3A_51, %add3A_56 : i32
      %dma_start3A = tpu.memref_slice %arg3[%add3A_51] : memref<655360xi32, #tpu.memory_space<hbm>> -> memref<128xi32, #tpu.memory_space<hbm>>
      %dma_start3A_58 = tpu.memref_slice %arg3[%add3A_51] : memref<655360xi32, #tpu.memory_space<hbm>> -> memref<128xi32, #tpu.memory_space<hbm>>
      tpu.enqueue_dma source(%dma_start3A_58 : memref<128xi32, #tpu.memory_space<hbm>>) target(%arg6 : memref<128xi32, #tpu.memory_space<vmem>>) target_semaphore(%arg21 : memref<!tpu.dma_semaphore, #tpu.memory_space<semaphore_mem>>)
      %dma_start3A_59 = tpu.memref_slice %arg4[%add3A_51] : memref<655360xi32, #tpu.memory_space<hbm>> -> memref<128xi32, #tpu.memory_space<hbm>>
      %dma_start3A_60 = tpu.memref_slice %arg4[%add3A_51] : memref<655360xi32, #tpu.memory_space<hbm>> -> memref<128xi32, #tpu.memory_space<hbm>>
      tpu.enqueue_dma source(%dma_start3A_60 : memref<128xi32, #tpu.memory_space<hbm>>) target(%arg7 : memref<128xi32, #tpu.memory_space<vmem>>) target_semaphore(%arg22 : memref<!tpu.dma_semaphore, #tpu.memory_space<semaphore_mem>>)
      %dma_start3A_61 = tpu.memref_slice %arg3[%add3A_53] : memref<655360xi32, #tpu.memory_space<hbm>> -> memref<128xi32, #tpu.memory_space<hbm>>
      %dma_start3A_62 = tpu.memref_slice %arg3[%add3A_53] : memref<655360xi32, #tpu.memory_space<hbm>> -> memref<128xi32, #tpu.memory_space<hbm>>
      tpu.enqueue_dma source(%dma_start3A_62 : memref<128xi32, #tpu.memory_space<hbm>>) target(%arg9 : memref<128xi32, #tpu.memory_space<vmem>>) target_semaphore(%arg23 : memref<!tpu.dma_semaphore, #tpu.memory_space<semaphore_mem>>)
      %dma_start3A_63 = tpu.memref_slice %arg4[%add3A_53] : memref<655360xi32, #tpu.memory_space<hbm>> -> memref<128xi32, #tpu.memory_space<hbm>>
      %dma_start3A_64 = tpu.memref_slice %arg4[%add3A_53] : memref<655360xi32, #tpu.memory_space<hbm>> -> memref<128xi32, #tpu.memory_space<hbm>>
      tpu.enqueue_dma source(%dma_start3A_64 : memref<128xi32, #tpu.memory_space<hbm>>) target(%arg10 : memref<128xi32, #tpu.memory_space<vmem>>) target_semaphore(%arg24 : memref<!tpu.dma_semaphore, #tpu.memory_space<semaphore_mem>>)
      %dma_start3A_65 = tpu.memref_slice %arg3[%add3A_55] : memref<655360xi32, #tpu.memory_space<hbm>> -> memref<128xi32, #tpu.memory_space<hbm>>
      %dma_start3A_66 = tpu.memref_slice %arg3[%add3A_55] : memref<655360xi32, #tpu.memory_space<hbm>> -> memref<128xi32, #tpu.memory_space<hbm>>
      tpu.enqueue_dma source(%dma_start3A_66 : memref<128xi32, #tpu.memory_space<hbm>>) target(%arg12 : memref<128xi32, #tpu.memory_space<vmem>>) target_semaphore(%arg21 : memref<!tpu.dma_semaphore, #tpu.memory_space<semaphore_mem>>)
      %dma_start3A_67 = tpu.memref_slice %arg4[%add3A_55] : memref<655360xi32, #tpu.memory_space<hbm>> -> memref<128xi32, #tpu.memory_space<hbm>>
      %dma_start3A_68 = tpu.memref_slice %arg4[%add3A_55] : memref<655360xi32, #tpu.memory_space<hbm>> -> memref<128xi32, #tpu.memory_space<hbm>>
      tpu.enqueue_dma source(%dma_start3A_68 : memref<128xi32, #tpu.memory_space<hbm>>) target(%arg13 : memref<128xi32, #tpu.memory_space<vmem>>) target_semaphore(%arg22 : memref<!tpu.dma_semaphore, #tpu.memory_space<semaphore_mem>>)
      %dma_start3A_69 = tpu.memref_slice %arg3[%add3A_57] : memref<655360xi32, #tpu.memory_space<hbm>> -> memref<128xi32, #tpu.memory_space<hbm>>
      %dma_start3A_70 = tpu.memref_slice %arg3[%add3A_57] : memref<655360xi32, #tpu.memory_space<hbm>> -> memref<128xi32, #tpu.memory_space<hbm>>
      tpu.enqueue_dma source(%dma_start3A_70 : memref<128xi32, #tpu.memory_space<hbm>>) target(%arg14 : memref<128xi32, #tpu.memory_space<vmem>>) target_semaphore(%arg23 : memref<!tpu.dma_semaphore, #tpu.memory_space<semaphore_mem>>)
      %dma_start3A_71 = tpu.memref_slice %arg4[%add3A_57] : memref<655360xi32, #tpu.memory_space<hbm>> -> memref<128xi32, #tpu.memory_space<hbm>>
      %dma_start3A_72 = tpu.memref_slice %arg4[%add3A_57] : memref<655360xi32, #tpu.memory_space<hbm>> -> memref<128xi32, #tpu.memory_space<hbm>>
      tpu.enqueue_dma source(%dma_start3A_72 : memref<128xi32, #tpu.memory_space<hbm>>) target(%arg15 : memref<128xi32, #tpu.memory_space<vmem>>) target_semaphore(%arg24 : memref<!tpu.dma_semaphore, #tpu.memory_space<semaphore_mem>>)
      %dma_wait3A = tpu.memref_slice %arg3[%add3A_51] : memref<655360xi32, #tpu.memory_space<hbm>> -> memref<128xi32, #tpu.memory_space<hbm>>
      %dma_wait3A_73 = tpu.memref_slice %arg3[%add3A_51] : memref<655360xi32, #tpu.memory_space<hbm>> -> memref<128xi32, #tpu.memory_space<hbm>>
      tpu.wait_dma2 semaphore(%arg21 : memref<!tpu.dma_semaphore, #tpu.memory_space<semaphore_mem>>) src(%dma_wait3A_73 : memref<128xi32, #tpu.memory_space<hbm>>) dst(%arg6 : memref<128xi32, #tpu.memory_space<vmem>>)
      %dma_start3A_74 = arith.constant 0 : i32
      %dma_start3A_75 = arith.constant 0 : i32
      %dma_start3A_76 = tpu.memref_slice %arg2[%dma_start3A_74, %dma_start3A_75] : memref<20480x128xf32, #tpu.memory_space<hbm>> -> memref<20480x128xf32, #tpu.memory_space<hbm>>
      tpu.enqueue_indirect_dma source(%dma_start3A_76 : memref<20480x128xf32, #tpu.memory_space<hbm>>) target(%arg8 : memref<128x128xf32, #tpu.memory_space<vmem>>) offsets(%arg6 : memref<128xi32, #tpu.memory_space<vmem>>) semaphore(%arg17 : memref<!tpu.dma_semaphore, #tpu.memory_space<semaphore_mem>>)
      %dma_wait3A_77 = tpu.memref_slice %arg3[%add3A_53] : memref<655360xi32, #tpu.memory_space<hbm>> -> memref<128xi32, #tpu.memory_space<hbm>>
      %dma_wait3A_78 = tpu.memref_slice %arg3[%add3A_53] : memref<655360xi32, #tpu.memory_space<hbm>> -> memref<128xi32, #tpu.memory_space<hbm>>
      tpu.wait_dma2 semaphore(%arg23 : memref<!tpu.dma_semaphore, #tpu.memory_space<semaphore_mem>>) src(%dma_wait3A_78 : memref<128xi32, #tpu.memory_space<hbm>>) dst(%arg9 : memref<128xi32, #tpu.memory_space<vmem>>)
      %dma_start3A_79 = arith.constant 0 : i32
      %dma_start3A_80 = arith.constant 0 : i32
      %dma_start3A_81 = tpu.memref_slice %arg2[%dma_start3A_79, %dma_start3A_80] : memref<20480x128xf32, #tpu.memory_space<hbm>> -> memref<20480x128xf32, #tpu.memory_space<hbm>>
      tpu.enqueue_indirect_dma source(%dma_start3A_81 : memref<20480x128xf32, #tpu.memory_space<hbm>>) target(%arg11 : memref<128x128xf32, #tpu.memory_space<vmem>>) offsets(%arg9 : memref<128xi32, #tpu.memory_space<vmem>>) semaphore(%arg18 : memref<!tpu.dma_semaphore, #tpu.memory_space<semaphore_mem>>)
      %dma_wait3A_82 = arith.constant 0 : i32
      %dma_wait3A_83 = arith.constant 0 : i32
      %dma_wait3A_84 = tpu.memref_slice %arg2[%dma_wait3A_82, %dma_wait3A_83] : memref<20480x128xf32, #tpu.memory_space<hbm>> -> memref<20480x128xf32, #tpu.memory_space<hbm>>
      tpu.wait_indirect_dma semaphore(%arg17 : memref<!tpu.dma_semaphore, #tpu.memory_space<semaphore_mem>>) src(%dma_wait3A_84 : memref<20480x128xf32, #tpu.memory_space<hbm>>) dst(%arg8 : memref<128x128xf32, #tpu.memory_space<vmem>>)
      %dma_wait3A_85 = tpu.memref_slice %arg4[%add3A_51] : memref<655360xi32, #tpu.memory_space<hbm>> -> memref<128xi32, #tpu.memory_space<hbm>>
      %dma_wait3A_86 = tpu.memref_slice %arg4[%add3A_51] : memref<655360xi32, #tpu.memory_space<hbm>> -> memref<128xi32, #tpu.memory_space<hbm>>
      tpu.wait_dma2 semaphore(%arg22 : memref<!tpu.dma_semaphore, #tpu.memory_space<semaphore_mem>>) src(%dma_wait3A_86 : memref<128xi32, #tpu.memory_space<hbm>>) dst(%arg7 : memref<128xi32, #tpu.memory_space<vmem>>)
      %dma_start3A_87 = arith.constant 0 : i32
      %dma_start3A_88 = arith.constant 0 : i32
      %dma_start3A_89 = tpu.memref_slice %arg16[%dma_start3A_87, %dma_start3A_88] : memref<10240x128xf32, #tpu.memory_space<vmem_shared>> -> memref<10240x128xf32, #tpu.memory_space<vmem_shared>>
      tpu.enqueue_indirect_dma source(%arg8 : memref<128x128xf32, #tpu.memory_space<vmem>>) target(%dma_start3A_89 : memref<10240x128xf32, #tpu.memory_space<vmem_shared>>) offsets(%arg7 : memref<128xi32, #tpu.memory_space<vmem>>) semaphore(%arg19 : memref<!tpu.dma_semaphore, #tpu.memory_space<semaphore_mem>>) {add = true}
      %dma_wait3A_90 = arith.constant 0 : i32
      %dma_wait3A_91 = arith.constant 0 : i32
      %dma_wait3A_92 = tpu.memref_slice %arg2[%dma_wait3A_90, %dma_wait3A_91] : memref<20480x128xf32, #tpu.memory_space<hbm>> -> memref<20480x128xf32, #tpu.memory_space<hbm>>
      tpu.wait_indirect_dma semaphore(%arg18 : memref<!tpu.dma_semaphore, #tpu.memory_space<semaphore_mem>>) src(%dma_wait3A_92 : memref<20480x128xf32, #tpu.memory_space<hbm>>) dst(%arg11 : memref<128x128xf32, #tpu.memory_space<vmem>>)
      %dma_wait3A_93 = tpu.memref_slice %arg4[%add3A_53] : memref<655360xi32, #tpu.memory_space<hbm>> -> memref<128xi32, #tpu.memory_space<hbm>>
      %dma_wait3A_94 = tpu.memref_slice %arg4[%add3A_53] : memref<655360xi32, #tpu.memory_space<hbm>> -> memref<128xi32, #tpu.memory_space<hbm>>
      tpu.wait_dma2 semaphore(%arg24 : memref<!tpu.dma_semaphore, #tpu.memory_space<semaphore_mem>>) src(%dma_wait3A_94 : memref<128xi32, #tpu.memory_space<hbm>>) dst(%arg10 : memref<128xi32, #tpu.memory_space<vmem>>)
      %dma_start3A_95 = arith.constant 0 : i32
      %dma_start3A_96 = arith.constant 0 : i32
      %dma_start3A_97 = tpu.memref_slice %arg16[%dma_start3A_95, %dma_start3A_96] : memref<10240x128xf32, #tpu.memory_space<vmem_shared>> -> memref<10240x128xf32, #tpu.memory_space<vmem_shared>>
      tpu.enqueue_indirect_dma source(%arg11 : memref<128x128xf32, #tpu.memory_space<vmem>>) target(%dma_start3A_97 : memref<10240x128xf32, #tpu.memory_space<vmem_shared>>) offsets(%arg10 : memref<128xi32, #tpu.memory_space<vmem>>) semaphore(%arg20 : memref<!tpu.dma_semaphore, #tpu.memory_space<semaphore_mem>>) {add = true}
      %dma_wait3A_98 = arith.constant 0 : i32
      %dma_wait3A_99 = arith.constant 0 : i32
      %dma_wait3A_100 = tpu.memref_slice %arg16[%dma_wait3A_98, %dma_wait3A_99] : memref<10240x128xf32, #tpu.memory_space<vmem_shared>> -> memref<10240x128xf32, #tpu.memory_space<vmem_shared>>
      tpu.wait_indirect_dma semaphore(%arg19 : memref<!tpu.dma_semaphore, #tpu.memory_space<semaphore_mem>>) src(%arg8 : memref<128x128xf32, #tpu.memory_space<vmem>>) dst(%dma_wait3A_100 : memref<10240x128xf32, #tpu.memory_space<vmem_shared>>)
      %dma_wait3A_101 = tpu.memref_slice %arg3[%add3A_55] : memref<655360xi32, #tpu.memory_space<hbm>> -> memref<128xi32, #tpu.memory_space<hbm>>
      %dma_wait3A_102 = tpu.memref_slice %arg3[%add3A_55] : memref<655360xi32, #tpu.memory_space<hbm>> -> memref<128xi32, #tpu.memory_space<hbm>>
      tpu.wait_dma2 semaphore(%arg21 : memref<!tpu.dma_semaphore, #tpu.memory_space<semaphore_mem>>) src(%dma_wait3A_102 : memref<128xi32, #tpu.memory_space<hbm>>) dst(%arg12 : memref<128xi32, #tpu.memory_space<vmem>>)
      %dma_start3A_103 = arith.constant 0 : i32
      %dma_start3A_104 = arith.constant 0 : i32
      %dma_start3A_105 = tpu.memref_slice %arg2[%dma_start3A_103, %dma_start3A_104] : memref<20480x128xf32, #tpu.memory_space<hbm>> -> memref<20480x128xf32, #tpu.memory_space<hbm>>
      tpu.enqueue_indirect_dma source(%dma_start3A_105 : memref<20480x128xf32, #tpu.memory_space<hbm>>) target(%arg8 : memref<128x128xf32, #tpu.memory_space<vmem>>) offsets(%arg12 : memref<128xi32, #tpu.memory_space<vmem>>) semaphore(%arg17 : memref<!tpu.dma_semaphore, #tpu.memory_space<semaphore_mem>>)
      %dma_wait3A_106 = arith.constant 0 : i32
      %dma_wait3A_107 = arith.constant 0 : i32
      %dma_wait3A_108 = tpu.memref_slice %arg16[%dma_wait3A_106, %dma_wait3A_107] : memref<10240x128xf32, #tpu.memory_space<vmem_shared>> -> memref<10240x128xf32, #tpu.memory_space<vmem_shared>>
      tpu.wait_indirect_dma semaphore(%arg20 : memref<!tpu.dma_semaphore, #tpu.memory_space<semaphore_mem>>) src(%arg11 : memref<128x128xf32, #tpu.memory_space<vmem>>) dst(%dma_wait3A_108 : memref<10240x128xf32, #tpu.memory_space<vmem_shared>>)
      %dma_wait3A_109 = tpu.memref_slice %arg3[%add3A_57] : memref<655360xi32, #tpu.memory_space<hbm>> -> memref<128xi32, #tpu.memory_space<hbm>>
      %dma_wait3A_110 = tpu.memref_slice %arg3[%add3A_57] : memref<655360xi32, #tpu.memory_space<hbm>> -> memref<128xi32, #tpu.memory_space<hbm>>
      tpu.wait_dma2 semaphore(%arg23 : memref<!tpu.dma_semaphore, #tpu.memory_space<semaphore_mem>>) src(%dma_wait3A_110 : memref<128xi32, #tpu.memory_space<hbm>>) dst(%arg14 : memref<128xi32, #tpu.memory_space<vmem>>)
      %dma_start3A_111 = arith.constant 0 : i32
      %dma_start3A_112 = arith.constant 0 : i32
      %dma_start3A_113 = tpu.memref_slice %arg2[%dma_start3A_111, %dma_start3A_112] : memref<20480x128xf32, #tpu.memory_space<hbm>> -> memref<20480x128xf32, #tpu.memory_space<hbm>>
      tpu.enqueue_indirect_dma source(%dma_start3A_113 : memref<20480x128xf32, #tpu.memory_space<hbm>>) target(%arg11 : memref<128x128xf32, #tpu.memory_space<vmem>>) offsets(%arg14 : memref<128xi32, #tpu.memory_space<vmem>>) semaphore(%arg18 : memref<!tpu.dma_semaphore, #tpu.memory_space<semaphore_mem>>)
      %dma_wait3A_114 = arith.constant 0 : i32
      %dma_wait3A_115 = arith.constant 0 : i32
      %dma_wait3A_116 = tpu.memref_slice %arg2[%dma_wait3A_114, %dma_wait3A_115] : memref<20480x128xf32, #tpu.memory_space<hbm>> -> memref<20480x128xf32, #tpu.memory_space<hbm>>
      tpu.wait_indirect_dma semaphore(%arg17 : memref<!tpu.dma_semaphore, #tpu.memory_space<semaphore_mem>>) src(%dma_wait3A_116 : memref<20480x128xf32, #tpu.memory_space<hbm>>) dst(%arg8 : memref<128x128xf32, #tpu.memory_space<vmem>>)
      %dma_wait3A_117 = tpu.memref_slice %arg4[%add3A_55] : memref<655360xi32, #tpu.memory_space<hbm>> -> memref<128xi32, #tpu.memory_space<hbm>>
      %dma_wait3A_118 = tpu.memref_slice %arg4[%add3A_55] : memref<655360xi32, #tpu.memory_space<hbm>> -> memref<128xi32, #tpu.memory_space<hbm>>
      tpu.wait_dma2 semaphore(%arg22 : memref<!tpu.dma_semaphore, #tpu.memory_space<semaphore_mem>>) src(%dma_wait3A_118 : memref<128xi32, #tpu.memory_space<hbm>>) dst(%arg13 : memref<128xi32, #tpu.memory_space<vmem>>)
      %dma_start3A_119 = arith.constant 0 : i32
      %dma_start3A_120 = arith.constant 0 : i32
      %dma_start3A_121 = tpu.memref_slice %arg16[%dma_start3A_119, %dma_start3A_120] : memref<10240x128xf32, #tpu.memory_space<vmem_shared>> -> memref<10240x128xf32, #tpu.memory_space<vmem_shared>>
      tpu.enqueue_indirect_dma source(%arg8 : memref<128x128xf32, #tpu.memory_space<vmem>>) target(%dma_start3A_121 : memref<10240x128xf32, #tpu.memory_space<vmem_shared>>) offsets(%arg13 : memref<128xi32, #tpu.memory_space<vmem>>) semaphore(%arg19 : memref<!tpu.dma_semaphore, #tpu.memory_space<semaphore_mem>>) {add = true}
      %dma_wait3A_122 = arith.constant 0 : i32
      %dma_wait3A_123 = arith.constant 0 : i32
      %dma_wait3A_124 = tpu.memref_slice %arg2[%dma_wait3A_122, %dma_wait3A_123] : memref<20480x128xf32, #tpu.memory_space<hbm>> -> memref<20480x128xf32, #tpu.memory_space<hbm>>
      tpu.wait_indirect_dma semaphore(%arg18 : memref<!tpu.dma_semaphore, #tpu.memory_space<semaphore_mem>>) src(%dma_wait3A_124 : memref<20480x128xf32, #tpu.memory_space<hbm>>) dst(%arg11 : memref<128x128xf32, #tpu.memory_space<vmem>>)
      %dma_wait3A_125 = tpu.memref_slice %arg4[%add3A_57] : memref<655360xi32, #tpu.memory_space<hbm>> -> memref<128xi32, #tpu.memory_space<hbm>>
      %dma_wait3A_126 = tpu.memref_slice %arg4[%add3A_57] : memref<655360xi32, #tpu.memory_space<hbm>> -> memref<128xi32, #tpu.memory_space<hbm>>
      tpu.wait_dma2 semaphore(%arg24 : memref<!tpu.dma_semaphore, #tpu.memory_space<semaphore_mem>>) src(%dma_wait3A_126 : memref<128xi32, #tpu.memory_space<hbm>>) dst(%arg15 : memref<128xi32, #tpu.memory_space<vmem>>)
      %dma_start3A_127 = arith.constant 0 : i32
      %dma_start3A_128 = arith.constant 0 : i32
      %dma_start3A_129 = tpu.memref_slice %arg16[%dma_start3A_127, %dma_start3A_128] : memref<10240x128xf32, #tpu.memory_space<vmem_shared>> -> memref<10240x128xf32, #tpu.memory_space<vmem_shared>>
      tpu.enqueue_indirect_dma source(%arg11 : memref<128x128xf32, #tpu.memory_space<vmem>>) target(%dma_start3A_129 : memref<10240x128xf32, #tpu.memory_space<vmem_shared>>) offsets(%arg15 : memref<128xi32, #tpu.memory_space<vmem>>) semaphore(%arg20 : memref<!tpu.dma_semaphore, #tpu.memory_space<semaphore_mem>>) {add = true}
      %dma_wait3A_130 = arith.constant 0 : i32
      %dma_wait3A_131 = arith.constant 0 : i32
      %dma_wait3A_132 = tpu.memref_slice %arg16[%dma_wait3A_130, %dma_wait3A_131] : memref<10240x128xf32, #tpu.memory_space<vmem_shared>> -> memref<10240x128xf32, #tpu.memory_space<vmem_shared>>
      tpu.wait_indirect_dma semaphore(%arg19 : memref<!tpu.dma_semaphore, #tpu.memory_space<semaphore_mem>>) src(%arg8 : memref<128x128xf32, #tpu.memory_space<vmem>>) dst(%dma_wait3A_132 : memref<10240x128xf32, #tpu.memory_space<vmem_shared>>)
      %dma_wait3A_133 = arith.constant 0 : i32
      %dma_wait3A_134 = arith.constant 0 : i32
      %dma_wait3A_135 = tpu.memref_slice %arg16[%dma_wait3A_133, %dma_wait3A_134] : memref<10240x128xf32, #tpu.memory_space<vmem_shared>> -> memref<10240x128xf32, #tpu.memory_space<vmem_shared>>
      tpu.wait_indirect_dma semaphore(%arg20 : memref<!tpu.dma_semaphore, #tpu.memory_space<semaphore_mem>>) src(%arg11 : memref<128x128xf32, #tpu.memory_space<vmem>>) dst(%dma_wait3A_135 : memref<10240x128xf32, #tpu.memory_space<vmem_shared>>)
      %scan3A_136 = arith.constant 0 : i32
      scf.yield %scan3A_136 : i32
    }
    %scan3A_36 = arith.constant 40 : i32
    %barrier3A_37 = arith.constant 0 : index
    tpu.barrier barrier_id(%barrier3A_37)
    %mul3A_38 = arith.constant 640 : i32
    %mul3A_39 = arith.muli %arg1, %mul3A_38 : i32
    %mul3A_40 = arith.constant 10240 : i32
    %mul3A_41 = arith.muli %arg0, %mul3A_40 : i32
    %mul3A_42 = arith.constant 640 : i32
    %mul3A_43 = arith.muli %arg1, %mul3A_42 : i32
    %add3A_44 = arith.addi %mul3A_41, %mul3A_43 : i32
    "tpu.region"() ({
      %run_scoped3A = tpu.sem_alloc : memref<!tpu.dma_semaphore, #tpu.memory_space<semaphore_mem>>
      %dma_start3A = arith.constant 0 : i32
      %dma_start3A_45 = tpu.memref_slice %arg5[%add3A_44, %dma_start3A] : memref<20480x128xf32, #tpu.memory_space<hbm>> -> memref<640x128xf32, #tpu.memory_space<hbm>>
      %dma_start3A_46 = arith.constant 0 : i32
      %dma_start3A_47 = tpu.memref_slice %arg16[%mul3A_39, %dma_start3A_46] : memref<10240x128xf32, #tpu.memory_space<vmem_shared>> -> memref<640x128xf32, #tpu.memory_space<vmem_shared>>
      tpu.enqueue_dma source(%dma_start3A_47 : memref<640x128xf32, #tpu.memory_space<vmem_shared>>) target(%dma_start3A_45 : memref<640x128xf32, #tpu.memory_space<hbm>>) target_semaphore(%run_scoped3A : memref<!tpu.dma_semaphore, #tpu.memory_space<semaphore_mem>>)
      %dma_wait3A = arith.constant 0 : i32
      %dma_wait3A_48 = tpu.memref_slice %arg5[%add3A_44, %dma_wait3A] : memref<20480x128xf32, #tpu.memory_space<hbm>> -> memref<640x128xf32, #tpu.memory_space<hbm>>
      %dma_wait3A_49 = arith.constant 0 : i32
      %dma_wait3A_50 = tpu.memref_slice %arg16[%mul3A_39, %dma_wait3A_49] : memref<10240x128xf32, #tpu.memory_space<vmem_shared>> -> memref<640x128xf32, #tpu.memory_space<vmem_shared>>
      tpu.wait_dma2 semaphore(%run_scoped3A : memref<!tpu.dma_semaphore, #tpu.memory_space<semaphore_mem>>) src(%dma_wait3A_50 : memref<640x128xf32, #tpu.memory_space<vmem_shared>>) dst(%dma_wait3A_48 : memref<640x128xf32, #tpu.memory_space<hbm>>)
      tpu.yield
    }) : () -> ()
    return
  }
}

module attributes {stable_mosaic.version = 14 : i64} {
  func.func @_dense_layer_body(%arg0: i32, %arg1: memref<2x256x128xf32, #tpu.memory_space<vmem>>, %arg2: memref<2x1x1x256xf32, #tpu.memory_space<vmem>>, %arg3: memref<2x256x128xf32, #tpu.memory_space<vmem>>, %arg4: memref<128x128xf32, #tpu.memory_space<vmem>>, %arg5: memref<128x128xf32, #tpu.memory_space<vmem>>, %arg6: memref<1x128xf32, #tpu.memory_space<vmem>>, %arg7: memref<128x128xf32, #tpu.memory_space<vmem>>, %arg8: memref<128x128xf32, #tpu.memory_space<vmem>>, %arg9: memref<1x128xf32, #tpu.memory_space<vmem>>, %arg10: memref<2x256x128xf32, #tpu.memory_space<vmem>>) attributes {dimension_semantics = [#tpu.dimension_semantics<arbitrary>], iteration_bounds = array<i64: 40>, scalar_prefetch = 0 : i64, scratch_operands = 0 : i64, tpu.core_type = #tpu.core_type<tc>, window_params = [{transform_indices = @transform_0, window_bounds = array<i64: 2, 256, 128>}, {transform_indices = @transform_1, window_bounds = array<i64: 2, 1, 1, 256>}, {transform_indices = @transform_2, window_bounds = array<i64: 2, 256, 128>}, {pipeline_mode = #tpu.pipeline_mode<synchronous>, transform_indices = @transform_3, window_bounds = array<i64: 128, 128>}, {pipeline_mode = #tpu.pipeline_mode<synchronous>, transform_indices = @transform_4, window_bounds = array<i64: 128, 128>}, {pipeline_mode = #tpu.pipeline_mode<synchronous>, transform_indices = @transform_5, window_bounds = array<i64: 1, 128>}, {pipeline_mode = #tpu.pipeline_mode<synchronous>, transform_indices = @transform_6, window_bounds = array<i64: 128, 128>}, {pipeline_mode = #tpu.pipeline_mode<synchronous>, transform_indices = @transform_7, window_bounds = array<i64: 128, 128>}, {pipeline_mode = #tpu.pipeline_mode<synchronous>, transform_indices = @transform_8, window_bounds = array<i64: 1, 128>}, {transform_indices = @transform_9, window_bounds = array<i64: 2, 256, 128>}]} {
    %get3A = arith.constant 1 : index
    %get3A_0 = arith.constant 0 : index
    %get3A_1 = arith.constant 0 : index
    %get3A_2 = arith.constant 0 : index
    %get3A_3 = vector.load %arg2[%get3A, %get3A_0, %get3A_1, %get3A_2] : memref<2x1x1x256xf32, #tpu.memory_space<vmem>>, vector<1x1x1x256xf32>
    %get3A_4 = vector.shape_cast %get3A_3 : vector<1x1x1x256xf32> to vector<256xf32>
    %jit3A = arith.constant 1.000000e+00 : f32
    %max3A = vector.broadcast %jit3A : f32 to vector<256xf32>
    %max3A_5 = arith.maximumf %max3A, %get3A_4 : vector<256xf32>
    %get3A_6 = arith.constant 0 : index
    %get3A_7 = arith.constant 0 : index
    %get3A_8 = arith.constant 0 : index
    %get3A_9 = arith.constant 0 : index
    %get3A_10 = vector.load %arg2[%get3A_6, %get3A_7, %get3A_8, %get3A_9] : memref<2x1x1x256xf32, #tpu.memory_space<vmem>>, vector<1x1x1x256xf32>
    %get3A_11 = vector.shape_cast %get3A_10 : vector<1x1x1x256xf32> to vector<256xf32>
    %jit3A_12 = arith.constant 1.000000e+00 : f32
    %max3A_13 = vector.broadcast %jit3A_12 : f32 to vector<256xf32>
    %max3A_14 = arith.maximumf %max3A_13, %get3A_11 : vector<256xf32>
    %get3A_15 = arith.constant 1 : index
    %get3A_16 = arith.constant 0 : index
    %get3A_17 = arith.constant 0 : index
    %get3A_18 = vector.load %arg1[%get3A_15, %get3A_16, %get3A_17] : memref<2x256x128xf32, #tpu.memory_space<vmem>>, vector<1x256x128xf32>
    %get3A_19 = vector.shape_cast %get3A_18 : vector<1x256x128xf32> to vector<256x128xf32>
    %broadcast_in_dim3A = vector.shape_cast %max3A_5 : vector<256xf32> to vector<256x1xf32>
    %div3A = vector.broadcast %broadcast_in_dim3A : vector<256x1xf32> to vector<256x128xf32>
    %div3A_20 = arith.divf %get3A_19, %div3A : vector<256x128xf32>
    %get3A_21 = arith.constant 0 : index
    %get3A_22 = arith.constant 0 : index
    %get3A_23 = arith.constant 0 : index
    %get3A_24 = vector.load %arg1[%get3A_21, %get3A_22, %get3A_23] : memref<2x256x128xf32, #tpu.memory_space<vmem>>, vector<1x256x128xf32>
    %get3A_25 = vector.shape_cast %get3A_24 : vector<1x256x128xf32> to vector<256x128xf32>
    %broadcast_in_dim3A_26 = vector.shape_cast %max3A_14 : vector<256xf32> to vector<256x1xf32>
    %div3A_27 = vector.broadcast %broadcast_in_dim3A_26 : vector<256x1xf32> to vector<256x128xf32>
    %div3A_28 = arith.divf %get3A_25, %div3A_27 : vector<256x128xf32>
    %get3A_29 = arith.constant 0 : index
    %get3A_30 = arith.constant 0 : index
    %get3A_31 = vector.load %arg4[%get3A_29, %get3A_30] : memref<128x128xf32, #tpu.memory_space<vmem>>, vector<128x128xf32>
    %dot_general3A = arith.constant dense<0.000000e+00> : vector<256x128xf32>
    %dot_general3A_32 = tpu.matmul %div3A_20, %get3A_31, %dot_general3A {dimension_numbers = #tpu.dot_dimension_numbers<[1], [0], [0], [1], [0, 0, 1, 1], [], []>, transpose_lhs_hint = false} : vector<256x128xf32>, vector<128x128xf32>, vector<256x128xf32> -> vector<256x128xf32>
    %get3A_33 = arith.constant 0 : index
    %get3A_34 = arith.constant 0 : index
    %get3A_35 = arith.constant 0 : index
    %get3A_36 = vector.load %arg3[%get3A_33, %get3A_34, %get3A_35] : memref<2x256x128xf32, #tpu.memory_space<vmem>>, vector<1x256x128xf32>
    %get3A_37 = vector.shape_cast %get3A_36 : vector<1x256x128xf32> to vector<256x128xf32>
    %get3A_38 = arith.constant 0 : index
    %get3A_39 = arith.constant 0 : index
    %get3A_40 = vector.load %arg5[%get3A_38, %get3A_39] : memref<128x128xf32, #tpu.memory_space<vmem>>, vector<128x128xf32>
    %dot_general3A_41 = arith.constant dense<0.000000e+00> : vector<256x128xf32>
    %dot_general3A_42 = tpu.matmul %get3A_37, %get3A_40, %dot_general3A_41 {dimension_numbers = #tpu.dot_dimension_numbers<[1], [0], [0], [1], [0, 0, 1, 1], [], []>, transpose_lhs_hint = false} : vector<256x128xf32>, vector<128x128xf32>, vector<256x128xf32> -> vector<256x128xf32>
    %add3A = arith.addf %dot_general3A_32, %dot_general3A_42 : vector<256x128xf32>
    %get3A_43 = arith.constant 0 : index
    %get3A_44 = arith.constant 0 : index
    %get3A_45 = vector.load %arg6[%get3A_43, %get3A_44] : memref<1x128xf32, #tpu.memory_space<vmem>>, vector<1x128xf32>
    %get3A_46 = vector.shape_cast %get3A_45 : vector<1x128xf32> to vector<128xf32>
    %broadcast_in_dim3A_47 = vector.shape_cast %get3A_46 : vector<128xf32> to vector<1x128xf32>
    %add3A_48 = vector.broadcast %broadcast_in_dim3A_47 : vector<1x128xf32> to vector<256x128xf32>
    %add3A_49 = arith.addf %add3A, %add3A_48 : vector<256x128xf32>
    %get3A_50 = arith.constant 0 : index
    %get3A_51 = arith.constant 0 : index
    %get3A_52 = vector.load %arg7[%get3A_50, %get3A_51] : memref<128x128xf32, #tpu.memory_space<vmem>>, vector<128x128xf32>
    %dot_general3A_53 = arith.constant dense<0.000000e+00> : vector<256x128xf32>
    %dot_general3A_54 = tpu.matmul %div3A_28, %get3A_52, %dot_general3A_53 {dimension_numbers = #tpu.dot_dimension_numbers<[1], [0], [0], [1], [0, 0, 1, 1], [], []>, transpose_lhs_hint = false} : vector<256x128xf32>, vector<128x128xf32>, vector<256x128xf32> -> vector<256x128xf32>
    %get3A_55 = arith.constant 1 : index
    %get3A_56 = arith.constant 0 : index
    %get3A_57 = arith.constant 0 : index
    %get3A_58 = vector.load %arg3[%get3A_55, %get3A_56, %get3A_57] : memref<2x256x128xf32, #tpu.memory_space<vmem>>, vector<1x256x128xf32>
    %get3A_59 = vector.shape_cast %get3A_58 : vector<1x256x128xf32> to vector<256x128xf32>
    %get3A_60 = arith.constant 0 : index
    %get3A_61 = arith.constant 0 : index
    %get3A_62 = vector.load %arg8[%get3A_60, %get3A_61] : memref<128x128xf32, #tpu.memory_space<vmem>>, vector<128x128xf32>
    %dot_general3A_63 = arith.constant dense<0.000000e+00> : vector<256x128xf32>
    %dot_general3A_64 = tpu.matmul %get3A_59, %get3A_62, %dot_general3A_63 {dimension_numbers = #tpu.dot_dimension_numbers<[1], [0], [0], [1], [0, 0, 1, 1], [], []>, transpose_lhs_hint = false} : vector<256x128xf32>, vector<128x128xf32>, vector<256x128xf32> -> vector<256x128xf32>
    %add3A_65 = arith.addf %dot_general3A_54, %dot_general3A_64 : vector<256x128xf32>
    %get3A_66 = arith.constant 0 : index
    %get3A_67 = arith.constant 0 : index
    %get3A_68 = vector.load %arg9[%get3A_66, %get3A_67] : memref<1x128xf32, #tpu.memory_space<vmem>>, vector<1x128xf32>
    %get3A_69 = vector.shape_cast %get3A_68 : vector<1x128xf32> to vector<128xf32>
    %broadcast_in_dim3A_70 = vector.shape_cast %get3A_69 : vector<128xf32> to vector<1x128xf32>
    %add3A_71 = vector.broadcast %broadcast_in_dim3A_70 : vector<1x128xf32> to vector<256x128xf32>
    %add3A_72 = arith.addf %add3A_65, %add3A_71 : vector<256x128xf32>
    %max3A_73 = arith.constant 0.000000e+00 : f32
    %max3A_74 = vector.broadcast %max3A_73 : f32 to vector<256x128xf32>
    %max3A_75 = arith.maximumf %add3A_49, %max3A_74 : vector<256x128xf32>
    %swap3A = arith.constant 0 : index
    %swap3A_76 = arith.constant 0 : index
    %swap3A_77 = arith.constant 0 : index
    %swap3A_78 = vector.load %arg10[%swap3A, %swap3A_76, %swap3A_77] : memref<2x256x128xf32, #tpu.memory_space<vmem>>, vector<1x256x128xf32>
    %swap3A_79 = vector.shape_cast %swap3A_78 : vector<1x256x128xf32> to vector<256x128xf32>
    %swap3A_80 = vector.shape_cast %max3A_75 : vector<256x128xf32> to vector<1x256x128xf32>
    tpu.vector_store %arg10[%swap3A, %swap3A_76, %swap3A_77], %swap3A_80 {strides = array<i32>} : memref<2x256x128xf32, #tpu.memory_space<vmem>>, vector<1x256x128xf32>,
    %max3A_81 = arith.constant 0.000000e+00 : f32
    %max3A_82 = vector.broadcast %max3A_81 : f32 to vector<256x128xf32>
    %max3A_83 = arith.maximumf %add3A_72, %max3A_82 : vector<256x128xf32>
    %swap3A_84 = arith.constant 1 : index
    %swap3A_85 = arith.constant 0 : index
    %swap3A_86 = arith.constant 0 : index
    %swap3A_87 = vector.load %arg10[%swap3A_84, %swap3A_85, %swap3A_86] : memref<2x256x128xf32, #tpu.memory_space<vmem>>, vector<1x256x128xf32>
    %swap3A_88 = vector.shape_cast %swap3A_87 : vector<1x256x128xf32> to vector<256x128xf32>
    %swap3A_89 = vector.shape_cast %max3A_83 : vector<256x128xf32> to vector<1x256x128xf32>
    tpu.vector_store %arg10[%swap3A_84, %swap3A_85, %swap3A_86], %swap3A_89 {strides = array<i32>} : memref<2x256x128xf32, #tpu.memory_space<vmem>>, vector<1x256x128xf32>,
    return
  }
  func.func @transform_0(%arg0: i32) -> (i32, i32, i32) {
    %c0_i32 = arith.constant 0 : i32
    %c0_i32_0 = arith.constant 0 : i32
    %c0_i32_1 = arith.constant 0 : i32
    return %c0_i32, %arg0, %c0_i32_0 : i32, i32, i32
  }
  func.func @transform_1(%arg0: i32) -> (i32, i32, i32, i32) {
    %c0_i32 = arith.constant 0 : i32
    %c0_i32_0 = arith.constant 0 : i32
    %c0_i32_1 = arith.constant 0 : i32
    %c0_i32_2 = arith.constant 0 : i32
    return %c0_i32, %arg0, %c0_i32_0, %c0_i32_1 : i32, i32, i32, i32
  }
  func.func @transform_2(%arg0: i32) -> (i32, i32, i32) {
    %c0_i32 = arith.constant 0 : i32
    %c0_i32_0 = arith.constant 0 : i32
    %c0_i32_1 = arith.constant 0 : i32
    return %c0_i32, %arg0, %c0_i32_0 : i32, i32, i32
  }
  func.func @transform_3(%arg0: i32) -> (i32, i32) {
    %c0_i32 = arith.constant 0 : i32
    %c0_i32_0 = arith.constant 0 : i32
    %c0_i32_1 = arith.constant 0 : i32
    return %c0_i32, %c0_i32_0 : i32, i32
  }
  func.func @transform_4(%arg0: i32) -> (i32, i32) {
    %c0_i32 = arith.constant 0 : i32
    %c0_i32_0 = arith.constant 0 : i32
    %c0_i32_1 = arith.constant 0 : i32
    return %c0_i32, %c0_i32_0 : i32, i32
  }
  func.func @transform_5(%arg0: i32) -> (i32, i32) {
    %c0_i32 = arith.constant 0 : i32
    %c0_i32_0 = arith.constant 0 : i32
    %c0_i32_1 = arith.constant 0 : i32
    return %c0_i32, %c0_i32_0 : i32, i32
  }
  func.func @transform_6(%arg0: i32) -> (i32, i32) {
    %c0_i32 = arith.constant 0 : i32
    %c0_i32_0 = arith.constant 0 : i32
    %c0_i32_1 = arith.constant 0 : i32
    return %c0_i32, %c0_i32_0 : i32, i32
  }
  func.func @transform_7(%arg0: i32) -> (i32, i32) {
    %c0_i32 = arith.constant 0 : i32
    %c0_i32_0 = arith.constant 0 : i32
    %c0_i32_1 = arith.constant 0 : i32
    return %c0_i32, %c0_i32_0 : i32, i32
  }
  func.func @transform_8(%arg0: i32) -> (i32, i32) {
    %c0_i32 = arith.constant 0 : i32
    %c0_i32_0 = arith.constant 0 : i32
    %c0_i32_1 = arith.constant 0 : i32
    return %c0_i32, %c0_i32_0 : i32, i32
  }
  func.func @transform_9(%arg0: i32) -> (i32, i32, i32) {
    %c0_i32 = arith.constant 0 : i32
    %c0_i32_0 = arith.constant 0 : i32
    %c0_i32_1 = arith.constant 0 : i32
    return %c0_i32, %arg0, %c0_i32_0 : i32, i32, i32
  }
}

module attributes {stable_mosaic.version = 14 : i64} {
  func.func @_dense_final_body(%arg0: i32, %arg1: memref<2x256x128xf32, #tpu.memory_space<vmem>>, %arg2: memref<2x1x1x256xf32, #tpu.memory_space<vmem>>, %arg3: memref<2x256x128xf32, #tpu.memory_space<vmem>>, %arg4: memref<128x128xf32, #tpu.memory_space<vmem>>, %arg5: memref<128x128xf32, #tpu.memory_space<vmem>>, %arg6: memref<1x128xf32, #tpu.memory_space<vmem>>, %arg7: memref<128x128xf32, #tpu.memory_space<vmem>>, %arg8: memref<128x128xf32, #tpu.memory_space<vmem>>, %arg9: memref<1x128xf32, #tpu.memory_space<vmem>>, %arg10: memref<2x128xf32, #tpu.memory_space<vmem>>, %arg11: memref<1x128xf32, #tpu.memory_space<vmem>>, %arg12: memref<1x1x256xf32, #tpu.memory_space<vmem>>) attributes {dimension_semantics = [#tpu.dimension_semantics<arbitrary>], iteration_bounds = array<i64: 40>, scalar_prefetch = 0 : i64, scratch_operands = 0 : i64, tpu.core_type = #tpu.core_type<tc>, window_params = [{transform_indices = @transform_0, window_bounds = array<i64: 2, 256, 128>}, {transform_indices = @transform_1, window_bounds = array<i64: 2, 1, 1, 256>}, {transform_indices = @transform_2, window_bounds = array<i64: 2, 256, 128>}, {pipeline_mode = #tpu.pipeline_mode<synchronous>, transform_indices = @transform_3, window_bounds = array<i64: 128, 128>}, {pipeline_mode = #tpu.pipeline_mode<synchronous>, transform_indices = @transform_4, window_bounds = array<i64: 128, 128>}, {pipeline_mode = #tpu.pipeline_mode<synchronous>, transform_indices = @transform_5, window_bounds = array<i64: 1, 128>}, {pipeline_mode = #tpu.pipeline_mode<synchronous>, transform_indices = @transform_6, window_bounds = array<i64: 128, 128>}, {pipeline_mode = #tpu.pipeline_mode<synchronous>, transform_indices = @transform_7, window_bounds = array<i64: 128, 128>}, {pipeline_mode = #tpu.pipeline_mode<synchronous>, transform_indices = @transform_8, window_bounds = array<i64: 1, 128>}, {pipeline_mode = #tpu.pipeline_mode<synchronous>, transform_indices = @transform_9, window_bounds = array<i64: 2, 128>}, {pipeline_mode = #tpu.pipeline_mode<synchronous>, transform_indices = @transform_10, window_bounds = array<i64: 1, 128>}, {transform_indices = @transform_11, window_bounds = array<i64: 1, 1, 256>}]} {
    %get3A = arith.constant 1 : index
    %get3A_0 = arith.constant 0 : index
    %get3A_1 = arith.constant 0 : index
    %get3A_2 = arith.constant 0 : index
    %get3A_3 = vector.load %arg2[%get3A, %get3A_0, %get3A_1, %get3A_2] : memref<2x1x1x256xf32, #tpu.memory_space<vmem>>, vector<1x1x1x256xf32>
    %get3A_4 = vector.shape_cast %get3A_3 : vector<1x1x1x256xf32> to vector<256xf32>
    %jit3A = arith.constant 1.000000e+00 : f32
    %max3A = vector.broadcast %jit3A : f32 to vector<256xf32>
    %max3A_5 = arith.maximumf %max3A, %get3A_4 : vector<256xf32>
    %get3A_6 = arith.constant 0 : index
    %get3A_7 = arith.constant 0 : index
    %get3A_8 = arith.constant 0 : index
    %get3A_9 = arith.constant 0 : index
    %get3A_10 = vector.load %arg2[%get3A_6, %get3A_7, %get3A_8, %get3A_9] : memref<2x1x1x256xf32, #tpu.memory_space<vmem>>, vector<1x1x1x256xf32>
    %get3A_11 = vector.shape_cast %get3A_10 : vector<1x1x1x256xf32> to vector<256xf32>
    %jit3A_12 = arith.constant 1.000000e+00 : f32
    %max3A_13 = vector.broadcast %jit3A_12 : f32 to vector<256xf32>
    %max3A_14 = arith.maximumf %max3A_13, %get3A_11 : vector<256xf32>
    %get3A_15 = arith.constant 1 : index
    %get3A_16 = arith.constant 0 : index
    %get3A_17 = arith.constant 0 : index
    %get3A_18 = vector.load %arg1[%get3A_15, %get3A_16, %get3A_17] : memref<2x256x128xf32, #tpu.memory_space<vmem>>, vector<1x256x128xf32>
    %get3A_19 = vector.shape_cast %get3A_18 : vector<1x256x128xf32> to vector<256x128xf32>
    %broadcast_in_dim3A = vector.shape_cast %max3A_5 : vector<256xf32> to vector<256x1xf32>
    %div3A = vector.broadcast %broadcast_in_dim3A : vector<256x1xf32> to vector<256x128xf32>
    %div3A_20 = arith.divf %get3A_19, %div3A : vector<256x128xf32>
    %get3A_21 = arith.constant 0 : index
    %get3A_22 = arith.constant 0 : index
    %get3A_23 = arith.constant 0 : index
    %get3A_24 = vector.load %arg1[%get3A_21, %get3A_22, %get3A_23] : memref<2x256x128xf32, #tpu.memory_space<vmem>>, vector<1x256x128xf32>
    %get3A_25 = vector.shape_cast %get3A_24 : vector<1x256x128xf32> to vector<256x128xf32>
    %broadcast_in_dim3A_26 = vector.shape_cast %max3A_14 : vector<256xf32> to vector<256x1xf32>
    %div3A_27 = vector.broadcast %broadcast_in_dim3A_26 : vector<256x1xf32> to vector<256x128xf32>
    %div3A_28 = arith.divf %get3A_25, %div3A_27 : vector<256x128xf32>
    %get3A_29 = arith.constant 0 : index
    %get3A_30 = arith.constant 0 : index
    %get3A_31 = vector.load %arg4[%get3A_29, %get3A_30] : memref<128x128xf32, #tpu.memory_space<vmem>>, vector<128x128xf32>
    %dot_general3A = arith.constant dense<0.000000e+00> : vector<256x128xf32>
    %dot_general3A_32 = tpu.matmul %div3A_20, %get3A_31, %dot_general3A {dimension_numbers = #tpu.dot_dimension_numbers<[1], [0], [0], [1], [0, 0, 1, 1], [], []>, transpose_lhs_hint = false} : vector<256x128xf32>, vector<128x128xf32>, vector<256x128xf32> -> vector<256x128xf32>
    %get3A_33 = arith.constant 0 : index
    %get3A_34 = arith.constant 0 : index
    %get3A_35 = arith.constant 0 : index
    %get3A_36 = vector.load %arg3[%get3A_33, %get3A_34, %get3A_35] : memref<2x256x128xf32, #tpu.memory_space<vmem>>, vector<1x256x128xf32>
    %get3A_37 = vector.shape_cast %get3A_36 : vector<1x256x128xf32> to vector<256x128xf32>
    %get3A_38 = arith.constant 0 : index
    %get3A_39 = arith.constant 0 : index
    %get3A_40 = vector.load %arg5[%get3A_38, %get3A_39] : memref<128x128xf32, #tpu.memory_space<vmem>>, vector<128x128xf32>
    %dot_general3A_41 = arith.constant dense<0.000000e+00> : vector<256x128xf32>
    %dot_general3A_42 = tpu.matmul %get3A_37, %get3A_40, %dot_general3A_41 {dimension_numbers = #tpu.dot_dimension_numbers<[1], [0], [0], [1], [0, 0, 1, 1], [], []>, transpose_lhs_hint = false} : vector<256x128xf32>, vector<128x128xf32>, vector<256x128xf32> -> vector<256x128xf32>
    %add3A = arith.addf %dot_general3A_32, %dot_general3A_42 : vector<256x128xf32>
    %get3A_43 = arith.constant 0 : index
    %get3A_44 = arith.constant 0 : index
    %get3A_45 = vector.load %arg6[%get3A_43, %get3A_44] : memref<1x128xf32, #tpu.memory_space<vmem>>, vector<1x128xf32>
    %get3A_46 = vector.shape_cast %get3A_45 : vector<1x128xf32> to vector<128xf32>
    %broadcast_in_dim3A_47 = vector.shape_cast %get3A_46 : vector<128xf32> to vector<1x128xf32>
    %add3A_48 = vector.broadcast %broadcast_in_dim3A_47 : vector<1x128xf32> to vector<256x128xf32>
    %add3A_49 = arith.addf %add3A, %add3A_48 : vector<256x128xf32>
    %get3A_50 = arith.constant 0 : index
    %get3A_51 = arith.constant 0 : index
    %get3A_52 = vector.load %arg7[%get3A_50, %get3A_51] : memref<128x128xf32, #tpu.memory_space<vmem>>, vector<128x128xf32>
    %dot_general3A_53 = arith.constant dense<0.000000e+00> : vector<256x128xf32>
    %dot_general3A_54 = tpu.matmul %div3A_28, %get3A_52, %dot_general3A_53 {dimension_numbers = #tpu.dot_dimension_numbers<[1], [0], [0], [1], [0, 0, 1, 1], [], []>, transpose_lhs_hint = false} : vector<256x128xf32>, vector<128x128xf32>, vector<256x128xf32> -> vector<256x128xf32>
    %get3A_55 = arith.constant 1 : index
    %get3A_56 = arith.constant 0 : index
    %get3A_57 = arith.constant 0 : index
    %get3A_58 = vector.load %arg3[%get3A_55, %get3A_56, %get3A_57] : memref<2x256x128xf32, #tpu.memory_space<vmem>>, vector<1x256x128xf32>
    %get3A_59 = vector.shape_cast %get3A_58 : vector<1x256x128xf32> to vector<256x128xf32>
    %get3A_60 = arith.constant 0 : index
    %get3A_61 = arith.constant 0 : index
    %get3A_62 = vector.load %arg8[%get3A_60, %get3A_61] : memref<128x128xf32, #tpu.memory_space<vmem>>, vector<128x128xf32>
    %dot_general3A_63 = arith.constant dense<0.000000e+00> : vector<256x128xf32>
    %dot_general3A_64 = tpu.matmul %get3A_59, %get3A_62, %dot_general3A_63 {dimension_numbers = #tpu.dot_dimension_numbers<[1], [0], [0], [1], [0, 0, 1, 1], [], []>, transpose_lhs_hint = false} : vector<256x128xf32>, vector<128x128xf32>, vector<256x128xf32> -> vector<256x128xf32>
    %add3A_65 = arith.addf %dot_general3A_54, %dot_general3A_64 : vector<256x128xf32>
    %get3A_66 = arith.constant 0 : index
    %get3A_67 = arith.constant 0 : index
    %get3A_68 = vector.load %arg9[%get3A_66, %get3A_67] : memref<1x128xf32, #tpu.memory_space<vmem>>, vector<1x128xf32>
    %get3A_69 = vector.shape_cast %get3A_68 : vector<1x128xf32> to vector<128xf32>
    %broadcast_in_dim3A_70 = vector.shape_cast %get3A_69 : vector<128xf32> to vector<1x128xf32>
    %add3A_71 = vector.broadcast %broadcast_in_dim3A_70 : vector<1x128xf32> to vector<256x128xf32>
    %add3A_72 = arith.addf %add3A_65, %add3A_71 : vector<256x128xf32>
    %max3A_73 = arith.constant 0.000000e+00 : f32
    %max3A_74 = vector.broadcast %max3A_73 : f32 to vector<256x128xf32>
    %max3A_75 = arith.maximumf %add3A_49, %max3A_74 : vector<256x128xf32>
    %max3A_76 = arith.constant 0.000000e+00 : f32
    %max3A_77 = vector.broadcast %max3A_76 : f32 to vector<256x128xf32>
    %max3A_78 = arith.maximumf %add3A_72, %max3A_77 : vector<256x128xf32>
    %get3A_79 = arith.constant 0 : index
    %get3A_80 = arith.constant 0 : index
    %get3A_81 = vector.load %arg10[%get3A_79, %get3A_80] : memref<2x128xf32, #tpu.memory_space<vmem>>, vector<1x128xf32>
    %get3A_82 = vector.shape_cast %get3A_81 : vector<1x128xf32> to vector<128xf32>
    %broadcast_in_dim3A_83 = vector.shape_cast %get3A_82 : vector<128xf32> to vector<1x128xf32>
    %mul3A = vector.broadcast %broadcast_in_dim3A_83 : vector<1x128xf32> to vector<256x128xf32>
    %mul3A_84 = arith.mulf %max3A_75, %mul3A : vector<256x128xf32>
    %reduce_sum3A = arith.constant dense<0.000000e+00> : vector<256xf32>
    %reduce_sum3A_85 = vector.multi_reduction <add>, %mul3A_84, %reduce_sum3A [1] : vector<256x128xf32> to vector<256xf32>
    %get3A_86 = arith.constant 1 : index
    %get3A_87 = arith.constant 0 : index
    %get3A_88 = vector.load %arg10[%get3A_86, %get3A_87] : memref<2x128xf32, #tpu.memory_space<vmem>>, vector<1x128xf32>
    %get3A_89 = vector.shape_cast %get3A_88 : vector<1x128xf32> to vector<128xf32>
    %broadcast_in_dim3A_90 = vector.shape_cast %get3A_89 : vector<128xf32> to vector<1x128xf32>
    %mul3A_91 = vector.broadcast %broadcast_in_dim3A_90 : vector<1x128xf32> to vector<256x128xf32>
    %mul3A_92 = arith.mulf %max3A_78, %mul3A_91 : vector<256x128xf32>
    %reduce_sum3A_93 = arith.constant dense<0.000000e+00> : vector<256xf32>
    %reduce_sum3A_94 = vector.multi_reduction <add>, %mul3A_92, %reduce_sum3A_93 [1] : vector<256x128xf32> to vector<256xf32>
    %add3A_95 = arith.addf %reduce_sum3A_85, %reduce_sum3A_94 : vector<256xf32>
    %get3A_96 = arith.constant 0 : index
    %get3A_97 = arith.constant 0 : index
    %get3A_98 = vector.load %arg11[%get3A_96, %get3A_97] : memref<1x128xf32, #tpu.memory_space<vmem>>, vector<1x1xf32>
    %get3A_99 = vector.extract %get3A_98[0, 0] : f32 from vector<1x1xf32>
    %add3A_100 = vector.broadcast %get3A_99 : f32 to vector<256xf32>
    %add3A_101 = arith.addf %add3A_95, %add3A_100 : vector<256xf32>
    %swap3A = arith.constant 0 : index
    %swap3A_102 = arith.constant 0 : index
    %swap3A_103 = arith.constant 0 : index
    %swap3A_104 = vector.load %arg12[%swap3A, %swap3A_102, %swap3A_103] : memref<1x1x256xf32, #tpu.memory_space<vmem>>, vector<1x1x256xf32>
    %swap3A_105 = vector.shape_cast %swap3A_104 : vector<1x1x256xf32> to vector<256xf32>
    %swap3A_106 = vector.shape_cast %add3A_101 : vector<256xf32> to vector<1x1x256xf32>
    tpu.vector_store %arg12[%swap3A, %swap3A_102, %swap3A_103], %swap3A_106 {strides = array<i32>} : memref<1x1x256xf32, #tpu.memory_space<vmem>>, vector<1x1x256xf32>,
    return
  }
  func.func @transform_0(%arg0: i32) -> (i32, i32, i32) {
    %c0_i32 = arith.constant 0 : i32
    %c0_i32_0 = arith.constant 0 : i32
    %c0_i32_1 = arith.constant 0 : i32
    return %c0_i32, %arg0, %c0_i32_0 : i32, i32, i32
  }
  func.func @transform_1(%arg0: i32) -> (i32, i32, i32, i32) {
    %c0_i32 = arith.constant 0 : i32
    %c0_i32_0 = arith.constant 0 : i32
    %c0_i32_1 = arith.constant 0 : i32
    %c0_i32_2 = arith.constant 0 : i32
    return %c0_i32, %arg0, %c0_i32_0, %c0_i32_1 : i32, i32, i32, i32
  }
  func.func @transform_2(%arg0: i32) -> (i32, i32, i32) {
    %c0_i32 = arith.constant 0 : i32
    %c0_i32_0 = arith.constant 0 : i32
    %c0_i32_1 = arith.constant 0 : i32
    return %c0_i32, %arg0, %c0_i32_0 : i32, i32, i32
  }
  func.func @transform_3(%arg0: i32) -> (i32, i32) {
    %c0_i32 = arith.constant 0 : i32
    %c0_i32_0 = arith.constant 0 : i32
    %c0_i32_1 = arith.constant 0 : i32
    return %c0_i32, %c0_i32_0 : i32, i32
  }
  func.func @transform_4(%arg0: i32) -> (i32, i32) {
    %c0_i32 = arith.constant 0 : i32
    %c0_i32_0 = arith.constant 0 : i32
    %c0_i32_1 = arith.constant 0 : i32
    return %c0_i32, %c0_i32_0 : i32, i32
  }
  func.func @transform_5(%arg0: i32) -> (i32, i32) {
    %c0_i32 = arith.constant 0 : i32
    %c0_i32_0 = arith.constant 0 : i32
    %c0_i32_1 = arith.constant 0 : i32
    return %c0_i32, %c0_i32_0 : i32, i32
  }
  func.func @transform_6(%arg0: i32) -> (i32, i32) {
    %c0_i32 = arith.constant 0 : i32
    %c0_i32_0 = arith.constant 0 : i32
    %c0_i32_1 = arith.constant 0 : i32
    return %c0_i32, %c0_i32_0 : i32, i32
  }
  func.func @transform_7(%arg0: i32) -> (i32, i32) {
    %c0_i32 = arith.constant 0 : i32
    %c0_i32_0 = arith.constant 0 : i32
    %c0_i32_1 = arith.constant 0 : i32
    return %c0_i32, %c0_i32_0 : i32, i32
  }
  func.func @transform_8(%arg0: i32) -> (i32, i32) {
    %c0_i32 = arith.constant 0 : i32
    %c0_i32_0 = arith.constant 0 : i32
    %c0_i32_1 = arith.constant 0 : i32
    return %c0_i32, %c0_i32_0 : i32, i32
  }
  func.func @transform_9(%arg0: i32) -> (i32, i32) {
    %c0_i32 = arith.constant 0 : i32
    %c0_i32_0 = arith.constant 0 : i32
    %c0_i32_1 = arith.constant 0 : i32
    return %c0_i32, %c0_i32_0 : i32, i32
  }
  func.func @transform_10(%arg0: i32) -> (i32, i32) {
    %c0_i32 = arith.constant 0 : i32
    %c0_i32_0 = arith.constant 0 : i32
    %c0_i32_1 = arith.constant 0 : i32
    return %c0_i32, %c0_i32_0 : i32, i32
  }
  func.func @transform_11(%arg0: i32) -> (i32, i32, i32) {
    %c0_i32 = arith.constant 0 : i32
    %c0_i32_0 = arith.constant 0 : i32
    %c0_i32_1 = arith.constant 0 : i32
    return %arg0, %c0_i32, %c0_i32_0 : i32, i32, i32
  }
}

</mosaic_0001>

<sc_bundles>
// kernel: kernel.10.cloned.1.call-start
scs
__scs_entry_jumppad:
0x0: {  	(pc) =	sbr.rel $0x88, $3  }
0x1: {  	(tag) =	ssettag $0x0;
	lr =	simm.s32 $0x1  }
0x2: {  	[smem:$0x3F8D] =	sst lr;
	_ =	strace $0xD0000000  }
0x3: {  	_ = 	snop  }
0x4: {  	_ = 	snop  }
0x5: {  	_ = 	snop  }
0x6: {  	_ = 	snop  }
0x7: {  	_ = 	snop  }
__scs_overlays_trampoline_lowered:
0x8: {  	[smem:$0x3F9C] =	sst s0  }
0x9: {  	[smem:$0x3F9D] =	sst s1  }
0xa: {  	[smem:$0x3F9E] =	sst s2  }
0xb: {  	[smem:$0x3F9F] =	sst s3  }
0xc: {  	[smem:$0x3FA0] =	sst s4  }
0xd: {  	[smem:$0x3FA1] =	sst s5  }
0xe: {  	[smem:$0x3FA2] =	sst s6  }
0xf: {  	[smem:$0x3FA3] =	sst s7  }
0x10: {  	[smem:$0x3FA4] =	sst s8  }
0x11: {  	[smem:$0x3FA5] =	sst s9;
	s0 =	simm.s32 @!p0 $0x0  }
0x12: {  	s1 =	sld [smem:$0x3F8B];
	s0 =	simm.s32 @p0 $0x1  }
0x13: {  	[smem:$0x3FA6] =	sst s0;
	s0 =	simm.s32 @!p1 $0x0  }
0x14: {  	s2 =	sld [smem:$0x3F8A];
	s0 =	simm.s32 @p1 $0x1  }
0x15: {  	[smem:$0x3FA7] =	sst s0;
	s0 =	simm.s32 @!p2 $0x0  }
0x16: {  	s3 =	sld [smem:$0x3FDB];
	s0 =	simm.s32 @p2 $0x1  }
0x17: {  	s4 =	simm.s32 $0x1BF5;
	[smem:$0x3FA9] =	sst s0  }
0x18: {  	s0 =	sld [smem:$0x3F8C];
	_ =	swait.ge [sflag:s4], $0x0  }
0x19: {  	s7 =	sld [smem:$0x3F8D]  }
0x1a: {  	s8 =	sadd.s32 $0xFFFFE003, lr  }
0x1b: {  	s9 =	sadd.s32 $0xFFFFFEF7, lr;
	s5 =	simm.s32 $0xFFFFFFFF;
	p2 =	slt.u32 s8, $0xFFFFF086  }
0x1c: {  	p1 =	slt.u32 s9, $0xF7A;
	s5 =	simm.s32 @!p2 $0x0  }
0x1d: {  	s5 =	simm.s32 @p1 $0x1;
	p0 =	seq.s32 s7, s2  }
0x1e: {  	s7 =	smul.u32 @!p0 $0xF7A, s2;
	p2 =	seq.s32 @!p0 s5, $0x0  }
0x1f: {  	s9 =	smul.u32 $0xF7A, s1;
	s8 =	simm.s32 @!p0 $0x1BF5;
	p2 =	por !p2, p0  }
0x20: {  	[sflag:s8] =	ssyncset.s32 @!p0 $0xFFFFF086;
	s6 =	sadd.s32 @!p0 s3, s7;
	s7 =	simm.s32 @!p0 $0x108  }
0x21: {  	s3 =	sadd.s32 s3, s9;
	s6 =	sadd.s32 @!p0 $0x88, s6;
	s7 =	simm.s32 @p2 $0x1082  }
0x22: {  	[simem:s7], [sflag:s8] =	dma.local @!p0 [hbm:s6], $0xF7A  }
0x23: {  	s9 =	sor.u32 $0xD0000000, s2;
	s6 =	simm.s32 $0x108;
	_ =	swait.ge @!p0 [sflag:s8], $0x0  }
0x24: {  	s3 =	sadd.s32 $0x88, s3;
	s6 =	simm.s32 @!p1 $0x1082;
	[sflag:s4] =	ssyncset.s32 $0xFFFFF086  }
0x25: {  	[simem:s6], [sflag:s4] =	dma.local [hbm:s3], $0xF7A  }
0x26: {  	[smem:$0x3F8D] =	sst s1;
	(tag) =	ssettag s2;
	_ =	strace s9  }
0x27: {  	s1 =	sld [smem:$0x3F9D]  }
0x28: {  	s2 =	sld [smem:$0x3F9E]  }
0x29: {  	s4 =	sld [smem:$0x3FA0]  }
0x2a: {  	p0 =	seq.s32 s5, $0x0;
	s5 =	sld [smem:$0x3FA1]  }
0x2b: {  	s6 =	sld [smem:$0x3FA2]  }
0x2c: {  	s7 =	sld [smem:$0x3FA3]  }
0x2d: {  	s3 =	simm.s32 $0x108;
	s8 =	sld [smem:$0x3FA4]  }
0x2e: {  	s3 =	simm.s32 @!p0 $0x1082;
	s9 =	sld [smem:$0x3FA5]  }
0x2f: {  	lr =	sadd.s32 s0, s3;
	s0 =	sld [smem:$0x3F9C]  }
0x30: {  	s3 =	sld [smem:$0x3F9F]  }
0x31: {  	[smem:$0x3FA8] =	sst s10  }
0x32: {  	s10 =	sld [smem:$0x3FA6];
	_ =	sdelay $0x3  }
0x33: {  	p0 =	seq.s32 s10, $0x1;
	s10 =	sld [smem:$0x3FA8];
	_ =	sdelay $0x3  }
0x34: {  	[smem:$0x3FA8] =	sst s10  }
0x35: {  	s10 =	sld [smem:$0x3FA7];
	_ =	sdelay $0x3  }
0x36: {  	p1 =	seq.s32 s10, $0x1;
	s10 =	sld [smem:$0x3FA8];
	_ =	sdelay $0x3  }
0x37: {  	[smem:$0x3FA8] =	sst s10  }
0x38: {  	s10 =	sld [smem:$0x3FA9]  }
0x39: {  	_ = 	snop;
	(pc) =	sbr.ind lr, $3  }
0x3a: {  	_ = 	snop  }
0x3b: {  	_ = 	snop  }
0x3c: {  	p2 =	seq.s32 s10, $0x1;
	s10 =	sld [smem:$0x3FA8]  }
0x3d: {  	_ =	shalt  }
0x3e: {  	_ =	shalt  }
0x3f: {  	_ =	shalt  }
0x40: {  	_ =	shalt  }
0x41: {  	_ =	shalt  }
0x42: {  	_ =	shalt  }
0x43: {  	_ =	shalt  }
0x44: {  	_ =	shalt  }
0x45: {  	_ =	shalt  }
0x46: {  	_ =	shalt  }
0x47: {  	_ =	shalt  }
0x48: {  	_ =	shalt  }
0x49: {  	_ =	shalt  }
0x4a: {  	_ =	shalt  }
0x4b: {  	_ =	shalt  }
0x4c: {  	_ =	shalt  }
0x4d: {  	_ =	shalt  }
0x4e: {  	_ =	shalt  }
0x4f: {  	_ =	shalt  }
0x50: {  	_ =	shalt  }
0x51: {  	_ =	shalt  }
0x52: {  	_ =	shalt  }
0x53: {  	_ =	shalt  }
0x54: {  	_ =	shalt  }
0x55: {  	_ =	shalt  }
0x56: {  	_ =	shalt  }
0x57: {  	_ =	shalt  }
0x58: {  	_ =	shalt  }
0x59: {  	_ =	shalt  }
0x5a: {  	_ =	shalt  }
0x5b: {  	_ =	shalt  }
0x5c: {  	_ =	shalt  }
0x5d: {  	_ =	shalt  }
0x5e: {  	_ =	shalt  }
0x5f: {  	_ =	shalt  }
0x60: {  	_ =	shalt  }
0x61: {  	_ =	shalt  }
0x62: {  	_ =	shalt  }
0x63: {  	_ =	shalt  }
0x64: {  	_ =	shalt  }
0x65: {  	_ =	shalt  }
0x66: {  	_ =	shalt  }
0x67: {  	_ =	shalt  }
0x68: {  	_ =	shalt  }
0x69: {  	_ =	shalt  }
0x6a: {  	_ =	shalt  }
0x6b: {  	_ =	shalt  }
0x6c: {  	_ =	shalt  }
0x6d: {  	_ =	shalt  }
0x6e: {  	_ =	shalt  }
0x6f: {  	_ =	shalt  }
0x70: {  	_ =	shalt  }
0x71: {  	_ =	shalt  }
0x72: {  	_ =	shalt  }
0x73: {  	_ =	shalt  }
0x74: {  	_ =	shalt  }
0x75: {  	_ =	shalt  }
0x76: {  	_ =	shalt  }
0x77: {  	_ =	shalt  }
0x78: {  	_ =	shalt  }
0x79: {  	_ =	shalt  }
0x7a: {  	_ =	shalt  }
0x7b: {  	_ =	shalt  }
0x7c: {  	_ =	shalt  }
0x7d: {  	_ =	shalt  }
0x7e: {  	_ =	shalt  }
0x7f: {  	_ =	shalt  }
0x80: {  	_ =	shalt  }
0x81: {  	_ =	shalt  }
0x82: {  	_ =	shalt  }
0x83: {  	_ =	shalt  }
0x84: {  	_ =	shalt  }
0x85: {  	_ =	shalt  }
0x86: {  	_ =	shalt  }
0x87: {  	_ =	shalt  }
.Lfunc_end0:
.L_simem_size_0:
called_computation.1_lowered:
.L_overlay_start_0:
0x88: {  	s2 =	sld [smem:$0x3FD9]  }
0x89: {  	s3 =	sld [smem:$0x3FFE];
	_ =	sdelay $0x1  }
0x8a: {  	s1 =	srdreg.scid  }
0x8b: {  	s0 =	sand.u32 $0x1, s1  }
0x8c: {  	s16 =	sshll.u32 s0, $0xA;
	s2 =	sadd.s32 s3, s2  }
0x8d: {  	s2 =	sadd.s32 s2, s16  }
0x8e: {  	[smem:$0x3FB4] =	sst s2  }
0x8f: {  	_ = 	snop  }
0x90: {  	(tm) =	ssettm $0x1  }
0x91: {  	s17 =	sld [smem:$0x3FFB];
	_ =	sdelay $0x3  }
0x92: {  	_ =	strace s17  }
0x93: {  	s2 =	sld [smem:$0x3FFC];
	_ =	sdelay $0x3  }
0x94: {  	_ =	strace s2  }
0x95: {  	s2 =	sld [smem:$0x3FFD];
	_ =	sdelay $0x3  }
0x96: {  	_ =	strace s2  }
0x97: {  	_ =	strace $0x8FFFFFFF  }
0x98: {  	s18 =	sld [smem:$0x3FDB];
	_ =	sdelay $0x1  }
0x99: {  	s19 =	simm.s32 $_scs_section_size  }
0x9a: {  	s4 =	simm.s32 $_size__tile_overlayer_lowered;
	s5 =	simm.s32 $_tile_overlayer_lowered  }
0x9b: {  	s22 =	simm.s32 $0x1BFF;
	s21 =	sshll.u32 s5, $0x1;
	s2 =	sadd.s32 s19, s18  }
0x9c: {  	s6 =	simm.s32 $0x0;
	s20 =	sshll.u32 s4, $0x1;
	s4 =	sadd.s32 s21, s2  }
0x9d: {  	[timem:s6], [sflag:s22] =	dma.local [hbm:s4], s20  }
0x9e: {  	_ =	swait.ge [sflag:s22], s20  }
0x9f: {  	s3 =	ssub.s32 $0x0, s20;
	[sflag:s22] =	ssyncset.done $0x0  }
0xa0: {  	[sflag:s22] =	ssyncadd.s32 s3;
	_ =	sdelay $0x1  }
0xa1: {  	s23 =	simm.s32 $0x1B8B  }
0xa2: {  	_ =	swait.ge [sflag:s23], $0x1  }
0xa3: {  	[sflag:s23] =	ssyncset.done $0x0  }
0xa4: {  	s25 =	simm.s32 $0x1B8E;
	s24 =	sld [smem:$0x3FFE];
	[sflag:s23] =	ssyncadd.s32 $0xFFFFFFFF  }
0xa5: {  	s26 =	simm.s32 $execute0_lowered;
	[smem:$0x3FD2] =	sst s25  }
0xa6: {  	s4 =	sshll.u32 s26, $0x1;
	_ =	strace $0x80000049;
	[dreg:$0x1] =	wrdreg $0xFFFFFFFF  }
0xa7: {  	s28 =	simm.s32 $_size_execute0_lowered;
	s2 =	sadd.s32 s2, s4;
	[dreg:$0x0] =	wrdreg $0x0  }
0xa8: {  	s4 =	sshll.u32 s28, $0x1;
	[dreg:$0x2] =	wrdreg s2  }
0xa9: {  	[dreg:$0x3] =	wrdreg s4  }
0xaa: {  	[dreg:$0x4] =	wrdreg $0xC0  }
0xab: {  	_ =	task [dreg:s6], $0x5FFFF  }
0xac: {  	[dreg:$0x1] =	wrdreg $0xFFFFFFFF  }
0xad: {  	[dreg:$0x0] =	wrdreg $0x60  }
0xae: {  	[dreg:$0x2] =	wrdreg s24  }
0xaf: {  	[dreg:$0x3] =	wrdreg $0x84000  }
0xb0: {  	[dreg:$0x4] =	wrdreg $0x9  }
0xb1: {  	_ =	task.clear_ibuf [dreg:s6], $0x5FFFF;
	_ =	strace $0x90000049  }
0xb2: {  	s29 =	simm.s32 $0x9;
	_ =	strace $0x8000004B  }
0xb3: {  	_ =	swait.ge [sflag:s29], $0x1  }
0xb4: {  	[sflag:s29] =	ssyncadd.s32 $0xFFFFFFFF  }
0xb5: {  	_ =	strace $0x9000004B  }
0xb6: {  	_ =	sfence  }
0xb7: {  	s30 =	sld [smem:$0x0];
	_ =	sdelay $0x2  }
0xb8: {  	s31 =	sshll.u32 s1, $0xD;
	s1 =	sshrl.u32 s1, $0x2  }
0xb9: {  	s3 =	sand.u32 $0x4000, s31;
	s1 =	sadd.s32 s1, s30  }
0xba: {  	s0 =	sor.u32 s3, s0;
	s1 =	sshll.u32 s1, $0x11  }
0xbb: {  	s0 =	sor.u32 s1, s0  }
0xbc: {  	s0 =	sadd.s32 $0x8F2B, s0  }
0xbd: {  	[sflag:s0] =	ssyncadd.remote.s32 $0x1  }
0xbe: {  	_ =	sfence.sel $0xFFFF  }
0xbf: {  	[dreg:$0x0] =	wrdreg $0xFFFFFFFF;
	(pc) =	sbr.abs _section_cstart, $3  }
0xc0: {  	[dreg:$0x1] =	wrdreg $0xFFFFFFFF  }
0xc1: {  	_ =	task.clear_ibuf [dreg:s6], $0x2FFFF;
	_ =	strace $0x9FFFFFFF  }
0xc2: {  	(tm) =	ssettm $0x7FFFFFFF  }
0xc3: {  	_ =	shalt  }
tec
execute0_lowered:
.L_overlay_start_1:
0x0: {  	(tag) =	ssettag $0x1  }
0x1: {  	s0 =	rddreg [dreg:$0x0];
	s1 =	srdreg.scid  }
0x2: {  	s2 =	rddreg [dreg:$0x1];
	s7 =	stileid.u32;
	s3 =	simm.s32 $0x0  }
0x3: {  	s13 =	simm.s32 $0x100;
	s14 =	simm.s32 $0x9;
	s15 =	simm.s32 $0x80  }
0x4: {  	s16 =	simm.s32 $0x4100;
	s17 =	simm.s32 $0x4180;
	s18 =	simm.s32 $0x8200  }
0x5: {  	s19 =	simm.s32 $0x8280;
	s28 =	simm.s32 $0x2;
	s5 =	smul.u32 $0x5000, s7  }
0x6: {  	s29 =	simm.s32 $0x8;
	s30 =	simm.s32 $0x3;
	s6 =	smul.u32 $0x2800, s7  }
0x7: {  	s1 =	sand.u32 $0x1, s1;
	[smem:$0x7FF] =	sst s3;
	s7 =	smul.u32 $0x50000, s7  }
0x8: {  	s31 =	simm.s32 $0x4;
	s4 =	smul.u32 $0x50000, s1;
	_ =	strace $0x8000004A  }
0x9: {  	s8 =	smul.u32 $0x28000, s1;
	s1 =	ssub.s32 $0x2, s1;
	s20 =	sshrl.u32 s7, $0x2  }
0xa: {  	s21 =	sshrl.u32 s1, $0x1;
	s5 =	sadd.s32 s5, s4;
	s4 =	sadd.s32 $0x2C800, s0  }
0xb: {  	s6 =	sadd.s32 s6, s8;
	s1 =	ssub.s32 s1, s21;
	s5 =	sshrl.u32 s5, $0x3  }
0xc: {  	s21 =	simm.s32 $0x8380;
	s12 =	sadd.s32 s5, s0;
	s5 =	sadd.s32 s20, s2  }
0xd: {  	s11 =	smax.u32 s1, $0x1;
	s0 =	sadd.s32 s6, s0;
	s22 =	sadd.s32 $0x4000, s5  }
0xe: {  	s20 =	simm.s32 $0x8300;
	s23 =	sadd.s32 $0x8000, s5;
	[dreg:$0x4] =	wrdreg s22  }
0xf: {  	s24 =	sadd.s32 $0xC000, s5;
	s25 =	sadd.s32 $0x10000, s5;
	[dreg:$0x5] =	wrdreg s23  }
0x10: {  	s10 =	sadd.s32 $0x7C800, s0;
	s26 =	sadd.s32 $0x17E00, s12;
	[dreg:$0x6] =	wrdreg s24  }
0x11: {  	s12 =	sadd.s32 $0x3E00, s12;
	s0 =	simm.s32 $0x0;
	[dreg:$0x7] =	wrdreg s25  }
0x12: {  	[dreg:$0x3] =	wrdreg s26;
	s22 =	simm.s32 $0x5;
	s23 =	simm.s32 $0x7  }
0x13: {  	v0 =	vimm.f32 $0.0e+00;
	s24 =	simm.s32 $0x4200;
	s25 =	simm.s32 $0x1;
	s26 =	simm.s32 $0x6  }
.LBB2_1:
0x14: {  	s1 =	simm.s32 $0x0;
	s6 =	simm.s32 $0x200  }
.LBB2_2:
0x15: {  	p0 =	sne.s32 s6, $0xFE00;
	[tilespmem:s1+$0x170] =	vst v0  }
0x16: {  	[tilespmem:s1+$0x100] =	vst v0  }
0x17: {  	[tilespmem:s1+$0x110] =	vst v0  }
.Ltmp0:
0x18: {  	[tilespmem:s1+$0x120] =	vst v0;
	(pc) =	sbr.rel @p0 .LBB2_2-.Ltmp0, $4  }
0x19: {  	[tilespmem:s1+$0x130] =	vst v0  }
0x1a: {  	[tilespmem:s1+$0x140] =	vst v0  }
0x1b: {  	[tilespmem:s1+$0x150] =	vst v0  }
0x1c: {  	[tilespmem:s1+$0x160] =	vst v0;
	s1 =	sshra.s32 s6, $0x2;
	s6 =	sadd.s32 $0x200, s6  }
0x1d: {  	[tilespmem:s1+$0x170] =	vst v0  }
0x1e: {  	[tilespmem:s1+$0x100] =	vst v0  }
0x1f: {  	[tilespmem:s1+$0x110] =	vst v0  }
0x20: {  	[tilespmem:s1+$0x120] =	vst v0  }
0x21: {  	[tilespmem:s1+$0x130] =	vst v0  }
0x22: {  	[tilespmem:s1+$0x140] =	vst v0  }
0x23: {  	[tilespmem:s1+$0x150] =	vst v0  }
0x24: {  	[tilespmem:s1+$0x160] =	vst v0  }
0x25: {  	[spmem:s5] =	stream.linear.scatter [tilespmem:s13], [sflag:$0x9], $0x4000, $0x38;
	[tilespmem:$0x1C400] =	vst v63  }
0x26: {  	_ =	swait.ge [sflag:s14], $0x4000  }
0x27: {  	[sflag:s14] =	ssyncset.done $0x0  }
0x28: {  	s7 =	rddreg [dreg:$0x4];
	[sflag:s14] =	ssyncadd.s32 $0xFFFFC000  }
0x29: {  	[spmem:s7] =	stream.linear.scatter [tilespmem:s13], [sflag:$0x9], $0x4000, $0x38;
	[tilespmem:$0x1C400] =	vst v63  }
0x2a: {  	_ =	swait.ge [sflag:s14], $0x4000  }
0x2b: {  	[sflag:s14] =	ssyncset.done $0x0  }
0x2c: {  	s8 =	rddreg [dreg:$0x5];
	[sflag:s14] =	ssyncadd.s32 $0xFFFFC000  }
0x2d: {  	[spmem:s8] =	stream.linear.scatter [tilespmem:s13], [sflag:$0x9], $0x4000, $0x38;
	[tilespmem:$0x1C400] =	vst v63  }
0x2e: {  	_ =	swait.ge [sflag:s14], $0x4000  }
0x2f: {  	[sflag:s14] =	ssyncset.done $0x0  }
0x30: {  	s9 =	rddreg [dreg:$0x6];
	[sflag:s14] =	ssyncadd.s32 $0xFFFFC000  }
0x31: {  	[spmem:s9] =	stream.linear.scatter [tilespmem:s13], [sflag:$0x9], $0x4000, $0x38;
	[tilespmem:$0x1C400] =	vst v63  }
0x32: {  	_ =	swait.ge [sflag:s14], $0x4000  }
0x33: {  	[sflag:s14] =	ssyncset.done $0x0  }
0x34: {  	s6 =	rddreg [dreg:$0x7];
	[sflag:s14] =	ssyncadd.s32 $0xFFFFC000  }
0x35: {  	[spmem:s6] =	stream.linear.scatter [tilespmem:s13], [sflag:$0x9], $0x4000, $0x38;
	[tilespmem:$0x1C400] =	vst v63  }
0x36: {  	_ =	swait.ge [sflag:s14], $0x4000  }
0x37: {  	[sflag:s14] =	ssyncset.done $0x0  }
0x38: {  	[sflag:s14] =	ssyncadd.s32 $0xFFFFC000  }
0x39: {  	[bflag:$0x0] =	sbarrier.arrive $0xFFFF  }
0x3a: {  	s7 =	rddreg [dreg:$0x3]  }
0x3b: {  	s1 =	sadd.s32 $0x0, s7  }
0x3c: {  	[tilespmem:s3], [sflag:$0x5] =	stream.linear.gather [hbm4b:s1+s3], $0x80, $0x38;
	[tilespmem:$0x1C400] =	vst v63  }
0x3d: {  	s6 =	sadd.s32 $0x0, s12  }
0x3e: {  	[tilespmem:s15], [sflag:$0x6] =	stream.linear.gather [hbm4b:s6+s3], $0x80, $0x38;
	[tilespmem:$0x1C400] =	vst v63  }
0x3f: {  	s7 =	sadd.s32 $0x10, s1  }
0x40: {  	[tilespmem:s16], [sflag:$0x7] =	stream.linear.gather [hbm4b:s7+s3], $0x80, $0x38;
	[tilespmem:$0x1C400] =	vst v63  }
0x41: {  	s8 =	sadd.s32 $0x10, s6  }
0x42: {  	[tilespmem:s17], [sflag:$0x8] =	stream.linear.gather [hbm4b:s8+s3], $0x80, $0x38;
	[tilespmem:$0x1C400] =	vst v63  }
0x43: {  	s9 =	sadd.s32 $0x20, s1  }
0x44: {  	[tilespmem:s18], [sflag:$0x5] =	stream.linear.gather [hbm4b:s9+s3], $0x80, $0x38;
	[tilespmem:$0x1C400] =	vst v63  }
0x45: {  	s8 =	sadd.s32 $0x20, s6  }
0x46: {  	[tilespmem:s19], [sflag:$0x6] =	stream.linear.gather [hbm4b:s8+s3], $0x80, $0x38;
	[tilespmem:$0x1C400] =	vst v63  }
0x47: {  	s1 =	sadd.s32 $0x30, s1  }
0x48: {  	[tilespmem:s20], [sflag:$0x7] =	stream.linear.gather [hbm4b:s1+s3], $0x80, $0x38;
	[tilespmem:$0x1C400] =	vst v63  }
0x49: {  	s9 =	sadd.s32 $0x30, s6  }
0x4a: {  	[tilespmem:s21], [sflag:$0x8] =	stream.linear.gather [hbm4b:s9+s3], $0x80, $0x38;
	[tilespmem:$0x1C400] =	vst v63  }
0x4b: {  	_ =	swait.ge [sflag:s22], $0x80  }
0x4c: {  	[sflag:s22] =	ssyncset.done $0x0  }
0x4d: {  	[sflag:s22] =	ssyncadd.s32 $0xFFFFFF80  }
0x4e: {  	[tilespmem:s13], [sflag:$0x1] =	stream.indirect.gather [hbm4b:s4+s15], $0x80, s3, s15, $0xb8;
	[tilespmem:$0x1C400] =	vst v63  }
0x4f: {  	_ =	swait.ge [sflag:s23], $0x80  }
0x50: {  	[sflag:s23] =	ssyncset.done $0x0  }
0x51: {  	[sflag:s23] =	ssyncadd.s32 $0xFFFFFF80  }
0x52: {  	[tilespmem:s24], [sflag:$0x2] =	stream.indirect.gather [hbm4b:s4+s15], $0x80, s16, s15, $0xb8;
	[tilespmem:$0x1C400] =	vst v63  }
0x53: {  	_ =	swait.ge [sflag:s25], $0x4000  }
0x54: {  	[sflag:s25] =	ssyncset.done $0x0  }
0x55: {  	[sflag:s25] =	ssyncadd.s32 $0xFFFFC000  }
0x56: {  	_ =	swait.ge [sflag:s26], $0x80  }
0x57: {  	[sflag:s26] =	ssyncset.done $0x0  }
0x58: {  	[sflag:s26] =	ssyncadd.s32 $0xFFFFFF80  }
0x59: {  	[spmem:s2] =	stream.indirect.scatter.add.f32 [tilespmem:s13], [sflag:$0x3], $0x80, s15, s15, $0xb8;
	[tilespmem:$0x1C400] =	vst v63  }
0x5a: {  	_ =	swait.ge [sflag:s28], $0x4000  }
0x5b: {  	[sflag:s28] =	ssyncset.done $0x0  }
0x5c: {  	[sflag:s28] =	ssyncadd.s32 $0xFFFFC000  }
0x5d: {  	_ =	swait.ge [sflag:s29], $0x80  }
0x5e: {  	[sflag:s29] =	ssyncset.done $0x0  }
0x5f: {  	[sflag:s29] =	ssyncadd.s32 $0xFFFFFF80  }
0x60: {  	[spmem:s2] =	stream.indirect.scatter.add.f32 [tilespmem:s24], [sflag:$0x4], $0x80, s17, s15, $0xb8;
	[tilespmem:$0x1C400] =	vst v63  }
0x61: {  	_ =	swait.ge [sflag:s30], $0x4000  }
0x62: {  	[sflag:s30] =	ssyncset.done $0x0  }
0x63: {  	[sflag:s30] =	ssyncadd.s32 $0xFFFFC000  }
0x64: {  	_ =	swait.ge [sflag:s22], $0x80  }
0x65: {  	[sflag:s22] =	ssyncset.done $0x0  }
0x66: {  	[sflag:s22] =	ssyncadd.s32 $0xFFFFFF80  }
0x67: {  	[tilespmem:s13], [sflag:$0x1] =	stream.indirect.gather [hbm4b:s4+s15], $0x80, s18, s15, $0xb8;
	[tilespmem:$0x1C400] =	vst v63  }
0x68: {  	_ =	swait.ge [sflag:s31], $0x4000  }
0x69: {  	[sflag:s31] =	ssyncset.done $0x0  }
0x6a: {  	[sflag:s31] =	ssyncadd.s32 $0xFFFFC000  }
0x6b: {  	_ =	swait.ge [sflag:s23], $0x80  }
0x6c: {  	[sflag:s23] =	ssyncset.done $0x0  }
0x6d: {  	[sflag:s23] =	ssyncadd.s32 $0xFFFFFF80  }
0x6e: {  	[tilespmem:s24], [sflag:$0x2] =	stream.indirect.gather [hbm4b:s4+s15], $0x80, s20, s15, $0xb8;
	[tilespmem:$0x1C400] =	vst v63  }
0x6f: {  	_ =	swait.ge [sflag:s25], $0x4000  }
0x70: {  	[sflag:s25] =	ssyncset.done $0x0  }
0x71: {  	[sflag:s25] =	ssyncadd.s32 $0xFFFFC000  }
0x72: {  	_ =	swait.ge [sflag:s26], $0x80  }
0x73: {  	[sflag:s26] =	ssyncset.done $0x0  }
0x74: {  	[sflag:s26] =	ssyncadd.s32 $0xFFFFFF80  }
0x75: {  	[spmem:s2] =	stream.indirect.scatter.add.f32 [tilespmem:s13], [sflag:$0x3], $0x80, s19, s15, $0xb8;
	[tilespmem:$0x1C400] =	vst v63  }
0x76: {  	_ =	swait.ge [sflag:s28], $0x4000  }
0x77: {  	[sflag:s28] =	ssyncset.done $0x0  }
0x78: {  	[sflag:s28] =	ssyncadd.s32 $0xFFFFC000  }
0x79: {  	_ =	swait.ge [sflag:s29], $0x80  }
0x7a: {  	[sflag:s29] =	ssyncset.done $0x0  }
0x7b: {  	[sflag:s29] =	ssyncadd.s32 $0xFFFFFF80  }
0x7c: {  	[spmem:s2] =	stream.indirect.scatter.add.f32 [tilespmem:s24], [sflag:$0x4], $0x80, s21, s15, $0xb8;
	[tilespmem:$0x1C400] =	vst v63  }
0x7d: {  	_ =	swait.ge [sflag:s30], $0x4000  }
0x7e: {  	[sflag:s30] =	ssyncset.done $0x0  }
0x7f: {  	[sflag:s30] =	ssyncadd.s32 $0xFFFFC000  }
0x80: {  	s6 =	simm.s32 $0x80;
	_ =	swait.ge [sflag:s31], $0x4000  }
0x81: {  	s1 =	simm.s32 $0x40;
	s7 =	rddreg [dreg:$0x3];
	[sflag:s31] =	ssyncset.done $0x0  }
.LBB2_4:
0x82: {  	[sflag:s31] =	ssyncadd.s32 $0xFFFFC000;
	s7 =	sadd.s32 s1, s7  }
0x83: {  	[tilespmem:s3], [sflag:$0x5] =	stream.linear.gather [hbm4b:s7+s3], $0x80, $0x38;
	[tilespmem:$0x1C400] =	vst v63  }
0x84: {  	s8 =	smov.u32 s6;
	s9 =	sadd.s32 s1, s12  }
0x85: {  	[tilespmem:s15], [sflag:$0x6] =	stream.linear.gather [hbm4b:s9+s3], $0x80, $0x38;
	[tilespmem:$0x1C400] =	vst v63  }
0x86: {  	s1 =	smov.u32 s8;
	s8 =	sadd.s32 $0x10, s7  }
0x87: {  	[tilespmem:s16], [sflag:$0x7] =	stream.linear.gather [hbm4b:s8+s3], $0x80, $0x38;
	[tilespmem:$0x1C400] =	vst v63  }
0x88: {  	s8 =	sadd.s32 $0x10, s9  }
0x89: {  	[tilespmem:s17], [sflag:$0x8] =	stream.linear.gather [hbm4b:s8+s3], $0x80, $0x38;
	[tilespmem:$0x1C400] =	vst v63  }
0x8a: {  	s8 =	sadd.s32 $0x20, s7  }
0x8b: {  	[tilespmem:s18], [sflag:$0x5] =	stream.linear.gather [hbm4b:s8+s3], $0x80, $0x38;
	[tilespmem:$0x1C400] =	vst v63  }
0x8c: {  	s8 =	sadd.s32 $0x20, s9  }
0x8d: {  	[tilespmem:s19], [sflag:$0x6] =	stream.linear.gather [hbm4b:s8+s3], $0x80, $0x38;
	[tilespmem:$0x1C400] =	vst v63  }
0x8e: {  	s7 =	sadd.s32 $0x30, s7  }
0x8f: {  	[tilespmem:s20], [sflag:$0x7] =	stream.linear.gather [hbm4b:s7+s3], $0x80, $0x38;
	[tilespmem:$0x1C400] =	vst v63  }
0x90: {  	s9 =	sadd.s32 $0x30, s9  }
0x91: {  	[tilespmem:s21], [sflag:$0x8] =	stream.linear.gather [hbm4b:s9+s3], $0x80, $0x38;
	[tilespmem:$0x1C400] =	vst v63  }
0x92: {  	_ =	swait.ge [sflag:s22], $0x80  }
0x93: {  	[sflag:s22] =	ssyncset.done $0x0  }
0x94: {  	[sflag:s22] =	ssyncadd.s32 $0xFFFFFF80  }
0x95: {  	[tilespmem:s13], [sflag:$0x1] =	stream.indirect.gather [hbm4b:s4+s15], $0x80, s3, s15, $0xb8;
	[tilespmem:$0x1C400] =	vst v63  }
0x96: {  	_ =	swait.ge [sflag:s23], $0x80  }
0x97: {  	[sflag:s23] =	ssyncset.done $0x0  }
0x98: {  	[sflag:s23] =	ssyncadd.s32 $0xFFFFFF80  }
0x99: {  	[tilespmem:s24], [sflag:$0x2] =	stream.indirect.gather [hbm4b:s4+s15], $0x80, s16, s15, $0xb8;
	[tilespmem:$0x1C400] =	vst v63  }
0x9a: {  	_ =	swait.ge [sflag:s25], $0x4000  }
0x9b: {  	[sflag:s25] =	ssyncset.done $0x0  }
0x9c: {  	[sflag:s25] =	ssyncadd.s32 $0xFFFFC000  }
0x9d: {  	_ =	swait.ge [sflag:s26], $0x80  }
0x9e: {  	[sflag:s26] =	ssyncset.done $0x0  }
0x9f: {  	[sflag:s26] =	ssyncadd.s32 $0xFFFFFF80  }
0xa0: {  	[spmem:s2] =	stream.indirect.scatter.add.f32 [tilespmem:s13], [sflag:$0x3], $0x80, s15, s15, $0xb8;
	[tilespmem:$0x1C400] =	vst v63  }
0xa1: {  	_ =	swait.ge [sflag:s28], $0x4000  }
0xa2: {  	[sflag:s28] =	ssyncset.done $0x0  }
0xa3: {  	[sflag:s28] =	ssyncadd.s32 $0xFFFFC000  }
0xa4: {  	_ =	swait.ge [sflag:s29], $0x80  }
0xa5: {  	[sflag:s29] =	ssyncset.done $0x0  }
0xa6: {  	[sflag:s29] =	ssyncadd.s32 $0xFFFFFF80  }
0xa7: {  	[spmem:s2] =	stream.indirect.scatter.add.f32 [tilespmem:s24], [sflag:$0x4], $0x80, s17, s15, $0xb8;
	[tilespmem:$0x1C400] =	vst v63  }
0xa8: {  	_ =	swait.ge [sflag:s30], $0x4000  }
0xa9: {  	[sflag:s30] =	ssyncset.done $0x0  }
0xaa: {  	[sflag:s30] =	ssyncadd.s32 $0xFFFFC000  }
0xab: {  	_ =	swait.ge [sflag:s22], $0x80  }
0xac: {  	[sflag:s22] =	ssyncset.done $0x0  }
0xad: {  	[sflag:s22] =	ssyncadd.s32 $0xFFFFFF80  }
0xae: {  	[tilespmem:s13], [sflag:$0x1] =	stream.indirect.gather [hbm4b:s4+s15], $0x80, s18, s15, $0xb8;
	[tilespmem:$0x1C400] =	vst v63  }
0xaf: {  	_ =	swait.ge [sflag:s31], $0x4000  }
0xb0: {  	[sflag:s31] =	ssyncset.done $0x0  }
0xb1: {  	[sflag:s31] =	ssyncadd.s32 $0xFFFFC000  }
0xb2: {  	_ =	swait.ge [sflag:s23], $0x80  }
0xb3: {  	[sflag:s23] =	ssyncset.done $0x0  }
0xb4: {  	[sflag:s23] =	ssyncadd.s32 $0xFFFFFF80  }
0xb5: {  	[tilespmem:s24], [sflag:$0x2] =	stream.indirect.gather [hbm4b:s4+s15], $0x80, s20, s15, $0xb8;
	[tilespmem:$0x1C400] =	vst v63  }
0xb6: {  	_ =	swait.ge [sflag:s25], $0x4000  }
0xb7: {  	[sflag:s25] =	ssyncset.done $0x0  }
0xb8: {  	[sflag:s25] =	ssyncadd.s32 $0xFFFFC000  }
0xb9: {  	_ =	swait.ge [sflag:s26], $0x80  }
0xba: {  	[sflag:s26] =	ssyncset.done $0x0  }
0xbb: {  	[sflag:s26] =	ssyncadd.s32 $0xFFFFFF80  }
0xbc: {  	[spmem:s2] =	stream.indirect.scatter.add.f32 [tilespmem:s13], [sflag:$0x3], $0x80, s19, s15, $0xb8;
	[tilespmem:$0x1C400] =	vst v63  }
0xbd: {  	_ =	swait.ge [sflag:s28], $0x4000  }
0xbe: {  	[sflag:s28] =	ssyncset.done $0x0  }
0xbf: {  	[sflag:s28] =	ssyncadd.s32 $0xFFFFC000  }
0xc0: {  	_ =	swait.ge [sflag:s29], $0x80  }
0xc1: {  	[sflag:s29] =	ssyncset.done $0x0  }
0xc2: {  	p0 =	sne.s32 s6, $0x9C0;
	[sflag:s29] =	ssyncadd.s32 $0xFFFFFF80  }
0xc3: {  	[spmem:s2] =	stream.indirect.scatter.add.f32 [tilespmem:s24], [sflag:$0x4], $0x80, s21, s15, $0xb8;
	[tilespmem:$0x1C400] =	vst v63  }
.Ltmp1:
0xc4: {  	_ =	swait.ge [sflag:s30], $0x4000;
	(pc) =	sbr.rel @p0 .LBB2_4-.Ltmp1, $4  }
0xc5: {  	[sflag:s30] =	ssyncset.done $0x0  }
0xc6: {  	[sflag:s30] =	ssyncadd.s32 $0xFFFFC000  }
0xc7: {  	_ =	swait.ge [sflag:s31], $0x4000  }
0xc8: {  	s6 =	sadd.s32 $0x40, s6;
	s7 =	rddreg [dreg:$0x3];
	[sflag:s31] =	ssyncset.done $0x0  }
0xc9: {  	[sflag:s31] =	ssyncadd.s32 $0xFFFFC000;
	s6 =	sadd.s32 s1, s7  }
0xca: {  	[tilespmem:s3], [sflag:$0x5] =	stream.linear.gather [hbm4b:s6+s3], $0x80, $0x38;
	[tilespmem:$0x1C400] =	vst v63  }
0xcb: {  	s1 =	sadd.s32 s1, s12  }
0xcc: {  	[tilespmem:s15], [sflag:$0x6] =	stream.linear.gather [hbm4b:s1+s3], $0x80, $0x38;
	[tilespmem:$0x1C400] =	vst v63  }
0xcd: {  	s7 =	sadd.s32 $0x10, s6  }
0xce: {  	[tilespmem:s16], [sflag:$0x7] =	stream.linear.gather [hbm4b:s7+s3], $0x80, $0x38;
	[tilespmem:$0x1C400] =	vst v63  }
0xcf: {  	s9 =	sadd.s32 $0x10, s1  }
0xd0: {  	[tilespmem:s17], [sflag:$0x8] =	stream.linear.gather [hbm4b:s9+s3], $0x80, $0x38;
	[tilespmem:$0x1C400] =	vst v63  }
0xd1: {  	s8 =	sadd.s32 $0x20, s6  }
0xd2: {  	[tilespmem:s18], [sflag:$0x5] =	stream.linear.gather [hbm4b:s8+s3], $0x80, $0x38;
	[tilespmem:$0x1C400] =	vst v63  }
0xd3: {  	s9 =	sadd.s32 $0x20, s1  }
0xd4: {  	[tilespmem:s19], [sflag:$0x6] =	stream.linear.gather [hbm4b:s9+s3], $0x80, $0x38;
	[tilespmem:$0x1C400] =	vst v63  }
0xd5: {  	s6 =	sadd.s32 $0x30, s6  }
0xd6: {  	[tilespmem:s20], [sflag:$0x7] =	stream.linear.gather [hbm4b:s6+s3], $0x80, $0x38;
	[tilespmem:$0x1C400] =	vst v63  }
0xd7: {  	s1 =	sadd.s32 $0x30, s1  }
0xd8: {  	[tilespmem:s21], [sflag:$0x8] =	stream.linear.gather [hbm4b:s1+s3], $0x80, $0x38;
	[tilespmem:$0x1C400] =	vst v63  }
0xd9: {  	_ =	swait.ge [sflag:s22], $0x80  }
0xda: {  	[sflag:s22] =	ssyncset.done $0x0  }
0xdb: {  	[sflag:s22] =	ssyncadd.s32 $0xFFFFFF80  }
0xdc: {  	[tilespmem:s13], [sflag:$0x1] =	stream.indirect.gather [hbm4b:s4+s15], $0x80, s3, s15, $0xb8;
	[tilespmem:$0x1C400] =	vst v63  }
0xdd: {  	_ =	swait.ge [sflag:s23], $0x80  }
0xde: {  	[sflag:s23] =	ssyncset.done $0x0  }
0xdf: {  	[sflag:s23] =	ssyncadd.s32 $0xFFFFFF80  }
0xe0: {  	[tilespmem:s24], [sflag:$0x2] =	stream.indirect.gather [hbm4b:s4+s15], $0x80, s16, s15, $0xb8;
	[tilespmem:$0x1C400] =	vst v63  }
0xe1: {  	_ =	swait.ge [sflag:s25], $0x4000  }
0xe2: {  	[sflag:s25] =	ssyncset.done $0x0  }
0xe3: {  	[sflag:s25] =	ssyncadd.s32 $0xFFFFC000  }
0xe4: {  	_ =	swait.ge [sflag:s26], $0x80  }
0xe5: {  	[sflag:s26] =	ssyncset.done $0x0  }
0xe6: {  	[sflag:s26] =	ssyncadd.s32 $0xFFFFFF80  }
0xe7: {  	[spmem:s2] =	stream.indirect.scatter.add.f32 [tilespmem:s13], [sflag:$0x3], $0x80, s15, s15, $0xb8;
	[tilespmem:$0x1C400] =	vst v63  }
0xe8: {  	_ =	swait.ge [sflag:s28], $0x4000  }
0xe9: {  	[sflag:s28] =	ssyncset.done $0x0  }
0xea: {  	[sflag:s28] =	ssyncadd.s32 $0xFFFFC000  }
0xeb: {  	_ =	swait.ge [sflag:s29], $0x80  }
0xec: {  	[sflag:s29] =	ssyncset.done $0x0  }
0xed: {  	[sflag:s29] =	ssyncadd.s32 $0xFFFFFF80  }
0xee: {  	[spmem:s2] =	stream.indirect.scatter.add.f32 [tilespmem:s24], [sflag:$0x4], $0x80, s17, s15, $0xb8;
	[tilespmem:$0x1C400] =	vst v63  }
0xef: {  	_ =	swait.ge [sflag:s30], $0x4000  }
0xf0: {  	[sflag:s30] =	ssyncset.done $0x0  }
0xf1: {  	[sflag:s30] =	ssyncadd.s32 $0xFFFFC000  }
0xf2: {  	_ =	swait.ge [sflag:s22], $0x80  }
0xf3: {  	[sflag:s22] =	ssyncset.done $0x0  }
0xf4: {  	[sflag:s22] =	ssyncadd.s32 $0xFFFFFF80  }
0xf5: {  	[tilespmem:s13], [sflag:$0x1] =	stream.indirect.gather [hbm4b:s4+s15], $0x80, s18, s15, $0xb8;
	[tilespmem:$0x1C400] =	vst v63  }
0xf6: {  	_ =	swait.ge [sflag:s31], $0x4000  }
0xf7: {  	[sflag:s31] =	ssyncset.done $0x0  }
0xf8: {  	[sflag:s31] =	ssyncadd.s32 $0xFFFFC000  }
0xf9: {  	_ =	swait.ge [sflag:s23], $0x80  }
0xfa: {  	[sflag:s23] =	ssyncset.done $0x0  }
0xfb: {  	[sflag:s23] =	ssyncadd.s32 $0xFFFFFF80  }
0xfc: {  	[tilespmem:s24], [sflag:$0x2] =	stream.indirect.gather [hbm4b:s4+s15], $0x80, s20, s15, $0xb8;
	[tilespmem:$0x1C400] =	vst v63  }
0xfd: {  	_ =	swait.ge [sflag:s25], $0x4000  }
0xfe: {  	[sflag:s25] =	ssyncset.done $0x0  }
0xff: {  	[sflag:s25] =	ssyncadd.s32 $0xFFFFC000  }
0x100: {  	_ =	swait.ge [sflag:s26], $0x80  }
0x101: {  	[sflag:s26] =	ssyncset.done $0x0  }
0x102: {  	[sflag:s26] =	ssyncadd.s32 $0xFFFFFF80  }
0x103: {  	[spmem:s2] =	stream.indirect.scatter.add.f32 [tilespmem:s13], [sflag:$0x3], $0x80, s19, s15, $0xb8;
	[tilespmem:$0x1C400] =	vst v63  }
0x104: {  	_ =	swait.ge [sflag:s28], $0x4000  }
0x105: {  	[sflag:s28] =	ssyncset.done $0x0  }
0x106: {  	[sflag:s28] =	ssyncadd.s32 $0xFFFFC000  }
0x107: {  	_ =	swait.ge [sflag:s29], $0x80  }
0x108: {  	[sflag:s29] =	ssyncset.done $0x0  }
0x109: {  	[sflag:s29] =	ssyncadd.s32 $0xFFFFFF80  }
0x10a: {  	[spmem:s2] =	stream.indirect.scatter.add.f32 [tilespmem:s24], [sflag:$0x4], $0x80, s21, s15, $0xb8;
	[tilespmem:$0x1C400] =	vst v63  }
0x10b: {  	_ =	swait.ge [sflag:s30], $0x4000  }
0x10c: {  	[sflag:s30] =	ssyncset.done $0x0  }
0x10d: {  	[sflag:s30] =	ssyncadd.s32 $0xFFFFC000  }
0x10e: {  	s0 =	sadd.s32 $0x1, s0;
	_ =	swait.ge [sflag:s31], $0x4000  }
0x10f: {  	p0 =	sne.s32 s0, s11;
	s8 =	stileid.u32;
	[sflag:s31] =	ssyncset.done $0x0  }
0x110: {  	s9 =	sshrl.u32 s5, $0x3;
	s1 =	sshll.u32 s8, $0x6;
	[sflag:s31] =	ssyncadd.s32 $0xFFFFC000  }
.Ltmp2:
0x111: {  	s1 =	sor.u32 $0x1C09, s1;
	[bflag:$0x0] =	sbarrier.arrive $0xFFFF;
	(pc) =	sbr.rel @p0 .LBB2_1-.Ltmp2, $4  }
0x112: {  	[hbm:s10], [sflag:s1] =	dma.local [spmem:s9], $0x2800  }
0x113: {  	_ =	swait.ge [sflag:s14], $0x2800  }
0x114: {  	[sflag:s14] =	ssyncset.done $0x0  }
0x115: {  	[sflag:s14] =	ssyncadd.s32 $0xFFFFD800  }
0x116: {  	_ =	sfence.sel $0x180000  }
0x117: {  	[bflag:$0x0] =	sbarrier.arrive $0xFFFF  }
0x118: {  	_ =	strace $0x9000004A  }
0x119: {  	s0 =	stileid.u32;
	[bflag:$0x2] =	sbarrier.arrive $0xFFFF  }
0x11a: {  	p0 =	sne.s32 s0, $0x0;
	s0 =	rddreg [dreg:$0x2]  }
0x11b: {  	s0 =	sadd.s32 @!p0 $0x100000, s0  }
0x11c: {  	[sflag:s0] =	ssyncadd.tile.s32 @!p0 $0x1;
	_ =	shalt  }
.Lfunc_end2:
_tile_overlayer_lowered:
.L_overlay_start_2:
0x11d: {  	(tag) =	ssettag $0x2  }
0x11e: {  	s0 =	rddreg [dreg:$0x0];
	s2 =	stileid.u32  }
0x11f: {  	s1 =	rddreg [dreg:$0x1];
	p0 =	sne.s32 s2, $0x0  }
0x120: {  	s3 =	rddreg [dreg:$0x2];
	[bflag:$0x3] =	sbarrier.arrive $0xFFFF;
	s2 =	simm.s32 @!p0 $0x1C09  }
0x121: {  	[timem:s3], [sflag:s2] =	dma.local @!p0 [hbm:s0], s1  }
0x122: {  	s0 =	simm.s32 @!p0 $0x9  }
0x123: {  	_ =	swait.ge @!p0 [sflag:s0], s1  }
0x124: {  	s1 =	ssub.s32 @!p0 $0x0, s1;
	[sflag:s0] =	ssyncset.done @!p0 $0x0  }
0x125: {  	[sflag:s0] =	ssyncadd.s32 @!p0 s1  }
0x126: {  	[bflag:$0x3] =	sbarrier.arrive $0xFFFF  }
0x127: {  	_ =	shalt  }

// kernel: kernel.13.cloned.1.call-start
scs
__scs_entry_jumppad:
0x0: {  	(pc) =	sbr.rel $0x88, $3  }
0x1: {  	(tag) =	ssettag $0x0;
	lr =	simm.s32 $0x1  }
0x2: {  	[smem:$0x3F8D] =	sst lr;
	_ =	strace $0xD0000000  }
0x3: {  	_ = 	snop  }
0x4: {  	_ = 	snop  }
0x5: {  	_ = 	snop  }
0x6: {  	_ = 	snop  }
0x7: {  	_ = 	snop  }
__scs_overlays_trampoline_lowered:
0x8: {  	[smem:$0x3F9C] =	sst s0  }
0x9: {  	[smem:$0x3F9D] =	sst s1  }
0xa: {  	[smem:$0x3F9E] =	sst s2  }
0xb: {  	[smem:$0x3F9F] =	sst s3  }
0xc: {  	[smem:$0x3FA0] =	sst s4  }
0xd: {  	[smem:$0x3FA1] =	sst s5  }
0xe: {  	[smem:$0x3FA2] =	sst s6  }
0xf: {  	[smem:$0x3FA3] =	sst s7  }
0x10: {  	[smem:$0x3FA4] =	sst s8  }
0x11: {  	[smem:$0x3FA5] =	sst s9;
	s0 =	simm.s32 @!p0 $0x0  }
0x12: {  	s1 =	sld [smem:$0x3F8B];
	s0 =	simm.s32 @p0 $0x1  }
0x13: {  	[smem:$0x3FA6] =	sst s0;
	s0 =	simm.s32 @!p1 $0x0  }
0x14: {  	s2 =	sld [smem:$0x3F8A];
	s0 =	simm.s32 @p1 $0x1  }
0x15: {  	[smem:$0x3FA7] =	sst s0;
	s0 =	simm.s32 @!p2 $0x0  }
0x16: {  	s3 =	sld [smem:$0x3FDB];
	s0 =	simm.s32 @p2 $0x1  }
0x17: {  	s4 =	simm.s32 $0x1BF5;
	[smem:$0x3FA9] =	sst s0  }
0x18: {  	s0 =	sld [smem:$0x3F8C];
	_ =	swait.ge [sflag:s4], $0x0  }
0x19: {  	s7 =	sld [smem:$0x3F8D]  }
0x1a: {  	s8 =	sadd.s32 $0xFFFFE003, lr  }
0x1b: {  	s9 =	sadd.s32 $0xFFFFFEF7, lr;
	s5 =	simm.s32 $0xFFFFFFFF;
	p2 =	slt.u32 s8, $0xFFFFF086  }
0x1c: {  	p1 =	slt.u32 s9, $0xF7A;
	s5 =	simm.s32 @!p2 $0x0  }
0x1d: {  	s5 =	simm.s32 @p1 $0x1;
	p0 =	seq.s32 s7, s2  }
0x1e: {  	s7 =	smul.u32 @!p0 $0xF7A, s2;
	p2 =	seq.s32 @!p0 s5, $0x0  }
0x1f: {  	s9 =	smul.u32 $0xF7A, s1;
	s8 =	simm.s32 @!p0 $0x1BF5;
	p2 =	por !p2, p0  }
0x20: {  	[sflag:s8] =	ssyncset.s32 @!p0 $0xFFFFF086;
	s6 =	sadd.s32 @!p0 s3, s7;
	s7 =	simm.s32 @!p0 $0x108  }
0x21: {  	s3 =	sadd.s32 s3, s9;
	s6 =	sadd.s32 @!p0 $0x88, s6;
	s7 =	simm.s32 @p2 $0x1082  }
0x22: {  	[simem:s7], [sflag:s8] =	dma.local @!p0 [hbm:s6], $0xF7A  }
0x23: {  	s9 =	sor.u32 $0xD0000000, s2;
	s6 =	simm.s32 $0x108;
	_ =	swait.ge @!p0 [sflag:s8], $0x0  }
0x24: {  	s3 =	sadd.s32 $0x88, s3;
	s6 =	simm.s32 @!p1 $0x1082;
	[sflag:s4] =	ssyncset.s32 $0xFFFFF086  }
0x25: {  	[simem:s6], [sflag:s4] =	dma.local [hbm:s3], $0xF7A  }
0x26: {  	[smem:$0x3F8D] =	sst s1;
	(tag) =	ssettag s2;
	_ =	strace s9  }
0x27: {  	s1 =	sld [smem:$0x3F9D]  }
0x28: {  	s2 =	sld [smem:$0x3F9E]  }
0x29: {  	s4 =	sld [smem:$0x3FA0]  }
0x2a: {  	p0 =	seq.s32 s5, $0x0;
	s5 =	sld [smem:$0x3FA1]  }
0x2b: {  	s6 =	sld [smem:$0x3FA2]  }
0x2c: {  	s7 =	sld [smem:$0x3FA3]  }
0x2d: {  	s3 =	simm.s32 $0x108;
	s8 =	sld [smem:$0x3FA4]  }
0x2e: {  	s3 =	simm.s32 @!p0 $0x1082;
	s9 =	sld [smem:$0x3FA5]  }
0x2f: {  	lr =	sadd.s32 s0, s3;
	s0 =	sld [smem:$0x3F9C]  }
0x30: {  	s3 =	sld [smem:$0x3F9F]  }
0x31: {  	[smem:$0x3FA8] =	sst s10  }
0x32: {  	s10 =	sld [smem:$0x3FA6];
	_ =	sdelay $0x3  }
0x33: {  	p0 =	seq.s32 s10, $0x1;
	s10 =	sld [smem:$0x3FA8];
	_ =	sdelay $0x3  }
0x34: {  	[smem:$0x3FA8] =	sst s10  }
0x35: {  	s10 =	sld [smem:$0x3FA7];
	_ =	sdelay $0x3  }
0x36: {  	p1 =	seq.s32 s10, $0x1;
	s10 =	sld [smem:$0x3FA8];
	_ =	sdelay $0x3  }
0x37: {  	[smem:$0x3FA8] =	sst s10  }
0x38: {  	s10 =	sld [smem:$0x3FA9]  }
0x39: {  	_ = 	snop;
	(pc) =	sbr.ind lr, $3  }
0x3a: {  	_ = 	snop  }
0x3b: {  	_ = 	snop  }
0x3c: {  	p2 =	seq.s32 s10, $0x1;
	s10 =	sld [smem:$0x3FA8]  }
0x3d: {  	_ =	shalt  }
0x3e: {  	_ =	shalt  }
0x3f: {  	_ =	shalt  }
0x40: {  	_ =	shalt  }
0x41: {  	_ =	shalt  }
0x42: {  	_ =	shalt  }
0x43: {  	_ =	shalt  }
0x44: {  	_ =	shalt  }
0x45: {  	_ =	shalt  }
0x46: {  	_ =	shalt  }
0x47: {  	_ =	shalt  }
0x48: {  	_ =	shalt  }
0x49: {  	_ =	shalt  }
0x4a: {  	_ =	shalt  }
0x4b: {  	_ =	shalt  }
0x4c: {  	_ =	shalt  }
0x4d: {  	_ =	shalt  }
0x4e: {  	_ =	shalt  }
0x4f: {  	_ =	shalt  }
0x50: {  	_ =	shalt  }
0x51: {  	_ =	shalt  }
0x52: {  	_ =	shalt  }
0x53: {  	_ =	shalt  }
0x54: {  	_ =	shalt  }
0x55: {  	_ =	shalt  }
0x56: {  	_ =	shalt  }
0x57: {  	_ =	shalt  }
0x58: {  	_ =	shalt  }
0x59: {  	_ =	shalt  }
0x5a: {  	_ =	shalt  }
0x5b: {  	_ =	shalt  }
0x5c: {  	_ =	shalt  }
0x5d: {  	_ =	shalt  }
0x5e: {  	_ =	shalt  }
0x5f: {  	_ =	shalt  }
0x60: {  	_ =	shalt  }
0x61: {  	_ =	shalt  }
0x62: {  	_ =	shalt  }
0x63: {  	_ =	shalt  }
0x64: {  	_ =	shalt  }
0x65: {  	_ =	shalt  }
0x66: {  	_ =	shalt  }
0x67: {  	_ =	shalt  }
0x68: {  	_ =	shalt  }
0x69: {  	_ =	shalt  }
0x6a: {  	_ =	shalt  }
0x6b: {  	_ =	shalt  }
0x6c: {  	_ =	shalt  }
0x6d: {  	_ =	shalt  }
0x6e: {  	_ =	shalt  }
0x6f: {  	_ =	shalt  }
0x70: {  	_ =	shalt  }
0x71: {  	_ =	shalt  }
0x72: {  	_ =	shalt  }
0x73: {  	_ =	shalt  }
0x74: {  	_ =	shalt  }
0x75: {  	_ =	shalt  }
0x76: {  	_ =	shalt  }
0x77: {  	_ =	shalt  }
0x78: {  	_ =	shalt  }
0x79: {  	_ =	shalt  }
0x7a: {  	_ =	shalt  }
0x7b: {  	_ =	shalt  }
0x7c: {  	_ =	shalt  }
0x7d: {  	_ =	shalt  }
0x7e: {  	_ =	shalt  }
0x7f: {  	_ =	shalt  }
0x80: {  	_ =	shalt  }
0x81: {  	_ =	shalt  }
0x82: {  	_ =	shalt  }
0x83: {  	_ =	shalt  }
0x84: {  	_ =	shalt  }
0x85: {  	_ =	shalt  }
0x86: {  	_ =	shalt  }
0x87: {  	_ =	shalt  }
.Lfunc_end0:
.L_simem_size_0:
called_computation.2_lowered:
.L_overlay_start_0:
0x88: {  	s2 =	sld [smem:$0x3FD9]  }
0x89: {  	s3 =	sld [smem:$0x3FFE];
	_ =	sdelay $0x1  }
0x8a: {  	s1 =	srdreg.scid  }
0x8b: {  	s0 =	sand.u32 $0x1, s1  }
0x8c: {  	s16 =	sshll.u32 s0, $0xA;
	s2 =	sadd.s32 s3, s2  }
0x8d: {  	s2 =	sadd.s32 s2, s16  }
0x8e: {  	[smem:$0x3FB4] =	sst s2  }
0x8f: {  	_ = 	snop  }
0x90: {  	(tm) =	ssettm $0x1  }
0x91: {  	s17 =	sld [smem:$0x3FFB];
	_ =	sdelay $0x3  }
0x92: {  	_ =	strace s17  }
0x93: {  	s2 =	sld [smem:$0x3FFC];
	_ =	sdelay $0x3  }
0x94: {  	_ =	strace s2  }
0x95: {  	s2 =	sld [smem:$0x3FFD];
	_ =	sdelay $0x3  }
0x96: {  	_ =	strace s2  }
0x97: {  	_ =	strace $0x8FFFFFFF  }
0x98: {  	s18 =	sld [smem:$0x3FDB];
	_ =	sdelay $0x1  }
0x99: {  	s19 =	simm.s32 $_scs_section_size  }
0x9a: {  	s4 =	simm.s32 $_size__tile_overlayer_lowered;
	s5 =	simm.s32 $_tile_overlayer_lowered  }
0x9b: {  	s22 =	simm.s32 $0x1BFF;
	s21 =	sshll.u32 s5, $0x1;
	s2 =	sadd.s32 s19, s18  }
0x9c: {  	s6 =	simm.s32 $0x0;
	s20 =	sshll.u32 s4, $0x1;
	s4 =	sadd.s32 s21, s2  }
0x9d: {  	[timem:s6], [sflag:s22] =	dma.local [hbm:s4], s20  }
0x9e: {  	_ =	swait.ge [sflag:s22], s20  }
0x9f: {  	s3 =	ssub.s32 $0x0, s20;
	[sflag:s22] =	ssyncset.done $0x0  }
0xa0: {  	[sflag:s22] =	ssyncadd.s32 s3;
	_ =	sdelay $0x1  }
0xa1: {  	s23 =	simm.s32 $0x1B8B  }
0xa2: {  	_ =	swait.ge [sflag:s23], $0x1  }
0xa3: {  	[sflag:s23] =	ssyncset.done $0x0  }
0xa4: {  	s25 =	simm.s32 $0x1B8E;
	s24 =	sld [smem:$0x3FFE];
	[sflag:s23] =	ssyncadd.s32 $0xFFFFFFFF  }
0xa5: {  	s26 =	simm.s32 $execute0_lowered;
	[smem:$0x3FD2] =	sst s25  }
0xa6: {  	s4 =	sshll.u32 s26, $0x1;
	_ =	strace $0x8000004C;
	[dreg:$0x1] =	wrdreg $0xFFFFFFFF  }
0xa7: {  	s28 =	simm.s32 $_size_execute0_lowered;
	s2 =	sadd.s32 s2, s4;
	[dreg:$0x0] =	wrdreg $0x0  }
0xa8: {  	s4 =	sshll.u32 s28, $0x1;
	[dreg:$0x2] =	wrdreg s2  }
0xa9: {  	[dreg:$0x3] =	wrdreg s4  }
0xaa: {  	[dreg:$0x4] =	wrdreg $0xC0  }
0xab: {  	_ =	task [dreg:s6], $0x5FFFF  }
0xac: {  	[dreg:$0x1] =	wrdreg $0xFFFFFFFF  }
0xad: {  	[dreg:$0x0] =	wrdreg $0x60  }
0xae: {  	[dreg:$0x2] =	wrdreg s24  }
0xaf: {  	[dreg:$0x3] =	wrdreg $0x84000  }
0xb0: {  	[dreg:$0x4] =	wrdreg $0x9  }
0xb1: {  	_ =	task.clear_ibuf [dreg:s6], $0x5FFFF;
	_ =	strace $0x9000004C  }
0xb2: {  	s29 =	simm.s32 $0x9;
	_ =	strace $0x8000004E  }
0xb3: {  	_ =	swait.ge [sflag:s29], $0x1  }
0xb4: {  	[sflag:s29] =	ssyncadd.s32 $0xFFFFFFFF  }
0xb5: {  	_ =	strace $0x9000004E  }
0xb6: {  	_ =	sfence  }
0xb7: {  	s30 =	sld [smem:$0x0];
	_ =	sdelay $0x2  }
0xb8: {  	s31 =	sshll.u32 s1, $0xD;
	s1 =	sshrl.u32 s1, $0x2  }
0xb9: {  	s3 =	sand.u32 $0x4000, s31;
	s1 =	sadd.s32 s1, s30  }
0xba: {  	s0 =	sor.u32 s3, s0;
	s1 =	sshll.u32 s1, $0x11  }
0xbb: {  	s0 =	sor.u32 s1, s0  }
0xbc: {  	s0 =	sadd.s32 $0x8F2B, s0  }
0xbd: {  	[sflag:s0] =	ssyncadd.remote.s32 $0x1  }
0xbe: {  	_ =	sfence.sel $0xFFFF  }
0xbf: {  	[dreg:$0x0] =	wrdreg $0xFFFFFFFF;
	(pc) =	sbr.abs _section_cstart, $3  }
0xc0: {  	[dreg:$0x1] =	wrdreg $0xFFFFFFFF  }
0xc1: {  	_ =	task.clear_ibuf [dreg:s6], $0x2FFFF;
	_ =	strace $0x9FFFFFFF  }
0xc2: {  	(tm) =	ssettm $0x7FFFFFFF  }
0xc3: {  	_ =	shalt  }
tec
execute0_lowered:
.L_overlay_start_1:
0x0: {  	(tag) =	ssettag $0x1  }
0x1: {  	s0 =	rddreg [dreg:$0x0];
	s1 =	srdreg.scid  }
0x2: {  	s2 =	rddreg [dreg:$0x1];
	s7 =	stileid.u32;
	s3 =	simm.s32 $0x0  }
0x3: {  	s13 =	simm.s32 $0x100;
	s14 =	simm.s32 $0x9;
	s15 =	simm.s32 $0x80  }
0x4: {  	s16 =	simm.s32 $0x4100;
	s17 =	simm.s32 $0x4180;
	s18 =	simm.s32 $0x8200  }
0x5: {  	s19 =	simm.s32 $0x8280;
	s28 =	simm.s32 $0x2;
	s5 =	smul.u32 $0x5000, s7  }
0x6: {  	s29 =	simm.s32 $0x8;
	s30 =	simm.s32 $0x3;
	s6 =	smul.u32 $0x2800, s7  }
0x7: {  	s1 =	sand.u32 $0x1, s1;
	[smem:$0x7FF] =	sst s3;
	s7 =	smul.u32 $0x50000, s7  }
0x8: {  	s31 =	simm.s32 $0x4;
	s4 =	smul.u32 $0x50000, s1;
	_ =	strace $0x8000004D  }
0x9: {  	s8 =	smul.u32 $0x28000, s1;
	s1 =	ssub.s32 $0x2, s1;
	s20 =	sshrl.u32 s7, $0x2  }
0xa: {  	s21 =	sshrl.u32 s1, $0x1;
	s5 =	sadd.s32 s5, s4;
	s4 =	sadd.s32 $0x2BE00, s0  }
0xb: {  	s6 =	sadd.s32 s6, s8;
	s1 =	ssub.s32 s1, s21;
	s5 =	sshrl.u32 s5, $0x3  }
0xc: {  	s21 =	simm.s32 $0x8380;
	s12 =	sadd.s32 s5, s0;
	s5 =	sadd.s32 s20, s2  }
0xd: {  	s11 =	smax.u32 s1, $0x1;
	s0 =	sadd.s32 s6, s0;
	s22 =	sadd.s32 $0x4000, s5  }
0xe: {  	s20 =	simm.s32 $0x8300;
	s23 =	sadd.s32 $0x8000, s5;
	[dreg:$0x4] =	wrdreg s22  }
0xf: {  	s24 =	sadd.s32 $0xC000, s5;
	s25 =	sadd.s32 $0x10000, s5;
	[dreg:$0x5] =	wrdreg s23  }
0x10: {  	s10 =	sadd.s32 $0x7BE00, s0;
	s26 =	sadd.s32 $0x17E00, s12;
	[dreg:$0x6] =	wrdreg s24  }
0x11: {  	s12 =	sadd.s32 $0x3E00, s12;
	s0 =	simm.s32 $0x0;
	[dreg:$0x7] =	wrdreg s25  }
0x12: {  	[dreg:$0x3] =	wrdreg s26;
	s22 =	simm.s32 $0x5;
	s23 =	simm.s32 $0x7  }
0x13: {  	v0 =	vimm.f32 $0.0e+00;
	s24 =	simm.s32 $0x4200;
	s25 =	simm.s32 $0x1;
	s26 =	simm.s32 $0x6  }
.LBB2_1:
0x14: {  	s1 =	simm.s32 $0x0;
	s6 =	simm.s32 $0x200  }
.LBB2_2:
0x15: {  	p0 =	sne.s32 s6, $0xFE00;
	[tilespmem:s1+$0x170] =	vst v0  }
0x16: {  	[tilespmem:s1+$0x100] =	vst v0  }
0x17: {  	[tilespmem:s1+$0x110] =	vst v0  }
.Ltmp0:
0x18: {  	[tilespmem:s1+$0x120] =	vst v0;
	(pc) =	sbr.rel @p0 .LBB2_2-.Ltmp0, $4  }
0x19: {  	[tilespmem:s1+$0x130] =	vst v0  }
0x1a: {  	[tilespmem:s1+$0x140] =	vst v0  }
0x1b: {  	[tilespmem:s1+$0x150] =	vst v0  }
0x1c: {  	[tilespmem:s1+$0x160] =	vst v0;
	s1 =	sshra.s32 s6, $0x2;
	s6 =	sadd.s32 $0x200, s6  }
0x1d: {  	[tilespmem:s1+$0x170] =	vst v0  }
0x1e: {  	[tilespmem:s1+$0x100] =	vst v0  }
0x1f: {  	[tilespmem:s1+$0x110] =	vst v0  }
0x20: {  	[tilespmem:s1+$0x120] =	vst v0  }
0x21: {  	[tilespmem:s1+$0x130] =	vst v0  }
0x22: {  	[tilespmem:s1+$0x140] =	vst v0  }
0x23: {  	[tilespmem:s1+$0x150] =	vst v0  }
0x24: {  	[tilespmem:s1+$0x160] =	vst v0  }
0x25: {  	[spmem:s5] =	stream.linear.scatter [tilespmem:s13], [sflag:$0x9], $0x4000, $0x38;
	[tilespmem:$0x1C400] =	vst v63  }
0x26: {  	_ =	swait.ge [sflag:s14], $0x4000  }
0x27: {  	[sflag:s14] =	ssyncset.done $0x0  }
0x28: {  	s7 =	rddreg [dreg:$0x4];
	[sflag:s14] =	ssyncadd.s32 $0xFFFFC000  }
0x29: {  	[spmem:s7] =	stream.linear.scatter [tilespmem:s13], [sflag:$0x9], $0x4000, $0x38;
	[tilespmem:$0x1C400] =	vst v63  }
0x2a: {  	_ =	swait.ge [sflag:s14], $0x4000  }
0x2b: {  	[sflag:s14] =	ssyncset.done $0x0  }
0x2c: {  	s8 =	rddreg [dreg:$0x5];
	[sflag:s14] =	ssyncadd.s32 $0xFFFFC000  }
0x2d: {  	[spmem:s8] =	stream.linear.scatter [tilespmem:s13], [sflag:$0x9], $0x4000, $0x38;
	[tilespmem:$0x1C400] =	vst v63  }
0x2e: {  	_ =	swait.ge [sflag:s14], $0x4000  }
0x2f: {  	[sflag:s14] =	ssyncset.done $0x0  }
0x30: {  	s9 =	rddreg [dreg:$0x6];
	[sflag:s14] =	ssyncadd.s32 $0xFFFFC000  }
0x31: {  	[spmem:s9] =	stream.linear.scatter [tilespmem:s13], [sflag:$0x9], $0x4000, $0x38;
	[tilespmem:$0x1C400] =	vst v63  }
0x32: {  	_ =	swait.ge [sflag:s14], $0x4000  }
0x33: {  	[sflag:s14] =	ssyncset.done $0x0  }
0x34: {  	s6 =	rddreg [dreg:$0x7];
	[sflag:s14] =	ssyncadd.s32 $0xFFFFC000  }
0x35: {  	[spmem:s6] =	stream.linear.scatter [tilespmem:s13], [sflag:$0x9], $0x4000, $0x38;
	[tilespmem:$0x1C400] =	vst v63  }
0x36: {  	_ =	swait.ge [sflag:s14], $0x4000  }
0x37: {  	[sflag:s14] =	ssyncset.done $0x0  }
0x38: {  	[sflag:s14] =	ssyncadd.s32 $0xFFFFC000  }
0x39: {  	[bflag:$0x0] =	sbarrier.arrive $0xFFFF  }
0x3a: {  	s7 =	rddreg [dreg:$0x3]  }
0x3b: {  	s1 =	sadd.s32 $0x0, s7  }
0x3c: {  	[tilespmem:s3], [sflag:$0x5] =	stream.linear.gather [hbm4b:s1+s3], $0x80, $0x38;
	[tilespmem:$0x1C400] =	vst v63  }
0x3d: {  	s6 =	sadd.s32 $0x0, s12  }
0x3e: {  	[tilespmem:s15], [sflag:$0x6] =	stream.linear.gather [hbm4b:s6+s3], $0x80, $0x38;
	[tilespmem:$0x1C400] =	vst v63  }
0x3f: {  	s7 =	sadd.s32 $0x10, s1  }
0x40: {  	[tilespmem:s16], [sflag:$0x7] =	stream.linear.gather [hbm4b:s7+s3], $0x80, $0x38;
	[tilespmem:$0x1C400] =	vst v63  }
0x41: {  	s8 =	sadd.s32 $0x10, s6  }
0x42: {  	[tilespmem:s17], [sflag:$0x8] =	stream.linear.gather [hbm4b:s8+s3], $0x80, $0x38;
	[tilespmem:$0x1C400] =	vst v63  }
0x43: {  	s9 =	sadd.s32 $0x20, s1  }
0x44: {  	[tilespmem:s18], [sflag:$0x5] =	stream.linear.gather [hbm4b:s9+s3], $0x80, $0x38;
	[tilespmem:$0x1C400] =	vst v63  }
0x45: {  	s8 =	sadd.s32 $0x20, s6  }
0x46: {  	[tilespmem:s19], [sflag:$0x6] =	stream.linear.gather [hbm4b:s8+s3], $0x80, $0x38;
	[tilespmem:$0x1C400] =	vst v63  }
0x47: {  	s1 =	sadd.s32 $0x30, s1  }
0x48: {  	[tilespmem:s20], [sflag:$0x7] =	stream.linear.gather [hbm4b:s1+s3], $0x80, $0x38;
	[tilespmem:$0x1C400] =	vst v63  }
0x49: {  	s9 =	sadd.s32 $0x30, s6  }
0x4a: {  	[tilespmem:s21], [sflag:$0x8] =	stream.linear.gather [hbm4b:s9+s3], $0x80, $0x38;
	[tilespmem:$0x1C400] =	vst v63  }
0x4b: {  	_ =	swait.ge [sflag:s22], $0x80  }
0x4c: {  	[sflag:s22] =	ssyncset.done $0x0  }
0x4d: {  	[sflag:s22] =	ssyncadd.s32 $0xFFFFFF80  }
0x4e: {  	[tilespmem:s13], [sflag:$0x1] =	stream.indirect.gather [hbm4b:s4+s15], $0x80, s3, s15, $0xb8;
	[tilespmem:$0x1C400] =	vst v63  }
0x4f: {  	_ =	swait.ge [sflag:s23], $0x80  }
0x50: {  	[sflag:s23] =	ssyncset.done $0x0  }
0x51: {  	[sflag:s23] =	ssyncadd.s32 $0xFFFFFF80  }
0x52: {  	[tilespmem:s24], [sflag:$0x2] =	stream.indirect.gather [hbm4b:s4+s15], $0x80, s16, s15, $0xb8;
	[tilespmem:$0x1C400] =	vst v63  }
0x53: {  	_ =	swait.ge [sflag:s25], $0x4000  }
0x54: {  	[sflag:s25] =	ssyncset.done $0x0  }
0x55: {  	[sflag:s25] =	ssyncadd.s32 $0xFFFFC000  }
0x56: {  	_ =	swait.ge [sflag:s26], $0x80  }
0x57: {  	[sflag:s26] =	ssyncset.done $0x0  }
0x58: {  	[sflag:s26] =	ssyncadd.s32 $0xFFFFFF80  }
0x59: {  	[spmem:s2] =	stream.indirect.scatter.add.f32 [tilespmem:s13], [sflag:$0x3], $0x80, s15, s15, $0xb8;
	[tilespmem:$0x1C400] =	vst v63  }
0x5a: {  	_ =	swait.ge [sflag:s28], $0x4000  }
0x5b: {  	[sflag:s28] =	ssyncset.done $0x0  }
0x5c: {  	[sflag:s28] =	ssyncadd.s32 $0xFFFFC000  }
0x5d: {  	_ =	swait.ge [sflag:s29], $0x80  }
0x5e: {  	[sflag:s29] =	ssyncset.done $0x0  }
0x5f: {  	[sflag:s29] =	ssyncadd.s32 $0xFFFFFF80  }
0x60: {  	[spmem:s2] =	stream.indirect.scatter.add.f32 [tilespmem:s24], [sflag:$0x4], $0x80, s17, s15, $0xb8;
	[tilespmem:$0x1C400] =	vst v63  }
0x61: {  	_ =	swait.ge [sflag:s30], $0x4000  }
0x62: {  	[sflag:s30] =	ssyncset.done $0x0  }
0x63: {  	[sflag:s30] =	ssyncadd.s32 $0xFFFFC000  }
0x64: {  	_ =	swait.ge [sflag:s22], $0x80  }
0x65: {  	[sflag:s22] =	ssyncset.done $0x0  }
0x66: {  	[sflag:s22] =	ssyncadd.s32 $0xFFFFFF80  }
0x67: {  	[tilespmem:s13], [sflag:$0x1] =	stream.indirect.gather [hbm4b:s4+s15], $0x80, s18, s15, $0xb8;
	[tilespmem:$0x1C400] =	vst v63  }
0x68: {  	_ =	swait.ge [sflag:s31], $0x4000  }
0x69: {  	[sflag:s31] =	ssyncset.done $0x0  }
0x6a: {  	[sflag:s31] =	ssyncadd.s32 $0xFFFFC000  }
0x6b: {  	_ =	swait.ge [sflag:s23], $0x80  }
0x6c: {  	[sflag:s23] =	ssyncset.done $0x0  }
0x6d: {  	[sflag:s23] =	ssyncadd.s32 $0xFFFFFF80  }
0x6e: {  	[tilespmem:s24], [sflag:$0x2] =	stream.indirect.gather [hbm4b:s4+s15], $0x80, s20, s15, $0xb8;
	[tilespmem:$0x1C400] =	vst v63  }
0x6f: {  	_ =	swait.ge [sflag:s25], $0x4000  }
0x70: {  	[sflag:s25] =	ssyncset.done $0x0  }
0x71: {  	[sflag:s25] =	ssyncadd.s32 $0xFFFFC000  }
0x72: {  	_ =	swait.ge [sflag:s26], $0x80  }
0x73: {  	[sflag:s26] =	ssyncset.done $0x0  }
0x74: {  	[sflag:s26] =	ssyncadd.s32 $0xFFFFFF80  }
0x75: {  	[spmem:s2] =	stream.indirect.scatter.add.f32 [tilespmem:s13], [sflag:$0x3], $0x80, s19, s15, $0xb8;
	[tilespmem:$0x1C400] =	vst v63  }
0x76: {  	_ =	swait.ge [sflag:s28], $0x4000  }
0x77: {  	[sflag:s28] =	ssyncset.done $0x0  }
0x78: {  	[sflag:s28] =	ssyncadd.s32 $0xFFFFC000  }
0x79: {  	_ =	swait.ge [sflag:s29], $0x80  }
0x7a: {  	[sflag:s29] =	ssyncset.done $0x0  }
0x7b: {  	[sflag:s29] =	ssyncadd.s32 $0xFFFFFF80  }
0x7c: {  	[spmem:s2] =	stream.indirect.scatter.add.f32 [tilespmem:s24], [sflag:$0x4], $0x80, s21, s15, $0xb8;
	[tilespmem:$0x1C400] =	vst v63  }
0x7d: {  	_ =	swait.ge [sflag:s30], $0x4000  }
0x7e: {  	[sflag:s30] =	ssyncset.done $0x0  }
0x7f: {  	[sflag:s30] =	ssyncadd.s32 $0xFFFFC000  }
0x80: {  	s6 =	simm.s32 $0x80;
	_ =	swait.ge [sflag:s31], $0x4000  }
0x81: {  	s1 =	simm.s32 $0x40;
	s7 =	rddreg [dreg:$0x3];
	[sflag:s31] =	ssyncset.done $0x0  }
.LBB2_4:
0x82: {  	[sflag:s31] =	ssyncadd.s32 $0xFFFFC000;
	s7 =	sadd.s32 s1, s7  }
0x83: {  	[tilespmem:s3], [sflag:$0x5] =	stream.linear.gather [hbm4b:s7+s3], $0x80, $0x38;
	[tilespmem:$0x1C400] =	vst v63  }
0x84: {  	s8 =	smov.u32 s6;
	s9 =	sadd.s32 s1, s12  }
0x85: {  	[tilespmem:s15], [sflag:$0x6] =	stream.linear.gather [hbm4b:s9+s3], $0x80, $0x38;
	[tilespmem:$0x1C400] =	vst v63  }
0x86: {  	s1 =	smov.u32 s8;
	s8 =	sadd.s32 $0x10, s7  }
0x87: {  	[tilespmem:s16], [sflag:$0x7] =	stream.linear.gather [hbm4b:s8+s3], $0x80, $0x38;
	[tilespmem:$0x1C400] =	vst v63  }
0x88: {  	s8 =	sadd.s32 $0x10, s9  }
0x89: {  	[tilespmem:s17], [sflag:$0x8] =	stream.linear.gather [hbm4b:s8+s3], $0x80, $0x38;
	[tilespmem:$0x1C400] =	vst v63  }
0x8a: {  	s8 =	sadd.s32 $0x20, s7  }
0x8b: {  	[tilespmem:s18], [sflag:$0x5] =	stream.linear.gather [hbm4b:s8+s3], $0x80, $0x38;
	[tilespmem:$0x1C400] =	vst v63  }
0x8c: {  	s8 =	sadd.s32 $0x20, s9  }
0x8d: {  	[tilespmem:s19], [sflag:$0x6] =	stream.linear.gather [hbm4b:s8+s3], $0x80, $0x38;
	[tilespmem:$0x1C400] =	vst v63  }
0x8e: {  	s7 =	sadd.s32 $0x30, s7  }
0x8f: {  	[tilespmem:s20], [sflag:$0x7] =	stream.linear.gather [hbm4b:s7+s3], $0x80, $0x38;
	[tilespmem:$0x1C400] =	vst v63  }
0x90: {  	s9 =	sadd.s32 $0x30, s9  }
0x91: {  	[tilespmem:s21], [sflag:$0x8] =	stream.linear.gather [hbm4b:s9+s3], $0x80, $0x38;
	[tilespmem:$0x1C400] =	vst v63  }
0x92: {  	_ =	swait.ge [sflag:s22], $0x80  }
0x93: {  	[sflag:s22] =	ssyncset.done $0x0  }
0x94: {  	[sflag:s22] =	ssyncadd.s32 $0xFFFFFF80  }
0x95: {  	[tilespmem:s13], [sflag:$0x1] =	stream.indirect.gather [hbm4b:s4+s15], $0x80, s3, s15, $0xb8;
	[tilespmem:$0x1C400] =	vst v63  }
0x96: {  	_ =	swait.ge [sflag:s23], $0x80  }
0x97: {  	[sflag:s23] =	ssyncset.done $0x0  }
0x98: {  	[sflag:s23] =	ssyncadd.s32 $0xFFFFFF80  }
0x99: {  	[tilespmem:s24], [sflag:$0x2] =	stream.indirect.gather [hbm4b:s4+s15], $0x80, s16, s15, $0xb8;
	[tilespmem:$0x1C400] =	vst v63  }
0x9a: {  	_ =	swait.ge [sflag:s25], $0x4000  }
0x9b: {  	[sflag:s25] =	ssyncset.done $0x0  }
0x9c: {  	[sflag:s25] =	ssyncadd.s32 $0xFFFFC000  }
0x9d: {  	_ =	swait.ge [sflag:s26], $0x80  }
0x9e: {  	[sflag:s26] =	ssyncset.done $0x0  }
0x9f: {  	[sflag:s26] =	ssyncadd.s32 $0xFFFFFF80  }
0xa0: {  	[spmem:s2] =	stream.indirect.scatter.add.f32 [tilespmem:s13], [sflag:$0x3], $0x80, s15, s15, $0xb8;
	[tilespmem:$0x1C400] =	vst v63  }
0xa1: {  	_ =	swait.ge [sflag:s28], $0x4000  }
0xa2: {  	[sflag:s28] =	ssyncset.done $0x0  }
0xa3: {  	[sflag:s28] =	ssyncadd.s32 $0xFFFFC000  }
0xa4: {  	_ =	swait.ge [sflag:s29], $0x80  }
0xa5: {  	[sflag:s29] =	ssyncset.done $0x0  }
0xa6: {  	[sflag:s29] =	ssyncadd.s32 $0xFFFFFF80  }
0xa7: {  	[spmem:s2] =	stream.indirect.scatter.add.f32 [tilespmem:s24], [sflag:$0x4], $0x80, s17, s15, $0xb8;
	[tilespmem:$0x1C400] =	vst v63  }
0xa8: {  	_ =	swait.ge [sflag:s30], $0x4000  }
0xa9: {  	[sflag:s30] =	ssyncset.done $0x0  }
0xaa: {  	[sflag:s30] =	ssyncadd.s32 $0xFFFFC000  }
0xab: {  	_ =	swait.ge [sflag:s22], $0x80  }
0xac: {  	[sflag:s22] =	ssyncset.done $0x0  }
0xad: {  	[sflag:s22] =	ssyncadd.s32 $0xFFFFFF80  }
0xae: {  	[tilespmem:s13], [sflag:$0x1] =	stream.indirect.gather [hbm4b:s4+s15], $0x80, s18, s15, $0xb8;
	[tilespmem:$0x1C400] =	vst v63  }
0xaf: {  	_ =	swait.ge [sflag:s31], $0x4000  }
0xb0: {  	[sflag:s31] =	ssyncset.done $0x0  }
0xb1: {  	[sflag:s31] =	ssyncadd.s32 $0xFFFFC000  }
0xb2: {  	_ =	swait.ge [sflag:s23], $0x80  }
0xb3: {  	[sflag:s23] =	ssyncset.done $0x0  }
0xb4: {  	[sflag:s23] =	ssyncadd.s32 $0xFFFFFF80  }
0xb5: {  	[tilespmem:s24], [sflag:$0x2] =	stream.indirect.gather [hbm4b:s4+s15], $0x80, s20, s15, $0xb8;
	[tilespmem:$0x1C400] =	vst v63  }
0xb6: {  	_ =	swait.ge [sflag:s25], $0x4000  }
0xb7: {  	[sflag:s25] =	ssyncset.done $0x0  }
0xb8: {  	[sflag:s25] =	ssyncadd.s32 $0xFFFFC000  }
0xb9: {  	_ =	swait.ge [sflag:s26], $0x80  }
0xba: {  	[sflag:s26] =	ssyncset.done $0x0  }
0xbb: {  	[sflag:s26] =	ssyncadd.s32 $0xFFFFFF80  }
0xbc: {  	[spmem:s2] =	stream.indirect.scatter.add.f32 [tilespmem:s13], [sflag:$0x3], $0x80, s19, s15, $0xb8;
	[tilespmem:$0x1C400] =	vst v63  }
0xbd: {  	_ =	swait.ge [sflag:s28], $0x4000  }
0xbe: {  	[sflag:s28] =	ssyncset.done $0x0  }
0xbf: {  	[sflag:s28] =	ssyncadd.s32 $0xFFFFC000  }
0xc0: {  	_ =	swait.ge [sflag:s29], $0x80  }
0xc1: {  	[sflag:s29] =	ssyncset.done $0x0  }
0xc2: {  	p0 =	sne.s32 s6, $0x9C0;
	[sflag:s29] =	ssyncadd.s32 $0xFFFFFF80  }
0xc3: {  	[spmem:s2] =	stream.indirect.scatter.add.f32 [tilespmem:s24], [sflag:$0x4], $0x80, s21, s15, $0xb8;
	[tilespmem:$0x1C400] =	vst v63  }
.Ltmp1:
0xc4: {  	_ =	swait.ge [sflag:s30], $0x4000;
	(pc) =	sbr.rel @p0 .LBB2_4-.Ltmp1, $4  }
0xc5: {  	[sflag:s30] =	ssyncset.done $0x0  }
0xc6: {  	[sflag:s30] =	ssyncadd.s32 $0xFFFFC000  }
0xc7: {  	_ =	swait.ge [sflag:s31], $0x4000  }
0xc8: {  	s6 =	sadd.s32 $0x40, s6;
	s7 =	rddreg [dreg:$0x3];
	[sflag:s31] =	ssyncset.done $0x0  }
0xc9: {  	[sflag:s31] =	ssyncadd.s32 $0xFFFFC000;
	s6 =	sadd.s32 s1, s7  }
0xca: {  	[tilespmem:s3], [sflag:$0x5] =	stream.linear.gather [hbm4b:s6+s3], $0x80, $0x38;
	[tilespmem:$0x1C400] =	vst v63  }
0xcb: {  	s1 =	sadd.s32 s1, s12  }
0xcc: {  	[tilespmem:s15], [sflag:$0x6] =	stream.linear.gather [hbm4b:s1+s3], $0x80, $0x38;
	[tilespmem:$0x1C400] =	vst v63  }
0xcd: {  	s7 =	sadd.s32 $0x10, s6  }
0xce: {  	[tilespmem:s16], [sflag:$0x7] =	stream.linear.gather [hbm4b:s7+s3], $0x80, $0x38;
	[tilespmem:$0x1C400] =	vst v63  }
0xcf: {  	s9 =	sadd.s32 $0x10, s1  }
0xd0: {  	[tilespmem:s17], [sflag:$0x8] =	stream.linear.gather [hbm4b:s9+s3], $0x80, $0x38;
	[tilespmem:$0x1C400] =	vst v63  }
0xd1: {  	s8 =	sadd.s32 $0x20, s6  }
0xd2: {  	[tilespmem:s18], [sflag:$0x5] =	stream.linear.gather [hbm4b:s8+s3], $0x80, $0x38;
	[tilespmem:$0x1C400] =	vst v63  }
0xd3: {  	s9 =	sadd.s32 $0x20, s1  }
0xd4: {  	[tilespmem:s19], [sflag:$0x6] =	stream.linear.gather [hbm4b:s9+s3], $0x80, $0x38;
	[tilespmem:$0x1C400] =	vst v63  }
0xd5: {  	s6 =	sadd.s32 $0x30, s6  }
0xd6: {  	[tilespmem:s20], [sflag:$0x7] =	stream.linear.gather [hbm4b:s6+s3], $0x80, $0x38;
	[tilespmem:$0x1C400] =	vst v63  }
0xd7: {  	s1 =	sadd.s32 $0x30, s1  }
0xd8: {  	[tilespmem:s21], [sflag:$0x8] =	stream.linear.gather [hbm4b:s1+s3], $0x80, $0x38;
	[tilespmem:$0x1C400] =	vst v63  }
0xd9: {  	_ =	swait.ge [sflag:s22], $0x80  }
0xda: {  	[sflag:s22] =	ssyncset.done $0x0  }
0xdb: {  	[sflag:s22] =	ssyncadd.s32 $0xFFFFFF80  }
0xdc: {  	[tilespmem:s13], [sflag:$0x1] =	stream.indirect.gather [hbm4b:s4+s15], $0x80, s3, s15, $0xb8;
	[tilespmem:$0x1C400] =	vst v63  }
0xdd: {  	_ =	swait.ge [sflag:s23], $0x80  }
0xde: {  	[sflag:s23] =	ssyncset.done $0x0  }
0xdf: {  	[sflag:s23] =	ssyncadd.s32 $0xFFFFFF80  }
0xe0: {  	[tilespmem:s24], [sflag:$0x2] =	stream.indirect.gather [hbm4b:s4+s15], $0x80, s16, s15, $0xb8;
	[tilespmem:$0x1C400] =	vst v63  }
0xe1: {  	_ =	swait.ge [sflag:s25], $0x4000  }
0xe2: {  	[sflag:s25] =	ssyncset.done $0x0  }
0xe3: {  	[sflag:s25] =	ssyncadd.s32 $0xFFFFC000  }
0xe4: {  	_ =	swait.ge [sflag:s26], $0x80  }
0xe5: {  	[sflag:s26] =	ssyncset.done $0x0  }
0xe6: {  	[sflag:s26] =	ssyncadd.s32 $0xFFFFFF80  }
0xe7: {  	[spmem:s2] =	stream.indirect.scatter.add.f32 [tilespmem:s13], [sflag:$0x3], $0x80, s15, s15, $0xb8;
	[tilespmem:$0x1C400] =	vst v63  }
0xe8: {  	_ =	swait.ge [sflag:s28], $0x4000  }
0xe9: {  	[sflag:s28] =	ssyncset.done $0x0  }
0xea: {  	[sflag:s28] =	ssyncadd.s32 $0xFFFFC000  }
0xeb: {  	_ =	swait.ge [sflag:s29], $0x80  }
0xec: {  	[sflag:s29] =	ssyncset.done $0x0  }
0xed: {  	[sflag:s29] =	ssyncadd.s32 $0xFFFFFF80  }
0xee: {  	[spmem:s2] =	stream.indirect.scatter.add.f32 [tilespmem:s24], [sflag:$0x4], $0x80, s17, s15, $0xb8;
	[tilespmem:$0x1C400] =	vst v63  }
0xef: {  	_ =	swait.ge [sflag:s30], $0x4000  }
0xf0: {  	[sflag:s30] =	ssyncset.done $0x0  }
0xf1: {  	[sflag:s30] =	ssyncadd.s32 $0xFFFFC000  }
0xf2: {  	_ =	swait.ge [sflag:s22], $0x80  }
0xf3: {  	[sflag:s22] =	ssyncset.done $0x0  }
0xf4: {  	[sflag:s22] =	ssyncadd.s32 $0xFFFFFF80  }
0xf5: {  	[tilespmem:s13], [sflag:$0x1] =	stream.indirect.gather [hbm4b:s4+s15], $0x80, s18, s15, $0xb8;
	[tilespmem:$0x1C400] =	vst v63  }
0xf6: {  	_ =	swait.ge [sflag:s31], $0x4000  }
0xf7: {  	[sflag:s31] =	ssyncset.done $0x0  }
0xf8: {  	[sflag:s31] =	ssyncadd.s32 $0xFFFFC000  }
0xf9: {  	_ =	swait.ge [sflag:s23], $0x80  }
0xfa: {  	[sflag:s23] =	ssyncset.done $0x0  }
0xfb: {  	[sflag:s23] =	ssyncadd.s32 $0xFFFFFF80  }
0xfc: {  	[tilespmem:s24], [sflag:$0x2] =	stream.indirect.gather [hbm4b:s4+s15], $0x80, s20, s15, $0xb8;
	[tilespmem:$0x1C400] =	vst v63  }
0xfd: {  	_ =	swait.ge [sflag:s25], $0x4000  }
0xfe: {  	[sflag:s25] =	ssyncset.done $0x0  }
0xff: {  	[sflag:s25] =	ssyncadd.s32 $0xFFFFC000  }
0x100: {  	_ =	swait.ge [sflag:s26], $0x80  }
0x101: {  	[sflag:s26] =	ssyncset.done $0x0  }
0x102: {  	[sflag:s26] =	ssyncadd.s32 $0xFFFFFF80  }
0x103: {  	[spmem:s2] =	stream.indirect.scatter.add.f32 [tilespmem:s13], [sflag:$0x3], $0x80, s19, s15, $0xb8;
	[tilespmem:$0x1C400] =	vst v63  }
0x104: {  	_ =	swait.ge [sflag:s28], $0x4000  }
0x105: {  	[sflag:s28] =	ssyncset.done $0x0  }
0x106: {  	[sflag:s28] =	ssyncadd.s32 $0xFFFFC000  }
0x107: {  	_ =	swait.ge [sflag:s29], $0x80  }
0x108: {  	[sflag:s29] =	ssyncset.done $0x0  }
0x109: {  	[sflag:s29] =	ssyncadd.s32 $0xFFFFFF80  }
0x10a: {  	[spmem:s2] =	stream.indirect.scatter.add.f32 [tilespmem:s24], [sflag:$0x4], $0x80, s21, s15, $0xb8;
	[tilespmem:$0x1C400] =	vst v63  }
0x10b: {  	_ =	swait.ge [sflag:s30], $0x4000  }
0x10c: {  	[sflag:s30] =	ssyncset.done $0x0  }
0x10d: {  	[sflag:s30] =	ssyncadd.s32 $0xFFFFC000  }
0x10e: {  	s0 =	sadd.s32 $0x1, s0;
	_ =	swait.ge [sflag:s31], $0x4000  }
0x10f: {  	p0 =	sne.s32 s0, s11;
	s8 =	stileid.u32;
	[sflag:s31] =	ssyncset.done $0x0  }
0x110: {  	s9 =	sshrl.u32 s5, $0x3;
	s1 =	sshll.u32 s8, $0x6;
	[sflag:s31] =	ssyncadd.s32 $0xFFFFC000  }
.Ltmp2:
0x111: {  	s1 =	sor.u32 $0x1C09, s1;
	[bflag:$0x0] =	sbarrier.arrive $0xFFFF;
	(pc) =	sbr.rel @p0 .LBB2_1-.Ltmp2, $4  }
0x112: {  	[hbm:s10], [sflag:s1] =	dma.local [spmem:s9], $0x2800  }
0x113: {  	_ =	swait.ge [sflag:s14], $0x2800  }
0x114: {  	[sflag:s14] =	ssyncset.done $0x0  }
0x115: {  	[sflag:s14] =	ssyncadd.s32 $0xFFFFD800  }
0x116: {  	_ =	sfence.sel $0x180000  }
0x117: {  	[bflag:$0x0] =	sbarrier.arrive $0xFFFF  }
0x118: {  	_ =	strace $0x9000004D  }
0x119: {  	s0 =	stileid.u32;
	[bflag:$0x2] =	sbarrier.arrive $0xFFFF  }
0x11a: {  	p0 =	sne.s32 s0, $0x0;
	s0 =	rddreg [dreg:$0x2]  }
0x11b: {  	s0 =	sadd.s32 @!p0 $0x100000, s0  }
0x11c: {  	[sflag:s0] =	ssyncadd.tile.s32 @!p0 $0x1;
	_ =	shalt  }
.Lfunc_end2:
_tile_overlayer_lowered:
.L_overlay_start_2:
0x11d: {  	(tag) =	ssettag $0x2  }
0x11e: {  	s0 =	rddreg [dreg:$0x0];
	s2 =	stileid.u32  }
0x11f: {  	s1 =	rddreg [dreg:$0x1];
	p0 =	sne.s32 s2, $0x0  }
0x120: {  	s3 =	rddreg [dreg:$0x2];
	[bflag:$0x3] =	sbarrier.arrive $0xFFFF;
	s2 =	simm.s32 @!p0 $0x1C09  }
0x121: {  	[timem:s3], [sflag:s2] =	dma.local @!p0 [hbm:s0], s1  }
0x122: {  	s0 =	simm.s32 @!p0 $0x9  }
0x123: {  	_ =	swait.ge @!p0 [sflag:s0], s1  }
0x124: {  	s1 =	ssub.s32 @!p0 $0x0, s1;
	[sflag:s0] =	ssyncset.done @!p0 $0x0  }
0x125: {  	[sflag:s0] =	ssyncadd.s32 @!p0 s1  }
0x126: {  	[bflag:$0x3] =	sbarrier.arrive $0xFFFF  }
0x127: {  	_ =	shalt  }

// kernel: kernel.7.cloned.1.call-start
scs
__scs_entry_jumppad:
0x0: {  	(pc) =	sbr.rel $0x88, $3  }
0x1: {  	(tag) =	ssettag $0x0;
	lr =	simm.s32 $0x1  }
0x2: {  	[smem:$0x3F8D] =	sst lr;
	_ =	strace $0xD0000000  }
0x3: {  	_ = 	snop  }
0x4: {  	_ = 	snop  }
0x5: {  	_ = 	snop  }
0x6: {  	_ = 	snop  }
0x7: {  	_ = 	snop  }
__scs_overlays_trampoline_lowered:
0x8: {  	[smem:$0x3F9C] =	sst s0  }
0x9: {  	[smem:$0x3F9D] =	sst s1  }
0xa: {  	[smem:$0x3F9E] =	sst s2  }
0xb: {  	[smem:$0x3F9F] =	sst s3  }
0xc: {  	[smem:$0x3FA0] =	sst s4  }
0xd: {  	[smem:$0x3FA1] =	sst s5  }
0xe: {  	[smem:$0x3FA2] =	sst s6  }
0xf: {  	[smem:$0x3FA3] =	sst s7  }
0x10: {  	[smem:$0x3FA4] =	sst s8  }
0x11: {  	[smem:$0x3FA5] =	sst s9;
	s0 =	simm.s32 @!p0 $0x0  }
0x12: {  	s1 =	sld [smem:$0x3F8B];
	s0 =	simm.s32 @p0 $0x1  }
0x13: {  	[smem:$0x3FA6] =	sst s0;
	s0 =	simm.s32 @!p1 $0x0  }
0x14: {  	s2 =	sld [smem:$0x3F8A];
	s0 =	simm.s32 @p1 $0x1  }
0x15: {  	[smem:$0x3FA7] =	sst s0;
	s0 =	simm.s32 @!p2 $0x0  }
0x16: {  	s3 =	sld [smem:$0x3FDB];
	s0 =	simm.s32 @p2 $0x1  }
0x17: {  	s4 =	simm.s32 $0x1BF5;
	[smem:$0x3FA9] =	sst s0  }
0x18: {  	s0 =	sld [smem:$0x3F8C];
	_ =	swait.ge [sflag:s4], $0x0  }
0x19: {  	s7 =	sld [smem:$0x3F8D]  }
0x1a: {  	s8 =	sadd.s32 $0xFFFFE003, lr  }
0x1b: {  	s9 =	sadd.s32 $0xFFFFFEF7, lr;
	s5 =	simm.s32 $0xFFFFFFFF;
	p2 =	slt.u32 s8, $0xFFFFF086  }
0x1c: {  	p1 =	slt.u32 s9, $0xF7A;
	s5 =	simm.s32 @!p2 $0x0  }
0x1d: {  	s5 =	simm.s32 @p1 $0x1;
	p0 =	seq.s32 s7, s2  }
0x1e: {  	s7 =	smul.u32 @!p0 $0xF7A, s2;
	p2 =	seq.s32 @!p0 s5, $0x0  }
0x1f: {  	s9 =	smul.u32 $0xF7A, s1;
	s8 =	simm.s32 @!p0 $0x1BF5;
	p2 =	por !p2, p0  }
0x20: {  	[sflag:s8] =	ssyncset.s32 @!p0 $0xFFFFF086;
	s6 =	sadd.s32 @!p0 s3, s7;
	s7 =	simm.s32 @!p0 $0x108  }
0x21: {  	s3 =	sadd.s32 s3, s9;
	s6 =	sadd.s32 @!p0 $0x88, s6;
	s7 =	simm.s32 @p2 $0x1082  }
0x22: {  	[simem:s7], [sflag:s8] =	dma.local @!p0 [hbm:s6], $0xF7A  }
0x23: {  	s9 =	sor.u32 $0xD0000000, s2;
	s6 =	simm.s32 $0x108;
	_ =	swait.ge @!p0 [sflag:s8], $0x0  }
0x24: {  	s3 =	sadd.s32 $0x88, s3;
	s6 =	simm.s32 @!p1 $0x1082;
	[sflag:s4] =	ssyncset.s32 $0xFFFFF086  }
0x25: {  	[simem:s6], [sflag:s4] =	dma.local [hbm:s3], $0xF7A  }
0x26: {  	[smem:$0x3F8D] =	sst s1;
	(tag) =	ssettag s2;
	_ =	strace s9  }
0x27: {  	s1 =	sld [smem:$0x3F9D]  }
0x28: {  	s2 =	sld [smem:$0x3F9E]  }
0x29: {  	s4 =	sld [smem:$0x3FA0]  }
0x2a: {  	p0 =	seq.s32 s5, $0x0;
	s5 =	sld [smem:$0x3FA1]  }
0x2b: {  	s6 =	sld [smem:$0x3FA2]  }
0x2c: {  	s7 =	sld [smem:$0x3FA3]  }
0x2d: {  	s3 =	simm.s32 $0x108;
	s8 =	sld [smem:$0x3FA4]  }
0x2e: {  	s3 =	simm.s32 @!p0 $0x1082;
	s9 =	sld [smem:$0x3FA5]  }
0x2f: {  	lr =	sadd.s32 s0, s3;
	s0 =	sld [smem:$0x3F9C]  }
0x30: {  	s3 =	sld [smem:$0x3F9F]  }
0x31: {  	[smem:$0x3FA8] =	sst s10  }
0x32: {  	s10 =	sld [smem:$0x3FA6];
	_ =	sdelay $0x3  }
0x33: {  	p0 =	seq.s32 s10, $0x1;
	s10 =	sld [smem:$0x3FA8];
	_ =	sdelay $0x3  }
0x34: {  	[smem:$0x3FA8] =	sst s10  }
0x35: {  	s10 =	sld [smem:$0x3FA7];
	_ =	sdelay $0x3  }
0x36: {  	p1 =	seq.s32 s10, $0x1;
	s10 =	sld [smem:$0x3FA8];
	_ =	sdelay $0x3  }
0x37: {  	[smem:$0x3FA8] =	sst s10  }
0x38: {  	s10 =	sld [smem:$0x3FA9]  }
0x39: {  	_ = 	snop;
	(pc) =	sbr.ind lr, $3  }
0x3a: {  	_ = 	snop  }
0x3b: {  	_ = 	snop  }
0x3c: {  	p2 =	seq.s32 s10, $0x1;
	s10 =	sld [smem:$0x3FA8]  }
0x3d: {  	_ =	shalt  }
0x3e: {  	_ =	shalt  }
0x3f: {  	_ =	shalt  }
0x40: {  	_ =	shalt  }
0x41: {  	_ =	shalt  }
0x42: {  	_ =	shalt  }
0x43: {  	_ =	shalt  }
0x44: {  	_ =	shalt  }
0x45: {  	_ =	shalt  }
0x46: {  	_ =	shalt  }
0x47: {  	_ =	shalt  }
0x48: {  	_ =	shalt  }
0x49: {  	_ =	shalt  }
0x4a: {  	_ =	shalt  }
0x4b: {  	_ =	shalt  }
0x4c: {  	_ =	shalt  }
0x4d: {  	_ =	shalt  }
0x4e: {  	_ =	shalt  }
0x4f: {  	_ =	shalt  }
0x50: {  	_ =	shalt  }
0x51: {  	_ =	shalt  }
0x52: {  	_ =	shalt  }
0x53: {  	_ =	shalt  }
0x54: {  	_ =	shalt  }
0x55: {  	_ =	shalt  }
0x56: {  	_ =	shalt  }
0x57: {  	_ =	shalt  }
0x58: {  	_ =	shalt  }
0x59: {  	_ =	shalt  }
0x5a: {  	_ =	shalt  }
0x5b: {  	_ =	shalt  }
0x5c: {  	_ =	shalt  }
0x5d: {  	_ =	shalt  }
0x5e: {  	_ =	shalt  }
0x5f: {  	_ =	shalt  }
0x60: {  	_ =	shalt  }
0x61: {  	_ =	shalt  }
0x62: {  	_ =	shalt  }
0x63: {  	_ =	shalt  }
0x64: {  	_ =	shalt  }
0x65: {  	_ =	shalt  }
0x66: {  	_ =	shalt  }
0x67: {  	_ =	shalt  }
0x68: {  	_ =	shalt  }
0x69: {  	_ =	shalt  }
0x6a: {  	_ =	shalt  }
0x6b: {  	_ =	shalt  }
0x6c: {  	_ =	shalt  }
0x6d: {  	_ =	shalt  }
0x6e: {  	_ =	shalt  }
0x6f: {  	_ =	shalt  }
0x70: {  	_ =	shalt  }
0x71: {  	_ =	shalt  }
0x72: {  	_ =	shalt  }
0x73: {  	_ =	shalt  }
0x74: {  	_ =	shalt  }
0x75: {  	_ =	shalt  }
0x76: {  	_ =	shalt  }
0x77: {  	_ =	shalt  }
0x78: {  	_ =	shalt  }
0x79: {  	_ =	shalt  }
0x7a: {  	_ =	shalt  }
0x7b: {  	_ =	shalt  }
0x7c: {  	_ =	shalt  }
0x7d: {  	_ =	shalt  }
0x7e: {  	_ =	shalt  }
0x7f: {  	_ =	shalt  }
0x80: {  	_ =	shalt  }
0x81: {  	_ =	shalt  }
0x82: {  	_ =	shalt  }
0x83: {  	_ =	shalt  }
0x84: {  	_ =	shalt  }
0x85: {  	_ =	shalt  }
0x86: {  	_ =	shalt  }
0x87: {  	_ =	shalt  }
.Lfunc_end0:
.L_simem_size_0:
called_computation_lowered:
.L_overlay_start_0:
0x88: {  	s2 =	sld [smem:$0x3FD9]  }
0x89: {  	s3 =	sld [smem:$0x3FFE];
	_ =	sdelay $0x1  }
0x8a: {  	s1 =	srdreg.scid  }
0x8b: {  	s0 =	sand.u32 $0x1, s1  }
0x8c: {  	s17 =	sshll.u32 s0, $0xA;
	s2 =	sadd.s32 s3, s2  }
0x8d: {  	s2 =	sadd.s32 s2, s17  }
0x8e: {  	[smem:$0x3FB4] =	sst s2  }
0x8f: {  	_ = 	snop  }
0x90: {  	s2 =	sld [smem:$0x3FC5]  }
0x91: {  	s18 =	sld [smem:$0x3FC4];
	(tm) =	ssettm $0x1  }
0x92: {  	s4 =	sld [smem:$0x3FFB];
	_ =	sdelay $0x3  }
0x93: {  	_ =	strace s4  }
0x94: {  	s4 =	sld [smem:$0x3FFC];
	_ =	sdelay $0x3  }
0x95: {  	_ =	strace s4  }
0x96: {  	s4 =	sld [smem:$0x3FFD];
	_ =	sdelay $0x3  }
0x97: {  	_ =	strace s4  }
0x98: {  	_ =	strace $0x8FFFFFFF  }
0x99: {  	s19 =	sld [smem:$0x3FDB];
	_ =	sdelay $0x1  }
0x9a: {  	s5 =	simm.s32 $_scs_section_size  }
0x9b: {  	s6 =	simm.s32 $_size__tile_overlayer_lowered;
	s7 =	simm.s32 $_tile_overlayer_lowered  }
0x9c: {  	s22 =	simm.s32 $0x1BFF;
	s21 =	sshll.u32 s7, $0x1;
	s4 =	sadd.s32 s5, s19  }
0x9d: {  	s8 =	simm.s32 $0x0;
	s20 =	sshll.u32 s6, $0x1;
	s6 =	sadd.s32 s21, s4  }
0x9e: {  	[timem:s8], [sflag:s22] =	dma.local [hbm:s6], s20  }
0x9f: {  	_ =	swait.ge [sflag:s22], s20  }
0xa0: {  	s5 =	ssub.s32 $0x0, s20;
	[sflag:s22] =	ssyncset.done $0x0  }
0xa1: {  	[sflag:s22] =	ssyncadd.s32 s5;
	_ =	sdelay $0x1  }
0xa2: {  	s23 =	simm.s32 $0x1B8B  }
0xa3: {  	_ =	swait.ge [sflag:s23], $0x1  }
0xa4: {  	[sflag:s23] =	ssyncset.done $0x0  }
0xa5: {  	s25 =	simm.s32 $0x1B8E;
	s24 =	sld [smem:$0x3FFE];
	[sflag:s23] =	ssyncadd.s32 $0xFFFFFFFF  }
0xa6: {  	s26 =	simm.s32 $execute0_lowered;
	[smem:$0x3FD2] =	sst s25  }
0xa7: {  	s6 =	sshll.u32 s26, $0x1;
	_ =	strace $0x80000046;
	[dreg:$0x1] =	wrdreg $0xFFFFFFFF  }
0xa8: {  	s28 =	simm.s32 $_size_execute0_lowered;
	s4 =	sadd.s32 s4, s6;
	[dreg:$0x0] =	wrdreg $0x0  }
0xa9: {  	s6 =	sshll.u32 s28, $0x1;
	[dreg:$0x2] =	wrdreg s4  }
0xaa: {  	[dreg:$0x3] =	wrdreg s6  }
0xab: {  	[dreg:$0x4] =	wrdreg $0xC0  }
0xac: {  	_ =	task [dreg:s8], $0x5FFFF  }
0xad: {  	[dreg:$0x1] =	wrdreg $0xFFFFFFFF  }
0xae: {  	[dreg:$0x0] =	wrdreg $0x60  }
0xaf: {  	[dreg:$0x2] =	wrdreg s24  }
0xb0: {  	[dreg:$0x3] =	wrdreg s2  }
0xb1: {  	[dreg:$0x4] =	wrdreg s18  }
0xb2: {  	[dreg:$0x5] =	wrdreg $0x2D800  }
0xb3: {  	[dreg:$0x6] =	wrdreg $0x9  }
0xb4: {  	_ =	task.clear_ibuf [dreg:s8], $0x7FFFF;
	_ =	strace $0x90000046  }
0xb5: {  	s29 =	simm.s32 $0x9;
	_ =	strace $0x80000048  }
0xb6: {  	_ =	swait.ge [sflag:s29], $0x1  }
0xb7: {  	[sflag:s29] =	ssyncadd.s32 $0xFFFFFFFF  }
0xb8: {  	_ =	strace $0x90000048  }
0xb9: {  	_ =	sfence  }
0xba: {  	s30 =	sld [smem:$0x0];
	_ =	sdelay $0x2  }
0xbb: {  	s31 =	sshll.u32 s1, $0xD;
	s1 =	sshrl.u32 s1, $0x2  }
0xbc: {  	s3 =	sand.u32 $0x4000, s31;
	s1 =	sadd.s32 s1, s30  }
0xbd: {  	s0 =	sor.u32 s3, s0;
	s1 =	sshll.u32 s1, $0x11  }
0xbe: {  	s0 =	sor.u32 s1, s0  }
0xbf: {  	s0 =	sadd.s32 $0x8F2B, s0  }
0xc0: {  	[sflag:s0] =	ssyncadd.remote.s32 $0x1  }
0xc1: {  	_ =	sfence.sel $0xFFFF  }
0xc2: {  	[dreg:$0x0] =	wrdreg $0xFFFFFFFF;
	(pc) =	sbr.abs _section_cstart, $3  }
0xc3: {  	[dreg:$0x1] =	wrdreg $0xFFFFFFFF  }
0xc4: {  	_ =	task.clear_ibuf [dreg:s8], $0x2FFFF;
	_ =	strace $0x9FFFFFFF  }
0xc5: {  	(tm) =	ssettm $0x7FFFFFFF  }
tec
execute0_lowered:
.L_overlay_start_1:
0x0: {  	(tag) =	ssettag $0x1  }
0x1: {  	s0 =	rddreg [dreg:$0x0]  }
0x2: {  	s2 =	srdreg.scid;
	s1 =	rddreg [dreg:$0x1]  }
0x3: {  	s9 =	stileid.u32;
	s3 =	rddreg [dreg:$0x3];
	s28 =	simm.s32 $0x6  }
0x4: {  	s29 =	simm.s32 $0x200;
	s5 =	sand.u32 $0x1, s2;
	s7 =	smul.u32 $0x5000, s9  }
0x5: {  	s30 =	simm.s32 $0x50;
	s8 =	smul.u32 $0x280, s9;
	s4 =	sshll.u32 s5, $0x4  }
0x6: {  	s31 =	simm.s32 $0x280;
	s6 =	smul.u32 $0x50000, s5;
	s9 =	sor.u32 s9, s4  }
0x7: {  	s2 =	rddreg [dreg:$0x2];
	s10 =	sadd.s32 $0x3400, s0;
	s11 =	smul.u32 $0x140, s9  }
0x8: {  	s4 =	simm.s32 $0x0;
	s6 =	sadd.s32 s7, s6;
	s7 =	smul.u32 $0x2800, s5  }
0x9: {  	s5 =	ssub.s32 $0x2, s5;
	[smem:$0x7FF] =	sst s4;
	s9 =	smul.u32 $0x1400, s9  }
0xa: {  	s12 =	sshrl.u32 s5, $0x1;
	s6 =	sshrl.u32 s6, $0x3;
	s13 =	sshrl.u32 s11, $0x3  }
0xb: {  	s14 =	sadd.s32 $0x50, s11;
	s5 =	ssub.s32 s5, s12;
	s19 =	sadd.s32 $0xA0, s11  }
0xc: {  	s20 =	sadd.s32 $0x28A0, s11;
	s7 =	sadd.s32 s8, s7;
	s6 =	sadd.s32 s6, s0  }
0xd: {  	s17 =	sadd.s32 s10, s13;
	s18 =	sshrl.u32 s14, $0x3;
	s13 =	sadd.s32 $0xF0, s11  }
0xe: {  	s15 =	sshrl.u32 s19, $0x3;
	s24 =	sshrl.u32 s20, $0x3;
	s7 =	sshrl.u32 s7, $0x3  }
0xf: {  	s19 =	sshll.u32 s19, $0x4;
	[dreg:$0x5] =	wrdreg s17;
	s12 =	sadd.s32 s10, s18  }
0x10: {  	s16 =	sshrl.u32 s13, $0x3;
	s17 =	sadd.s32 $0x2800, s11;
	s15 =	sadd.s32 s10, s15  }
0x11: {  	s18 =	sadd.s32 $0x2850, s11;
	s11 =	sadd.s32 $0x28F0, s11;
	s25 =	sadd.s32 s10, s24  }
0x12: {  	s7 =	sadd.s32 s7, s0;
	s0 =	sadd.s32 $0x2C800, s0;
	[dreg:$0x6] =	wrdreg s12  }
0x13: {  	[dreg:$0x7] =	wrdreg s15;
	s21 =	sadd.s32 s10, s16;
	s22 =	sshrl.u32 s17, $0x3  }
0x14: {  	s23 =	sshrl.u32 s18, $0x3;
	[dreg:$0xb] =	wrdreg s25;
	s26 =	sshrl.u32 s11, $0x3  }
0x15: {  	s9 =	sadd.s32 s0, s9;
	s16 =	sshll.u32 s14, $0x4;
	s24 =	sshll.u32 s18, $0x4  }
0x16: {  	s25 =	sshll.u32 s20, $0x4;
	[dreg:$0x8] =	wrdreg s21;
	s15 =	sadd.s32 s10, s22  }
0x17: {  	[dreg:$0xd] =	wrdreg s9;
	s9 =	sadd.s32 s0, s16;
	s21 =	sadd.s32 s0, s19  }
0x18: {  	s22 =	sshll.u32 s13, $0x4;
	s19 =	sadd.s32 s0, s24;
	s20 =	sadd.s32 s0, s25  }
0x19: {  	s24 =	smax.u32 s5, $0x1;
	s25 =	sadd.s32 $0x3E00, s6;
	[dreg:$0x9] =	wrdreg s15  }
0x1a: {  	s5 =	simm.s32 $0x180;
	s6 =	simm.s32 $0x2;
	[dreg:$0xe] =	wrdreg s9  }
0x1b: {  	s15 =	sadd.s32 s10, s23;
	s10 =	sadd.s32 s10, s26;
	[dreg:$0xf] =	wrdreg s21  }
0x1c: {  	s16 =	sadd.s32 s0, s22;
	s23 =	sshll.u32 s17, $0x4;
	s26 =	sshll.u32 s11, $0x4  }
0x1d: {  	s22 =	sadd.s32 s8, s3;
	s17 =	simm.s32 $0x1;
	s8 =	simm.s32 $0x3  }
0x1e: {  	s9 =	simm.s32 $0x4;
	s11 =	simm.s32 $0x0;
	[dreg:$0xa] =	wrdreg s15  }
0x1f: {  	[dreg:$0xc] =	wrdreg s10;
	s18 =	sadd.s32 s0, s23;
	s21 =	sadd.s32 s0, s26  }
0x20: {  	s23 =	sadd.s32 $0x2BE00, s7;
	s0 =	simm.s32 $0x80;
	s26 =	simm.s32 $0x100  }
0x21: {  	v0 =	vimm.f32 $1.000000000e+00;
	v1 =	vimm.f32 $0.0e+00;
	s7 =	simm.s32 $0x2A80;
	s10 =	simm.s32 $0x5;
	_ =	strace $0x80000047  }
.LBB2_1:
0x22: {  	[tilespmem:$0x2A80] =	vst v0  }
0x23: {  	[tilespmem:$0x2A90] =	vst v0  }
0x24: {  	[tilespmem:$0x2AA0] =	vst v0  }
0x25: {  	[tilespmem:$0x2AB0] =	vst v0  }
0x26: {  	[tilespmem:$0x2AC0] =	vst v0  }
0x27: {  	[tilespmem:$0x2AD0] =	vst v0  }
0x28: {  	[tilespmem:$0x2AE0] =	vst v0  }
0x29: {  	[tilespmem:$0x2AF0] =	vst v0  }
0x2a: {  	[tilespmem:$0x2B00] =	vst v1  }
0x2b: {  	[tilespmem:$0x2B10] =	vst v1  }
0x2c: {  	[tilespmem:$0x2B20] =	vst v1  }
0x2d: {  	[tilespmem:$0x2B30] =	vst v1  }
0x2e: {  	[tilespmem:$0x2B40] =	vst v1  }
0x2f: {  	[tilespmem:$0x2B50] =	vst v1  }
0x30: {  	[tilespmem:$0x2B60] =	vst v1  }
0x31: {  	[tilespmem:$0x2B70] =	vst v1  }
0x32: {  	[tilespmem:$0x2B80] =	vst v1  }
0x33: {  	[tilespmem:$0x2B90] =	vst v1  }
0x34: {  	[tilespmem:$0x2BA0] =	vst v1  }
0x35: {  	[tilespmem:$0x2BB0] =	vst v1  }
0x36: {  	[tilespmem:$0x2BC0] =	vst v1  }
0x37: {  	[tilespmem:$0x2BD0] =	vst v1  }
0x38: {  	[tilespmem:$0x2BE0] =	vst v1  }
0x39: {  	[tilespmem:$0x2BF0] =	vst v1  }
0x3a: {  	[tilespmem:$0x2C00] =	vst v1  }
0x3b: {  	[tilespmem:$0x2C10] =	vst v1  }
0x3c: {  	[tilespmem:$0x2C20] =	vst v1  }
0x3d: {  	[tilespmem:$0x2C30] =	vst v1  }
0x3e: {  	[tilespmem:$0x2C40] =	vst v1  }
0x3f: {  	[tilespmem:$0x2C50] =	vst v1  }
0x40: {  	[tilespmem:$0x2C60] =	vst v1  }
0x41: {  	[tilespmem:$0x2C70] =	vst v1  }
0x42: {  	[tilespmem:$0x2C80] =	vst v1  }
0x43: {  	[tilespmem:$0x2C90] =	vst v1  }
0x44: {  	[tilespmem:$0x2CA0] =	vst v1  }
0x45: {  	[tilespmem:$0x2CB0] =	vst v1  }
0x46: {  	[tilespmem:$0x2CC0] =	vst v1  }
0x47: {  	[tilespmem:$0x2CD0] =	vst v1  }
0x48: {  	[tilespmem:$0x2CE0] =	vst v1  }
0x49: {  	[tilespmem:$0x2CF0] =	vst v1  }
0x4a: {  	[tilespmem:$0x2D00] =	vst v1  }
0x4b: {  	[tilespmem:$0x2D10] =	vst v1  }
0x4c: {  	[tilespmem:$0x2D20] =	vst v1  }
0x4d: {  	[tilespmem:$0x2D30] =	vst v1  }
0x4e: {  	[tilespmem:$0x2D40] =	vst v1  }
0x4f: {  	[tilespmem:$0x2D50] =	vst v1  }
0x50: {  	[tilespmem:$0x2D60] =	vst v1  }
0x51: {  	[tilespmem:$0x2D70] =	vst v1;
	s12 =	simm.s32 $0x2B00  }
0x52: {  	[spmem:s22] =	stream.linear.scatter [tilespmem:s12], [sflag:$0x6], $0x280, $0x38;
	[tilespmem:$0x3000] =	vst v63  }
0x53: {  	_ =	swait.ge [sflag:s28], $0x280  }
0x54: {  	[sflag:s28] =	ssyncset.done $0x0  }
0x55: {  	[sflag:s28] =	ssyncadd.s32 $0xFFFFFD80  }
0x56: {  	[bflag:$0x0] =	sbarrier.arrive $0xFFFF  }
0x57: {  	s15 =	rddreg [dreg:$0x5]  }
0x58: {  	[tilespmem:s29], [sflag:$0x6] =	stream.linear.gather [hbm4b:s15+s4], $0x50, $0x38;
	[tilespmem:$0x3000] =	vst v63  }
0x59: {  	_ =	swait.ge [sflag:s28], $0x50  }
0x5a: {  	[sflag:s28] =	ssyncset.done $0x0  }
0x5b: {  	[sflag:s28] =	ssyncadd.s32 $0xFFFFFFB0  }
0x5c: {  	[tilespmem:s31], [sflag:$0x1] =	stream.indirect.gather [hbm4b:s1+s30], $0x80, s29, s30, $0xb8;
	[tilespmem:$0x3000] =	vst v63  }
0x5d: {  	_ =	swait.ge [sflag:s17], $0x2800  }
0x5e: {  	[sflag:s17] =	ssyncset.done $0x0  }
0x5f: {  	s13 =	rddreg [dreg:$0xd];
	[sflag:s17] =	ssyncadd.s32 $0xFFFFD800  }
0x60: {  	[hbm4b:s13+s4] =	stream.linear.scatter [tilespmem:s31], [sflag:$0x6], $0x2800, $0x38;
	[tilespmem:$0x3000] =	vst v63  }
0x61: {  	_ =	swait.ge [sflag:s28], $0x2800  }
0x62: {  	[sflag:s28] =	ssyncset.done $0x0  }
0x63: {  	s14 =	rddreg [dreg:$0x6];
	[sflag:s28] =	ssyncadd.s32 $0xFFFFD800  }
0x64: {  	[tilespmem:s29], [sflag:$0x6] =	stream.linear.gather [hbm4b:s14+s4], $0x50, $0x38;
	[tilespmem:$0x3000] =	vst v63  }
0x65: {  	_ =	swait.ge [sflag:s28], $0x50  }
0x66: {  	[sflag:s28] =	ssyncset.done $0x0  }
0x67: {  	[sflag:s28] =	ssyncadd.s32 $0xFFFFFFB0  }
0x68: {  	[tilespmem:s31], [sflag:$0x1] =	stream.indirect.gather [hbm4b:s1+s30], $0x80, s29, s30, $0xb8;
	[tilespmem:$0x3000] =	vst v63  }
0x69: {  	_ =	swait.ge [sflag:s17], $0x2800  }
0x6a: {  	[sflag:s17] =	ssyncset.done $0x0  }
0x6b: {  	s15 =	rddreg [dreg:$0xe];
	[sflag:s17] =	ssyncadd.s32 $0xFFFFD800  }
0x6c: {  	[hbm4b:s15+s4] =	stream.linear.scatter [tilespmem:s31], [sflag:$0x6], $0x2800, $0x38;
	[tilespmem:$0x3000] =	vst v63  }
0x6d: {  	_ =	swait.ge [sflag:s28], $0x2800  }
0x6e: {  	[sflag:s28] =	ssyncset.done $0x0  }
0x6f: {  	s13 =	rddreg [dreg:$0x7];
	[sflag:s28] =	ssyncadd.s32 $0xFFFFD800  }
0x70: {  	[tilespmem:s29], [sflag:$0x6] =	stream.linear.gather [hbm4b:s13+s4], $0x50, $0x38;
	[tilespmem:$0x3000] =	vst v63  }
0x71: {  	_ =	swait.ge [sflag:s28], $0x50  }
0x72: {  	[sflag:s28] =	ssyncset.done $0x0  }
0x73: {  	[sflag:s28] =	ssyncadd.s32 $0xFFFFFFB0  }
0x74: {  	[tilespmem:s31], [sflag:$0x1] =	stream.indirect.gather [hbm4b:s1+s30], $0x80, s29, s30, $0xb8;
	[tilespmem:$0x3000] =	vst v63  }
0x75: {  	_ =	swait.ge [sflag:s17], $0x2800  }
0x76: {  	[sflag:s17] =	ssyncset.done $0x0  }
0x77: {  	s14 =	rddreg [dreg:$0xf];
	[sflag:s17] =	ssyncadd.s32 $0xFFFFD800  }
0x78: {  	[hbm4b:s14+s4] =	stream.linear.scatter [tilespmem:s31], [sflag:$0x6], $0x2800, $0x38;
	[tilespmem:$0x3000] =	vst v63  }
0x79: {  	_ =	swait.ge [sflag:s28], $0x2800  }
0x7a: {  	[sflag:s28] =	ssyncset.done $0x0  }
0x7b: {  	s15 =	rddreg [dreg:$0x8];
	[sflag:s28] =	ssyncadd.s32 $0xFFFFD800  }
0x7c: {  	[tilespmem:s29], [sflag:$0x6] =	stream.linear.gather [hbm4b:s15+s4], $0x50, $0x38;
	[tilespmem:$0x3000] =	vst v63  }
0x7d: {  	_ =	swait.ge [sflag:s28], $0x50  }
0x7e: {  	[sflag:s28] =	ssyncset.done $0x0  }
0x7f: {  	[sflag:s28] =	ssyncadd.s32 $0xFFFFFFB0  }
0x80: {  	[tilespmem:s31], [sflag:$0x1] =	stream.indirect.gather [hbm4b:s1+s30], $0x80, s29, s30, $0xb8;
	[tilespmem:$0x3000] =	vst v63  }
0x81: {  	_ =	swait.ge [sflag:s17], $0x2800  }
0x82: {  	[sflag:s17] =	ssyncset.done $0x0  }
0x83: {  	[sflag:s17] =	ssyncadd.s32 $0xFFFFD800  }
0x84: {  	[hbm4b:s16+s4] =	stream.linear.scatter [tilespmem:s31], [sflag:$0x6], $0x2800, $0x38;
	[tilespmem:$0x3000] =	vst v63  }
0x85: {  	_ =	swait.ge [sflag:s28], $0x2800  }
0x86: {  	[sflag:s28] =	ssyncset.done $0x0  }
0x87: {  	s13 =	rddreg [dreg:$0x9];
	[sflag:s28] =	ssyncadd.s32 $0xFFFFD800  }
0x88: {  	[tilespmem:s29], [sflag:$0x6] =	stream.linear.gather [hbm4b:s13+s4], $0x50, $0x38;
	[tilespmem:$0x3000] =	vst v63  }
0x89: {  	_ =	swait.ge [sflag:s28], $0x50  }
0x8a: {  	[sflag:s28] =	ssyncset.done $0x0  }
0x8b: {  	[sflag:s28] =	ssyncadd.s32 $0xFFFFFFB0  }
0x8c: {  	[tilespmem:s31], [sflag:$0x1] =	stream.indirect.gather [hbm4b:s2+s30], $0x80, s29, s30, $0xb8;
	[tilespmem:$0x3000] =	vst v63  }
0x8d: {  	_ =	swait.ge [sflag:s17], $0x2800  }
0x8e: {  	[sflag:s17] =	ssyncset.done $0x0  }
0x8f: {  	[sflag:s17] =	ssyncadd.s32 $0xFFFFD800  }
0x90: {  	[hbm4b:s18+s4] =	stream.linear.scatter [tilespmem:s31], [sflag:$0x6], $0x2800, $0x38;
	[tilespmem:$0x3000] =	vst v63  }
0x91: {  	_ =	swait.ge [sflag:s28], $0x2800  }
0x92: {  	[sflag:s28] =	ssyncset.done $0x0  }
0x93: {  	s14 =	rddreg [dreg:$0xa];
	[sflag:s28] =	ssyncadd.s32 $0xFFFFD800  }
0x94: {  	[tilespmem:s29], [sflag:$0x6] =	stream.linear.gather [hbm4b:s14+s4], $0x50, $0x38;
	[tilespmem:$0x3000] =	vst v63  }
0x95: {  	_ =	swait.ge [sflag:s28], $0x50  }
0x96: {  	[sflag:s28] =	ssyncset.done $0x0  }
0x97: {  	[sflag:s28] =	ssyncadd.s32 $0xFFFFFFB0  }
0x98: {  	[tilespmem:s31], [sflag:$0x1] =	stream.indirect.gather [hbm4b:s2+s30], $0x80, s29, s30, $0xb8;
	[tilespmem:$0x3000] =	vst v63  }
0x99: {  	_ =	swait.ge [sflag:s17], $0x2800  }
0x9a: {  	[sflag:s17] =	ssyncset.done $0x0  }
0x9b: {  	[sflag:s17] =	ssyncadd.s32 $0xFFFFD800  }
0x9c: {  	[hbm4b:s19+s4] =	stream.linear.scatter [tilespmem:s31], [sflag:$0x6], $0x2800, $0x38;
	[tilespmem:$0x3000] =	vst v63  }
0x9d: {  	_ =	swait.ge [sflag:s28], $0x2800  }
0x9e: {  	[sflag:s28] =	ssyncset.done $0x0  }
0x9f: {  	s15 =	rddreg [dreg:$0xb];
	[sflag:s28] =	ssyncadd.s32 $0xFFFFD800  }
0xa0: {  	[tilespmem:s29], [sflag:$0x6] =	stream.linear.gather [hbm4b:s15+s4], $0x50, $0x38;
	[tilespmem:$0x3000] =	vst v63  }
0xa1: {  	_ =	swait.ge [sflag:s28], $0x50  }
0xa2: {  	[sflag:s28] =	ssyncset.done $0x0  }
0xa3: {  	[sflag:s28] =	ssyncadd.s32 $0xFFFFFFB0  }
0xa4: {  	[tilespmem:s31], [sflag:$0x1] =	stream.indirect.gather [hbm4b:s2+s30], $0x80, s29, s30, $0xb8;
	[tilespmem:$0x3000] =	vst v63  }
0xa5: {  	_ =	swait.ge [sflag:s17], $0x2800  }
0xa6: {  	[sflag:s17] =	ssyncset.done $0x0  }
0xa7: {  	[sflag:s17] =	ssyncadd.s32 $0xFFFFD800  }
0xa8: {  	[hbm4b:s20+s4] =	stream.linear.scatter [tilespmem:s31], [sflag:$0x6], $0x2800, $0x38;
	[tilespmem:$0x3000] =	vst v63  }
0xa9: {  	_ =	swait.ge [sflag:s28], $0x2800  }
0xaa: {  	[sflag:s28] =	ssyncset.done $0x0  }
0xab: {  	s13 =	rddreg [dreg:$0xc];
	[sflag:s28] =	ssyncadd.s32 $0xFFFFD800  }
0xac: {  	[tilespmem:s29], [sflag:$0x6] =	stream.linear.gather [hbm4b:s13+s4], $0x50, $0x38;
	[tilespmem:$0x3000] =	vst v63  }
0xad: {  	_ =	swait.ge [sflag:s28], $0x50  }
0xae: {  	[sflag:s28] =	ssyncset.done $0x0  }
0xaf: {  	[sflag:s28] =	ssyncadd.s32 $0xFFFFFFB0  }
0xb0: {  	[tilespmem:s31], [sflag:$0x1] =	stream.indirect.gather [hbm4b:s2+s30], $0x80, s29, s30, $0xb8;
	[tilespmem:$0x3000] =	vst v63  }
0xb1: {  	_ =	swait.ge [sflag:s17], $0x2800  }
0xb2: {  	[sflag:s17] =	ssyncset.done $0x0  }
0xb3: {  	[sflag:s17] =	ssyncadd.s32 $0xFFFFD800  }
0xb4: {  	[hbm4b:s21+s4] =	stream.linear.scatter [tilespmem:s31], [sflag:$0x6], $0x2800, $0x38;
	[tilespmem:$0x3000] =	vst v63  }
0xb5: {  	_ =	swait.ge [sflag:s28], $0x2800  }
0xb6: {  	[sflag:s28] =	ssyncset.done $0x0  }
0xb7: {  	s14 =	sadd.s32 $0x0, s25;
	[sflag:s28] =	ssyncadd.s32 $0xFFFFD800  }
0xb8: {  	[tilespmem:s4], [sflag:$0x2] =	stream.linear.gather [hbm4b:s14+s4], $0x80, $0x38;
	[tilespmem:$0x3000] =	vst v63  }
0xb9: {  	s13 =	sadd.s32 $0x10, s14  }
0xba: {  	[tilespmem:s0], [sflag:$0x3] =	stream.linear.gather [hbm4b:s13+s4], $0x80, $0x38;
	[tilespmem:$0x3000] =	vst v63  }
0xbb: {  	s15 =	sadd.s32 $0x20, s14  }
0xbc: {  	[tilespmem:s26], [sflag:$0x2] =	stream.linear.gather [hbm4b:s15+s4], $0x80, $0x38;
	[tilespmem:$0x3000] =	vst v63  }
0xbd: {  	s12 =	sadd.s32 $0x30, s14  }
0xbe: {  	[tilespmem:s5], [sflag:$0x3] =	stream.linear.gather [hbm4b:s12+s4], $0x80, $0x38;
	[tilespmem:$0x3000] =	vst v63  }
0xbf: {  	_ =	swait.ge [sflag:s6], $0x80  }
0xc0: {  	[sflag:s6] =	ssyncset.done $0x0  }
0xc1: {  	[sflag:s6] =	ssyncadd.s32 $0xFFFFFF80  }
0xc2: {  	[spmem:s3] =	stream.indirect.scatter.add.f32 [tilespmem:s7], [sflag:$0x4], $0x1, s4, s0, $0xb8;
	[tilespmem:$0x3000] =	vst v63  }
0xc3: {  	_ =	swait.ge [sflag:s8], $0x80  }
0xc4: {  	[sflag:s8] =	ssyncset.done $0x0  }
0xc5: {  	[sflag:s8] =	ssyncadd.s32 $0xFFFFFF80  }
0xc6: {  	[spmem:s3] =	stream.indirect.scatter.add.f32 [tilespmem:s7], [sflag:$0x5], $0x1, s0, s0, $0xb8;
	[tilespmem:$0x3000] =	vst v63  }
0xc7: {  	_ =	swait.ge [sflag:s9], $0x80  }
0xc8: {  	[sflag:s9] =	ssyncset.done $0x0  }
0xc9: {  	[sflag:s9] =	ssyncadd.s32 $0xFFFFFF80  }
0xca: {  	_ =	swait.ge [sflag:s6], $0x80  }
0xcb: {  	[sflag:s6] =	ssyncset.done $0x0  }
0xcc: {  	[sflag:s6] =	ssyncadd.s32 $0xFFFFFF80  }
0xcd: {  	[spmem:s3] =	stream.indirect.scatter.add.f32 [tilespmem:s7], [sflag:$0x4], $0x1, s26, s0, $0xb8;
	[tilespmem:$0x3000] =	vst v63  }
0xce: {  	_ =	swait.ge [sflag:s10], $0x80  }
0xcf: {  	[sflag:s10] =	ssyncset.done $0x0  }
0xd0: {  	[sflag:s10] =	ssyncadd.s32 $0xFFFFFF80  }
0xd1: {  	_ =	swait.ge [sflag:s8], $0x80  }
0xd2: {  	[sflag:s8] =	ssyncset.done $0x0  }
0xd3: {  	[sflag:s8] =	ssyncadd.s32 $0xFFFFFF80  }
0xd4: {  	[spmem:s3] =	stream.indirect.scatter.add.f32 [tilespmem:s7], [sflag:$0x5], $0x1, s5, s0, $0xb8;
	[tilespmem:$0x3000] =	vst v63  }
0xd5: {  	_ =	swait.ge [sflag:s9], $0x80  }
0xd6: {  	[sflag:s9] =	ssyncset.done $0x0  }
0xd7: {  	[sflag:s9] =	ssyncadd.s32 $0xFFFFFF80  }
0xd8: {  	_ =	swait.ge [sflag:s10], $0x80  }
0xd9: {  	s13 =	simm.s32 $0x80;
	s12 =	simm.s32 $0x40;
	[sflag:s10] =	ssyncset.done $0x0  }
.LBB2_2:
0xda: {  	s15 =	sadd.s32 s12, s25  }
0xdb: {  	[sflag:s10] =	ssyncadd.s32 $0xFFFFFF80;
	s12 =	smov.u32 s13;
	s14 =	sadd.s32 $0x40, s13  }
0xdc: {  	[tilespmem:s4], [sflag:$0x2] =	stream.linear.gather [hbm4b:s15+s4], $0x80, $0x38;
	[tilespmem:$0x3000] =	vst v63  }
0xdd: {  	p0 =	sne.s32 s13, $0x9C0;
	s13 =	sadd.s32 $0x10, s15  }
0xde: {  	[tilespmem:s0], [sflag:$0x3] =	stream.linear.gather [hbm4b:s13+s4], $0x80, $0x38;
	[tilespmem:$0x3000] =	vst v63  }
0xdf: {  	s13 =	sadd.s32 $0x20, s15  }
0xe0: {  	[tilespmem:s26], [sflag:$0x2] =	stream.linear.gather [hbm4b:s13+s4], $0x80, $0x38;
	[tilespmem:$0x3000] =	vst v63  }
0xe1: {  	s13 =	sadd.s32 $0x30, s15  }
0xe2: {  	[tilespmem:s5], [sflag:$0x3] =	stream.linear.gather [hbm4b:s13+s4], $0x80, $0x38;
	[tilespmem:$0x3000] =	vst v63  }
0xe3: {  	_ =	swait.ge [sflag:s6], $0x80  }
0xe4: {  	[sflag:s6] =	ssyncset.done $0x0  }
0xe5: {  	[sflag:s6] =	ssyncadd.s32 $0xFFFFFF80  }
0xe6: {  	[spmem:s3] =	stream.indirect.scatter.add.f32 [tilespmem:s7], [sflag:$0x4], $0x1, s4, s0, $0xb8;
	[tilespmem:$0x3000] =	vst v63  }
0xe7: {  	_ =	swait.ge [sflag:s8], $0x80  }
0xe8: {  	[sflag:s8] =	ssyncset.done $0x0  }
0xe9: {  	[sflag:s8] =	ssyncadd.s32 $0xFFFFFF80  }
0xea: {  	[spmem:s3] =	stream.indirect.scatter.add.f32 [tilespmem:s7], [sflag:$0x5], $0x1, s0, s0, $0xb8;
	[tilespmem:$0x3000] =	vst v63  }
0xeb: {  	_ =	swait.ge [sflag:s9], $0x80  }
0xec: {  	[sflag:s9] =	ssyncset.done $0x0  }
0xed: {  	[sflag:s9] =	ssyncadd.s32 $0xFFFFFF80  }
0xee: {  	_ =	swait.ge [sflag:s6], $0x80  }
0xef: {  	[sflag:s6] =	ssyncset.done $0x0  }
0xf0: {  	[sflag:s6] =	ssyncadd.s32 $0xFFFFFF80  }
0xf1: {  	[spmem:s3] =	stream.indirect.scatter.add.f32 [tilespmem:s7], [sflag:$0x4], $0x1, s26, s0, $0xb8;
	[tilespmem:$0x3000] =	vst v63  }
0xf2: {  	_ =	swait.ge [sflag:s10], $0x80  }
0xf3: {  	[sflag:s10] =	ssyncset.done $0x0  }
0xf4: {  	[sflag:s10] =	ssyncadd.s32 $0xFFFFFF80  }
0xf5: {  	_ =	swait.ge [sflag:s8], $0x80  }
0xf6: {  	[sflag:s8] =	ssyncset.done $0x0  }
0xf7: {  	[sflag:s8] =	ssyncadd.s32 $0xFFFFFF80  }
0xf8: {  	[spmem:s3] =	stream.indirect.scatter.add.f32 [tilespmem:s7], [sflag:$0x5], $0x1, s5, s0, $0xb8;
	[tilespmem:$0x3000] =	vst v63  }
.Ltmp0:
0xf9: {  	_ =	swait.ge [sflag:s9], $0x80;
	(pc) =	sbr.rel @p0 .LBB2_2-.Ltmp0, $4  }
0xfa: {  	[sflag:s9] =	ssyncset.done $0x0  }
0xfb: {  	[sflag:s9] =	ssyncadd.s32 $0xFFFFFF80  }
0xfc: {  	_ =	swait.ge [sflag:s10], $0x80  }
0xfd: {  	s13 =	smov.u32 s14;
	[sflag:s10] =	ssyncset.done $0x0  }
0xfe: {  	s12 =	sadd.s32 s12, s25;
	[sflag:s10] =	ssyncadd.s32 $0xFFFFFF80  }
0xff: {  	[tilespmem:s4], [sflag:$0x2] =	stream.linear.gather [hbm4b:s12+s4], $0x80, $0x38;
	[tilespmem:$0x3000] =	vst v63  }
0x100: {  	s13 =	sadd.s32 $0x10, s12  }
0x101: {  	[tilespmem:s0], [sflag:$0x3] =	stream.linear.gather [hbm4b:s13+s4], $0x80, $0x38;
	[tilespmem:$0x3000] =	vst v63  }
0x102: {  	s15 =	sadd.s32 $0x20, s12  }
0x103: {  	[tilespmem:s26], [sflag:$0x2] =	stream.linear.gather [hbm4b:s15+s4], $0x80, $0x38;
	[tilespmem:$0x3000] =	vst v63  }
0x104: {  	s12 =	sadd.s32 $0x30, s12  }
0x105: {  	[tilespmem:s5], [sflag:$0x3] =	stream.linear.gather [hbm4b:s12+s4], $0x80, $0x38;
	[tilespmem:$0x3000] =	vst v63  }
0x106: {  	_ =	swait.ge [sflag:s6], $0x80  }
0x107: {  	[sflag:s6] =	ssyncset.done $0x0  }
0x108: {  	[sflag:s6] =	ssyncadd.s32 $0xFFFFFF80  }
0x109: {  	[spmem:s3] =	stream.indirect.scatter.add.f32 [tilespmem:s7], [sflag:$0x4], $0x1, s4, s0, $0xb8;
	[tilespmem:$0x3000] =	vst v63  }
0x10a: {  	_ =	swait.ge [sflag:s8], $0x80  }
0x10b: {  	[sflag:s8] =	ssyncset.done $0x0  }
0x10c: {  	[sflag:s8] =	ssyncadd.s32 $0xFFFFFF80  }
0x10d: {  	[spmem:s3] =	stream.indirect.scatter.add.f32 [tilespmem:s7], [sflag:$0x5], $0x1, s0, s0, $0xb8;
	[tilespmem:$0x3000] =	vst v63  }
0x10e: {  	_ =	swait.ge [sflag:s9], $0x80  }
0x10f: {  	[sflag:s9] =	ssyncset.done $0x0  }
0x110: {  	[sflag:s9] =	ssyncadd.s32 $0xFFFFFF80  }
0x111: {  	_ =	swait.ge [sflag:s6], $0x80  }
0x112: {  	[sflag:s6] =	ssyncset.done $0x0  }
0x113: {  	[sflag:s6] =	ssyncadd.s32 $0xFFFFFF80  }
0x114: {  	[spmem:s3] =	stream.indirect.scatter.add.f32 [tilespmem:s7], [sflag:$0x4], $0x1, s26, s0, $0xb8;
	[tilespmem:$0x3000] =	vst v63  }
0x115: {  	_ =	swait.ge [sflag:s10], $0x80  }
0x116: {  	[sflag:s10] =	ssyncset.done $0x0  }
0x117: {  	[sflag:s10] =	ssyncadd.s32 $0xFFFFFF80  }
0x118: {  	_ =	swait.ge [sflag:s8], $0x80  }
0x119: {  	[sflag:s8] =	ssyncset.done $0x0  }
0x11a: {  	[sflag:s8] =	ssyncadd.s32 $0xFFFFFF80  }
0x11b: {  	[spmem:s3] =	stream.indirect.scatter.add.f32 [tilespmem:s7], [sflag:$0x5], $0x1, s5, s0, $0xb8;
	[tilespmem:$0x3000] =	vst v63  }
0x11c: {  	_ =	swait.ge [sflag:s9], $0x80  }
0x11d: {  	[sflag:s9] =	ssyncset.done $0x0  }
0x11e: {  	[sflag:s9] =	ssyncadd.s32 $0xFFFFFF80  }
0x11f: {  	s11 =	sadd.s32 $0x1, s11;
	_ =	swait.ge [sflag:s10], $0x80  }
0x120: {  	s14 =	stileid.u32;
	p0 =	sne.s32 s11, s24;
	[sflag:s10] =	ssyncset.done $0x0  }
0x121: {  	s15 =	sshrl.u32 s22, $0x3;
	s12 =	sshll.u32 s14, $0x6;
	[sflag:s10] =	ssyncadd.s32 $0xFFFFFF80  }
.Ltmp1:
0x122: {  	s12 =	sor.u32 $0x1C06, s12;
	[bflag:$0x0] =	sbarrier.arrive $0xFFFF;
	(pc) =	sbr.rel @p0 .LBB2_1-.Ltmp1, $4  }
0x123: {  	[hbm:s23], [sflag:s12] =	dma.local [spmem:s15], $0x50  }
0x124: {  	_ =	swait.ge [sflag:s28], $0x50  }
0x125: {  	[sflag:s28] =	ssyncset.done $0x0  }
0x126: {  	[sflag:s28] =	ssyncadd.s32 $0xFFFFFFB0  }
0x127: {  	_ =	sfence.sel $0x180000  }
0x128: {  	[bflag:$0x0] =	sbarrier.arrive $0xFFFF  }
0x129: {  	_ =	strace $0x90000047  }
0x12a: {  	s0 =	stileid.u32;
	[bflag:$0x2] =	sbarrier.arrive $0xFFFF  }
0x12b: {  	p0 =	sne.s32 s0, $0x0;
	s0 =	rddreg [dreg:$0x4]  }
0x12c: {  	s0 =	sadd.s32 @!p0 $0x100000, s0  }
0x12d: {  	[sflag:s0] =	ssyncadd.tile.s32 @!p0 $0x1;
	_ =	shalt  }
.Lfunc_end2:
_tile_overlayer_lowered:
.L_overlay_start_2:
0x12e: {  	(tag) =	ssettag $0x2  }
0x12f: {  	s0 =	rddreg [dreg:$0x0];
	s2 =	stileid.u32  }
0x130: {  	s1 =	rddreg [dreg:$0x1];
	p0 =	sne.s32 s2, $0x0  }
0x131: {  	s3 =	rddreg [dreg:$0x2];
	[bflag:$0x3] =	sbarrier.arrive $0xFFFF;
	s2 =	simm.s32 @!p0 $0x1C06  }
0x132: {  	[timem:s3], [sflag:s2] =	dma.local @!p0 [hbm:s0], s1  }
0x133: {  	s0 =	simm.s32 @!p0 $0x6  }
0x134: {  	_ =	swait.ge @!p0 [sflag:s0], s1  }
0x135: {  	s1 =	ssub.s32 @!p0 $0x0, s1;
	[sflag:s0] =	ssyncset.done @!p0 $0x0  }
0x136: {  	[sflag:s0] =	ssyncadd.s32 @!p0 s1  }
0x137: {  	[bflag:$0x3] =	sbarrier.arrive $0xFFFF  }
0x138: {  	_ =	shalt  }

</sc_bundles>
